<compile_context>
chip_gen: v7x
topology: tpu7x:2x2x1
jax: 0.10.2.dev20260603
libtpu: 0.0.44.dev20260713+nightly
codegen_flags: <defaults>
</compile_context>

<pallas_src>
import functools

import jax
import jax.numpy as jnp
from jax import lax
from jax.experimental import pallas as pl
from jax.experimental.pallas import tpu as pltpu
from jax.experimental.pallas import tpu_sc as plsc

N = 10000
E = 320000
D = 128
C = 129

NC = 2
NS = 16
NW = NC * NS

N_PAD = 10240
DUMMY = N
K = 128
NCH0 = 112
NCH1 = 46
NCHM = NCH0
E_PAD = NS * K * (NCH0 + NCH1)

BN = 1024
GRID = N_PAD // BN

_mesh = plsc.VectorSubcoreMesh(core_axis_name="c", subcore_axis_name="s")


@functools.partial(
    pl.kernel,
    out_type=[
        jax.ShapeDtypeStruct((NC, N_PAD), jnp.float32),
        jax.ShapeDtypeStruct((NC, N_PAD), jnp.float32),
    ],
    mesh=_mesh,
    scratch_types=[
        pltpu.VMEM((NCHM, K), jnp.int32),
        pltpu.VMEM((NCHM, K), jnp.int32),
        pltpu.VMEM((K,), jnp.float32),
        pltpu.VMEM((N_PAD // NS,), jnp.float32),
        pltpu.VMEM_SHARED((N_PAD,), jnp.float32),
        pltpu.VMEM_SHARED((N_PAD,), jnp.float32),
    ],
)
def _deg_kernel(src_hbm, dst_hbm, outs_hbm, outd_hbm,
                idx_s, idx_d, ones_v, zwin, acc_s, acc_d):
    c = lax.axis_index("c")
    s = lax.axis_index("s")
    cnt = jnp.where(c == 0, NCH0, NCH1)
    rpt = N_PAD // NS

    pltpu.sync_copy(src_hbm.at[c, s], idx_s)
    pltpu.sync_copy(dst_hbm.at[c, s], idx_d)

    ones = jnp.ones((16,), jnp.float32)
    zeros = jnp.zeros((16,), jnp.float32)

    def o_body(i, _):
        ones_v[pl.ds(i * 16, 16)] = ones
        return 0

    lax.fori_loop(0, K // 16, o_body, 0)

    def z_body(i, _):
        zwin[pl.ds(i * 16, 16)] = zeros
        return 0

    lax.fori_loop(0, rpt // 16, z_body, 0)
    pltpu.sync_copy(zwin, acc_s.at[pl.ds(s * rpt, rpt)])
    pltpu.sync_copy(zwin, acc_d.at[pl.ds(s * rpt, rpt)])
    plsc.subcore_barrier()

    def e_body(j, _):
        pltpu.sync_copy(ones_v, acc_s.at[idx_s.at[j]], add=True)
        pltpu.sync_copy(ones_v, acc_d.at[idx_d.at[j]], add=True)
        return 0

    lax.fori_loop(0, cnt, e_body, 0)
    plsc.subcore_barrier()

    pltpu.sync_copy(acc_s.at[pl.ds(s * rpt, rpt)], outs_hbm.at[c, pl.ds(s * rpt, rpt)])
    pltpu.sync_copy(acc_d.at[pl.ds(s * rpt, rpt)], outd_hbm.at[c, pl.ds(s * rpt, rpt)])


@functools.partial(
    pl.kernel,
    out_type=jax.ShapeDtypeStruct((NC, N_PAD, D), jnp.float32),
    mesh=_mesh,
    scratch_types=[
        pltpu.VMEM((NCHM, K), jnp.int32),
        pltpu.VMEM((NCHM, K), jnp.int32),
        pltpu.VMEM((K, D), jnp.float32),
        pltpu.VMEM_SHARED((N_PAD, D), jnp.float32),
        pltpu.SemaphoreType.DMA,
    ],
)
def _spmm_kernel(h_hbm, src_hbm, dst_hbm, out_hbm,
                 idx_s, idx_d, gbuf, acc, sem):
    c = lax.axis_index("c")
    s = lax.axis_index("s")
    cnt = jnp.where(c == 0, NCH0, NCH1)
    rows_per_tile = N_PAD // NS

    pltpu.sync_copy(src_hbm.at[c, s], idx_s)
    pltpu.sync_copy(dst_hbm.at[c, s], idx_d)

    zeros = jnp.zeros((16,), jnp.float32)

    def z_body(i, _):
        gbuf[i // (D // 16), pl.ds((i % (D // 16)) * 16, 16)] = zeros
        return 0

    lax.fori_loop(0, K * D // 16, z_body, 0)

    def zc_body(i, _):
        pltpu.sync_copy(gbuf, acc.at[pl.ds(s * rows_per_tile + i * K, K)])
        return 0

    lax.fori_loop(0, rows_per_tile // K, zc_body, 0)
    plsc.subcore_barrier()

    def body(j, _):
        pltpu.async_copy(h_hbm.at[idx_s.at[j]], gbuf, sem).wait()
        pltpu.sync_copy(gbuf, acc.at[idx_d.at[j]], add=True)
        return 0

    lax.fori_loop(0, cnt, body, 0)
    plsc.subcore_barrier()

    pltpu.sync_copy(
        acc.at[pl.ds(s * rows_per_tile, rows_per_tile)],
        out_hbm.at[c, pl.ds(s * rows_per_tile, rows_per_tile)],
    )


def _p0a_body(x_ref, wfc_ref, bfc_ref, g_ref):
    g_ref[...] = jnp.dot(x_ref[...], wfc_ref[...],
                         preferred_element_type=jnp.float32) + bfc_ref[...]


def _p0a(x, wfc, bfc):
    return pl.pallas_call(
        _p0a_body,
        grid=(GRID,),
        in_specs=[
            pl.BlockSpec((BN, D), lambda i: (i, 0)),
            pl.BlockSpec((D, D), lambda i: (0, 0)),
            pl.BlockSpec((1, D), lambda i: (0, 0)),
        ],
        out_specs=pl.BlockSpec((BN, D), lambda i: (i, 0)),
        out_shape=jax.ShapeDtypeStruct((N_PAD, D), jnp.float32),
    )(x, wfc, bfc)


def _p0b_body(g_ref, degs_ref, degd_ref, h1_ref, ns_ref, nd_ref):
    i = pl.program_id(0)
    ones2 = jnp.ones((NC, 1), jnp.float32)
    ds_col = lax.dot_general(degs_ref[...], ones2, (((0,), (0,)), ((), ())))
    dd_col = lax.dot_general(degd_ref[...], ones2, (((0,), (0,)), ((), ())))
    row = lax.broadcasted_iota(jnp.int32, (BN, 1), 0) + i * BN
    valid = row < N
    ns = jnp.where(valid, lax.rsqrt(jnp.clip(ds_col, 1.0, None)), 0.0)
    nd = jnp.where(valid, lax.rsqrt(jnp.clip(dd_col, 1.0, None)), 0.0)
    h1_ref[...] = g_ref[...] * ns
    ns_ref[...] = ns
    nd_ref[...] = nd


def _p0b(g, degs, degd):
    return pl.pallas_call(
        _p0b_body,
        grid=(GRID,),
        in_specs=[
            pl.BlockSpec((BN, D), lambda i: (i, 0)),
            pl.BlockSpec((NC, BN), lambda i: (0, i)),
            pl.BlockSpec((NC, BN), lambda i: (0, i)),
        ],
        out_specs=[
            pl.BlockSpec((BN, D), lambda i: (i, 0)),
            pl.BlockSpec((BN, 1), lambda i: (i, 0)),
            pl.BlockSpec((BN, 1), lambda i: (i, 0)),
        ],
        out_shape=[
            jax.ShapeDtypeStruct((N_PAD, D), jnp.float32),
            jax.ShapeDtypeStruct((N_PAD, 1), jnp.float32),
            jax.ShapeDtypeStruct((N_PAD, 1), jnp.float32),
        ],
    )(g, degs, degd)


def _leaky(x):
    return jnp.where(x >= 0, x, 0.01 * x)


def _pg_body(parts_ref, nd_ref, ns_ref, prev_ref, w_ref, b_ref, wg_ref, bg_ref,
             g_out_ref, h_out_ref):
    agg = (parts_ref[0] + parts_ref[1]) * nd_ref[...]
    x = _leaky(jnp.dot(agg, w_ref[...],
                       preferred_element_type=jnp.float32) + b_ref[...])
    t = jnp.dot(x, wg_ref[...], preferred_element_type=jnp.float32) + bg_ref[...]
    g = x * t + prev_ref[...] * (1.0 - t)
    g_out_ref[...] = g
    h_out_ref[...] = g * ns_ref[...]


def _pg(parts, nd, ns, prev, w, b, wg, bg):
    return pl.pallas_call(
        _pg_body,
        grid=(GRID,),
        in_specs=[
            pl.BlockSpec((NC, BN, D), lambda i: (0, i, 0)),
            pl.BlockSpec((BN, 1), lambda i: (i, 0)),
            pl.BlockSpec((BN, 1), lambda i: (i, 0)),
            pl.BlockSpec((BN, D), lambda i: (i, 0)),
            pl.BlockSpec((D, D), lambda i: (0, 0)),
            pl.BlockSpec((1, D), lambda i: (0, 0)),
            pl.BlockSpec((D, 1), lambda i: (0, 0)),
            pl.BlockSpec((1, 1), lambda i: (0, 0)),
        ],
        out_specs=[
            pl.BlockSpec((BN, D), lambda i: (i, 0)),
            pl.BlockSpec((BN, D), lambda i: (i, 0)),
        ],
        out_shape=[
            jax.ShapeDtypeStruct((N_PAD, D), jnp.float32),
            jax.ShapeDtypeStruct((N_PAD, D), jnp.float32),
        ],
    )(parts, nd, ns, prev, w, b, wg, bg)


def _p3_body(parts_ref, nd_ref, w_ref, b_ref, out_ref):
    agg = (parts_ref[0] + parts_ref[1]) * nd_ref[...]
    out_ref[...] = _leaky(
        jnp.dot(agg, w_ref[...],
                preferred_element_type=jnp.float32) + b_ref[...])[:, :C]


BN3 = 400


def _p3(parts, nd, w3p, b3p):
    return pl.pallas_call(
        _p3_body,
        grid=(N // BN3,),
        in_specs=[
            pl.BlockSpec((NC, BN3, D), lambda i: (0, i, 0)),
            pl.BlockSpec((BN3, 1), lambda i: (i, 0)),
            pl.BlockSpec((D, 256), lambda i: (0, 0)),
            pl.BlockSpec((1, 256), lambda i: (0, 0)),
        ],
        out_specs=pl.BlockSpec((BN3, C), lambda i: (i, 0)),
        out_shape=jax.ShapeDtypeStruct((N, C), jnp.float32),
    )(parts, nd, w3p, b3p)


def kernel(g_init_emb, edge_index, Wfc, bfc, W1, W2, b2, W3, b3, Wg1, bg1, Wg2, bg2):
    src = edge_index[0]
    dst = edge_index[1]

    def pack(e):
        e = jnp.concatenate([e, jnp.full((E_PAD - E,), DUMMY, jnp.int32)])
        e0 = e[: NS * NCH0 * K].reshape(1, NS, NCH0, K)
        e1 = e[NS * NCH0 * K:].reshape(1, NS, NCH1, K)
        e1 = jnp.pad(e1, ((0, 0), (0, 0), (0, NCHM - NCH1), (0, 0)),
                     constant_values=DUMMY)
        return jnp.concatenate([e0, e1], axis=0)

    src_r = pack(src)
    dst_r = pack(dst)

    x = jnp.pad(g_init_emb, ((0, N_PAD - N), (0, 0)))
    w3p = jnp.pad(W3, ((0, 0), (0, 256 - C)))
    b3p = jnp.pad(b3, ((0, 256 - C),)).reshape(1, 256)

    degs, degd = _deg_kernel(src_r, dst_r)
    g_feat = _p0a(x, Wfc, bfc.reshape(1, D))
    h1, ns, nd = _p0b(g_feat, degs, degd)

    parts1 = _spmm_kernel(h1, src_r, dst_r)
    g1, h2 = _pg(parts1, nd, ns, g_feat, W1, jnp.zeros((1, D), jnp.float32),
                 Wg1, bg1.reshape(1, 1))

    parts2 = _spmm_kernel(h2, src_r, dst_r)
    g2, h3 = _pg(parts2, nd, ns, g1, W2, b2.reshape(1, D), Wg2, bg2.reshape(1, 1))

    parts3 = _spmm_kernel(h3, src_r, dst_r)
    return _p3(parts3, nd, w3p, b3p)

# --- scband reference (transcript-rebuilt; emitter-appended) ---
"""Pipeline reference for scband-high-gcn-84327387890023 (READ-ONLY COPY).

The authoritative reference and input builder live on the scoring server;
editing this copy changes nothing except your own understanding.
"""

import jax, jax.numpy as jnp
import numpy as np

N = 10000
E = 320000
D = 128
C = 129


def setup_inputs(seed: int = 0) -> dict:
    key = jax.random.key(seed)
    ks = jax.random.split(key, 14)
    edge_index = jax.random.randint(ks[0], (2, E), 0, N, dtype=jnp.int32)
    g_init_emb = jax.random.normal(ks[1], (N, D), dtype=jnp.float32)
    s = 0.05
    return {
        "g_init_emb": g_init_emb,
        "edge_index": edge_index,
        "Wfc": jax.random.normal(ks[2], (D, D), dtype=jnp.float32) * s,
        "bfc": jax.random.normal(ks[3], (D,), dtype=jnp.float32) * s,
        "W1": jax.random.normal(ks[4], (D, D), dtype=jnp.float32) * s,
        "W2": jax.random.normal(ks[5], (D, D), dtype=jnp.float32) * s,
        "b2": jax.random.normal(ks[6], (D,), dtype=jnp.float32) * s,
        "W3": jax.random.normal(ks[7], (D, C), dtype=jnp.float32) * s,
        "b3": jax.random.normal(ks[8], (C,), dtype=jnp.float32) * s,
        "Wg1": jax.random.normal(ks[9], (D, 1), dtype=jnp.float32) * s,
        "bg1": jax.random.normal(ks[10], (1,), dtype=jnp.float32) * s,
        "Wg2": jax.random.normal(ks[11], (D, 1), dtype=jnp.float32) * s,
        "bg2": jax.random.normal(ks[12], (1,), dtype=jnp.float32) * s,
    }


def _graph_conv(x, src, dst, W, b):
    # DGL GraphConv, norm='both', allow_zero_in_degree=True (degrees clamped to >=1)
    ones = jnp.ones((src.shape[0],), dtype=x.dtype)
    out_deg = jnp.zeros((N,), dtype=x.dtype).at[src].add(ones)
    in_deg = jnp.zeros((N,), dtype=x.dtype).at[dst].add(ones)
    norm_src = jnp.power(jnp.clip(out_deg, 1.0, None), -0.5)
    norm_dst = jnp.power(jnp.clip(in_deg, 1.0, None), -0.5)
    h = x * norm_src[:, None]
    msg = jnp.take(h, src, axis=0)
    agg = jnp.zeros((N, x.shape[1]), dtype=x.dtype).at[dst].add(msg)
    agg = agg * norm_dst[:, None]
    out = agg @ W
    if b is not None:
        out = out + b
    # activation = nn.LeakyReLU() default negative_slope=0.01
    return jax.nn.leaky_relu(out, negative_slope=0.01)


def reference(g_init_emb, edge_index, Wfc, bfc, W1, W2, b2, W3, b3, Wg1, bg1, Wg2, bg2):
    src = edge_index[0]
    dst = edge_index[1]
    g_feat = g_init_emb @ Wfc + bfc
    # dropout is identity at inference
    gat_emb0 = _graph_conv(g_feat, src, dst, W1, None)
    t1 = gat_emb0 @ Wg1 + bg1
    gat_emb1 = gat_emb0 * t1 + g_feat * (1.0 - t1)
    gat_emb = _graph_conv(gat_emb1, src, dst, W2, b2)
    t2 = gat_emb @ Wg2 + bg2
    gat_emb = gat_emb * t2 + gat_emb1 * (1.0 - t2)
    prob_mat = _graph_conv(gat_emb, src, dst, W3, b3)
    return prob_mat

if __name__ == "__main__":
    import jax
    _d = setup_inputs()
    print(jax.jit(kernel)(*tuple(_d.values())))

</pallas_src>

<mosaic_0001>
#map = affine_map<(d0, d1) -> (0, 0)>
#map1 = affine_map<(d0, d1) -> (0, 0, 0, 0)>
#map2 = affine_map<(d0, d1) -> (0, 0, 0)>
module attributes {stable_mosaic.version = 14 : i64} {
  func.func @_spmm_kernel(%arg0: i32, %arg1: i32, %arg2: memref<10240x128xf32, #tpu.memory_space<hbm>>, %arg3: memref<2x16x112x128xi32, #tpu.memory_space<hbm>>, %arg4: memref<2x16x112x128xi32, #tpu.memory_space<hbm>>, %arg5: memref<2x10240x128xf32, #tpu.memory_space<hbm>>, %arg6: memref<112x128xi32, #tpu.memory_space<vmem>>, %arg7: memref<112x128xi32, #tpu.memory_space<vmem>>, %arg8: memref<128x128xf32, #tpu.memory_space<vmem>>, %arg9: memref<10240x128xf32, #tpu.memory_space<vmem_shared>>, %arg10: memref<!tpu.dma_semaphore, #tpu.memory_space<semaphore_mem>>) attributes {dimension_semantics = [#tpu.dimension_semantics<core_parallel>, #tpu.dimension_semantics<subcore_parallel>], iteration_bounds = array<i64: 2, 16>, scalar_prefetch = 0 : i64, scratch_operands = 5 : i64, tpu.core_type = #tpu.core_type<sc_vector_subcore>, window_params = [{transform_indices = #map}, {transform_indices = #map1}, {transform_indices = #map1}, {transform_indices = #map2}]} {
    %eq3A = arith.constant 0 : i32
    %eq3A_0 = arith.cmpi eq, %arg0, %eq3A : i32
    %jit3A = arith.constant 112 : i32
    %jit3A_1 = arith.constant 46 : i32
    %select_n3A = arith.select %eq3A_0, %jit3A, %jit3A_1 : i32
    "tpu.region"() ({
      %run_scoped3A = tpu.sem_alloc : memref<!tpu.dma_semaphore, #tpu.memory_space<semaphore_mem>>
      %dma_start3A = arith.constant 0 : i32
      %dma_start3A_31 = arith.constant 0 : i32
      %dma_start3A_32 = tpu.memref_slice %arg3[%arg0, %arg1, %dma_start3A, %dma_start3A_31] : memref<2x16x112x128xi32, #tpu.memory_space<hbm>> -> memref<1x1x112x128xi32, #tpu.memory_space<hbm>>
      %dma_start3A_33 = tpu.memref_squeeze %dma_start3A_32 : memref<1x1x112x128xi32, #tpu.memory_space<hbm>> -> memref<112x128xi32, #tpu.memory_space<hbm>>
      %dma_start3A_34 = arith.constant 0 : i32
      %dma_start3A_35 = arith.constant 0 : i32
      %dma_start3A_36 = tpu.memref_slice %arg3[%arg0, %arg1, %dma_start3A_34, %dma_start3A_35] : memref<2x16x112x128xi32, #tpu.memory_space<hbm>> -> memref<1x1x112x128xi32, #tpu.memory_space<hbm>>
      %dma_start3A_37 = tpu.memref_squeeze %dma_start3A_36 : memref<1x1x112x128xi32, #tpu.memory_space<hbm>> -> memref<112x128xi32, #tpu.memory_space<hbm>>
      tpu.enqueue_dma source(%dma_start3A_37 : memref<112x128xi32, #tpu.memory_space<hbm>>) target(%arg6 : memref<112x128xi32, #tpu.memory_space<vmem>>) target_semaphore(%run_scoped3A : memref<!tpu.dma_semaphore, #tpu.memory_space<semaphore_mem>>)
      %dma_wait3A = arith.constant 0 : i32
      %dma_wait3A_38 = arith.constant 0 : i32
      %dma_wait3A_39 = tpu.memref_slice %arg3[%arg0, %arg1, %dma_wait3A, %dma_wait3A_38] : memref<2x16x112x128xi32, #tpu.memory_space<hbm>> -> memref<1x1x112x128xi32, #tpu.memory_space<hbm>>
      %dma_wait3A_40 = tpu.memref_squeeze %dma_wait3A_39 : memref<1x1x112x128xi32, #tpu.memory_space<hbm>> -> memref<112x128xi32, #tpu.memory_space<hbm>>
      %dma_wait3A_41 = arith.constant 0 : i32
      %dma_wait3A_42 = arith.constant 0 : i32
      %dma_wait3A_43 = tpu.memref_slice %arg3[%arg0, %arg1, %dma_wait3A_41, %dma_wait3A_42] : memref<2x16x112x128xi32, #tpu.memory_space<hbm>> -> memref<1x1x112x128xi32, #tpu.memory_space<hbm>>
      %dma_wait3A_44 = tpu.memref_squeeze %dma_wait3A_43 : memref<1x1x112x128xi32, #tpu.memory_space<hbm>> -> memref<112x128xi32, #tpu.memory_space<hbm>>
      tpu.wait_dma2 semaphore(%run_scoped3A : memref<!tpu.dma_semaphore, #tpu.memory_space<semaphore_mem>>) src(%dma_wait3A_44 : memref<112x128xi32, #tpu.memory_space<hbm>>) dst(%arg6 : memref<112x128xi32, #tpu.memory_space<vmem>>)
      tpu.yield
    }) : () -> ()
    "tpu.region"() ({
      %run_scoped3A = tpu.sem_alloc : memref<!tpu.dma_semaphore, #tpu.memory_space<semaphore_mem>>
      %dma_start3A = arith.constant 0 : i32
      %dma_start3A_31 = arith.constant 0 : i32
      %dma_start3A_32 = tpu.memref_slice %arg4[%arg0, %arg1, %dma_start3A, %dma_start3A_31] : memref<2x16x112x128xi32, #tpu.memory_space<hbm>> -> memref<1x1x112x128xi32, #tpu.memory_space<hbm>>
      %dma_start3A_33 = tpu.memref_squeeze %dma_start3A_32 : memref<1x1x112x128xi32, #tpu.memory_space<hbm>> -> memref<112x128xi32, #tpu.memory_space<hbm>>
      %dma_start3A_34 = arith.constant 0 : i32
      %dma_start3A_35 = arith.constant 0 : i32
      %dma_start3A_36 = tpu.memref_slice %arg4[%arg0, %arg1, %dma_start3A_34, %dma_start3A_35] : memref<2x16x112x128xi32, #tpu.memory_space<hbm>> -> memref<1x1x112x128xi32, #tpu.memory_space<hbm>>
      %dma_start3A_37 = tpu.memref_squeeze %dma_start3A_36 : memref<1x1x112x128xi32, #tpu.memory_space<hbm>> -> memref<112x128xi32, #tpu.memory_space<hbm>>
      tpu.enqueue_dma source(%dma_start3A_37 : memref<112x128xi32, #tpu.memory_space<hbm>>) target(%arg7 : memref<112x128xi32, #tpu.memory_space<vmem>>) target_semaphore(%run_scoped3A : memref<!tpu.dma_semaphore, #tpu.memory_space<semaphore_mem>>)
      %dma_wait3A = arith.constant 0 : i32
      %dma_wait3A_38 = arith.constant 0 : i32
      %dma_wait3A_39 = tpu.memref_slice %arg4[%arg0, %arg1, %dma_wait3A, %dma_wait3A_38] : memref<2x16x112x128xi32, #tpu.memory_space<hbm>> -> memref<1x1x112x128xi32, #tpu.memory_space<hbm>>
      %dma_wait3A_40 = tpu.memref_squeeze %dma_wait3A_39 : memref<1x1x112x128xi32, #tpu.memory_space<hbm>> -> memref<112x128xi32, #tpu.memory_space<hbm>>
      %dma_wait3A_41 = arith.constant 0 : i32
      %dma_wait3A_42 = arith.constant 0 : i32
      %dma_wait3A_43 = tpu.memref_slice %arg4[%arg0, %arg1, %dma_wait3A_41, %dma_wait3A_42] : memref<2x16x112x128xi32, #tpu.memory_space<hbm>> -> memref<1x1x112x128xi32, #tpu.memory_space<hbm>>
      %dma_wait3A_44 = tpu.memref_squeeze %dma_wait3A_43 : memref<1x1x112x128xi32, #tpu.memory_space<hbm>> -> memref<112x128xi32, #tpu.memory_space<hbm>>
      tpu.wait_dma2 semaphore(%run_scoped3A : memref<!tpu.dma_semaphore, #tpu.memory_space<semaphore_mem>>) src(%dma_wait3A_44 : memref<112x128xi32, #tpu.memory_space<hbm>>) dst(%arg7 : memref<112x128xi32, #tpu.memory_space<vmem>>)
      tpu.yield
    }) : () -> ()
    %broadcast_in_dim3A = arith.constant 0.000000e+00 : f32
    %broadcast_in_dim3A_2 = vector.broadcast %broadcast_in_dim3A : f32 to vector<16xf32>
    %scan3A = arith.constant 0 : i32
    %scan3A_3 = arith.constant 0 : i32
    %scan3A_4 = arith.constant 1024 : i32
    %scan3A_5 = arith.addi %scan3A_3, %scan3A_4 : i32
    %scan3A_6 = arith.constant 1 : i32
    %scan3A_7 = scf.for %scan3A_31 = %scan3A_3 to %scan3A_5 step %scan3A_6 iter_args(%scan3A_32 = %scan3A) -> (i32)  : i32 {
      %jit3A_33 = arith.constant 8 : i32
      %div3A = arith.divsi %scan3A_31, %jit3A_33 : i32
      %sign3A = arith.constant 0 : i32
      %sign3A_34 = arith.cmpi sgt, %scan3A_31, %sign3A : i32
      %sign3A_35 = arith.extui %sign3A_34 : i1 to i32
      %sign3A_36 = arith.constant 0 : i32
      %sign3A_37 = arith.cmpi slt, %scan3A_31, %sign3A_36 : i32
      %sign3A_38 = arith.extui %sign3A_37 : i1 to i32
      %sign3A_39 = arith.subi %sign3A_35, %sign3A_38 : i32
      %sign3A_40 = arith.constant 0 : i32
      %sign3A_41 = arith.cmpi sgt, %jit3A_33, %sign3A_40 : i32
      %sign3A_42 = arith.extui %sign3A_41 : i1 to i32
      %sign3A_43 = arith.constant 0 : i32
      %sign3A_44 = arith.cmpi slt, %jit3A_33, %sign3A_43 : i32
      %sign3A_45 = arith.extui %sign3A_44 : i1 to i32
      %sign3A_46 = arith.subi %sign3A_42, %sign3A_45 : i32
      %ne3A = arith.cmpi ne, %sign3A_39, %sign3A_46 : i32
      %rem3A = arith.remsi %scan3A_31, %jit3A_33 : i32
      %ne3A_47 = arith.constant 0 : i32
      %ne3A_48 = arith.cmpi ne, %rem3A, %ne3A_47 : i32
      %and3A = arith.andi %ne3A, %ne3A_48 : i1
      %sub3A = arith.constant 1 : i32
      %sub3A_49 = arith.subi %div3A, %sub3A : i32
      %select_n3A_50 = arith.select %and3A, %sub3A_49, %div3A : i32
      %jit3A_51 = arith.constant 8 : i32
      %eq3A_52 = arith.constant 0 : i32
      %eq3A_53 = arith.cmpi eq, %jit3A_51, %eq3A_52 : i32
      %jit3A_54 = arith.constant 1 : i32
      %select_n3A_55 = arith.select %eq3A_53, %jit3A_54, %jit3A_51 : i32
      %rem3A_56 = arith.remsi %scan3A_31, %select_n3A_55 : i32
      %ne3A_57 = arith.constant 0 : i32
      %ne3A_58 = arith.cmpi ne, %rem3A_56, %ne3A_57 : i32
      %lt3A = arith.constant 0 : i32
      %lt3A_59 = arith.cmpi slt, %rem3A_56, %lt3A : i32
      %lt3A_60 = arith.constant 0 : i32
      %lt3A_61 = arith.cmpi slt, %select_n3A_55, %lt3A_60 : i32
      %ne3A_62 = arith.xori %lt3A_59, %lt3A_61 : i1
      %and3A_63 = arith.andi %ne3A_62, %ne3A_58 : i1
      %add3A = arith.addi %rem3A_56, %select_n3A_55 : i32
      %select_n3A_64 = arith.select %and3A_63, %add3A, %rem3A_56 : i32
      %mul3A_65 = arith.constant 16 : i32
      %mul3A_66 = arith.muli %select_n3A_64, %mul3A_65 : i32
      %swap3A = arith.index_cast %select_n3A_50 : i32 to index
      %swap3A_67 = arith.index_cast %mul3A_66 : i32 to index
      %swap3A_68 = tpu.vector_load %arg8[%swap3A, %swap3A_67] {strides = array<i32>} : memref<128x128xf32, #tpu.memory_space<vmem>>, vector<1x16xf32>,
      %swap3A_69 = vector.shape_cast %swap3A_68 : vector<1x16xf32> to vector<16xf32>
      %swap3A_70 = vector.shape_cast %broadcast_in_dim3A_2 : vector<16xf32> to vector<1x16xf32>
      tpu.vector_store %arg8[%swap3A, %swap3A_67], %swap3A_70 {strides = array<i32>} : memref<128x128xf32, #tpu.memory_space<vmem>>, vector<1x16xf32>,
      %scan3A_71 = arith.constant 0 : i32
      scf.yield %scan3A_71 : i32
    }
    %scan3A_8 = arith.constant 1024 : i32
    %scan3A_9 = arith.constant 0 : i32
    %scan3A_10 = arith.constant 0 : i32
    %scan3A_11 = arith.constant 5 : i32
    %scan3A_12 = arith.addi %scan3A_10, %scan3A_11 : i32
    %scan3A_13 = arith.constant 1 : i32
    %scan3A_14 = scf.for %scan3A_31 = %scan3A_10 to %scan3A_12 step %scan3A_13 iter_args(%scan3A_32 = %scan3A_9) -> (i32)  : i32 {
      %mul3A_33 = arith.constant 640 : i32
      %mul3A_34 = arith.muli %arg1, %mul3A_33 : i32
      %mul3A_35 = arith.constant 128 : i32
      %mul3A_36 = arith.muli %scan3A_31, %mul3A_35 : i32
      %add3A = arith.addi %mul3A_34, %mul3A_36 : i32
      "tpu.region"() ({
        %run_scoped3A = tpu.sem_alloc : memref<!tpu.dma_semaphore, #tpu.memory_space<semaphore_mem>>
        %dma_start3A = arith.constant 0 : i32
        %dma_start3A_38 = tpu.memref_slice %arg9[%add3A, %dma_start3A] : memref<10240x128xf32, #tpu.memory_space<vmem_shared>> -> memref<128x128xf32, #tpu.memory_space<vmem_shared>>
        %dma_start3A_39 = arith.constant 0 : i32
        %dma_start3A_40 = tpu.memref_slice %arg9[%add3A, %dma_start3A_39] : memref<10240x128xf32, #tpu.memory_space<vmem_shared>> -> memref<128x128xf32, #tpu.memory_space<vmem_shared>>
        tpu.enqueue_dma source(%arg8 : memref<128x128xf32, #tpu.memory_space<vmem>>) target(%dma_start3A_40 : memref<128x128xf32, #tpu.memory_space<vmem_shared>>) target_semaphore(%run_scoped3A : memref<!tpu.dma_semaphore, #tpu.memory_space<semaphore_mem>>)
        %dma_wait3A = arith.constant 0 : i32
        %dma_wait3A_41 = tpu.memref_slice %arg9[%add3A, %dma_wait3A] : memref<10240x128xf32, #tpu.memory_space<vmem_shared>> -> memref<128x128xf32, #tpu.memory_space<vmem_shared>>
        %dma_wait3A_42 = arith.constant 0 : i32
        %dma_wait3A_43 = tpu.memref_slice %arg9[%add3A, %dma_wait3A_42] : memref<10240x128xf32, #tpu.memory_space<vmem_shared>> -> memref<128x128xf32, #tpu.memory_space<vmem_shared>>
        tpu.wait_dma2 semaphore(%run_scoped3A : memref<!tpu.dma_semaphore, #tpu.memory_space<semaphore_mem>>) src(%arg8 : memref<128x128xf32, #tpu.memory_space<vmem>>) dst(%dma_wait3A_43 : memref<128x128xf32, #tpu.memory_space<vmem_shared>>)
        tpu.yield
      }) : () -> ()
      %scan3A_37 = arith.constant 0 : i32
      scf.yield %scan3A_37 : i32
    }
    %scan3A_15 = arith.constant 5 : i32
    %barrier3A = arith.constant 0 : index
    tpu.barrier barrier_id(%barrier3A)
    %while3A = arith.constant 0 : i32
    %while3A_16 = arith.constant 0 : i32
    %while3A_17 = arith.subi %select_n3A, %while3A : i32
    %while3A_18 = arith.addi %while3A, %while3A_17 : i32
    %while3A_19 = arith.constant 1 : i32
    %while3A_20 = arith.divsi %while3A_17, %while3A_19 : i32
    %while3A_21 = arith.muli %while3A_20, %while3A_19 : i32
    %while3A_22 = arith.addi %while3A, %while3A_21 : i32
    %while3A_23 = arith.constant 1 : i32
    %while3A_24 = scf.for %while3A_31 = %while3A to %while3A_22 step %while3A_23 iter_args(%while3A_32 = %while3A_16) -> (i32)  : i32 {
      %dma_start3A = arith.constant 0 : i32
      %dma_start3A_33 = tpu.memref_slice %arg6[%while3A_31, %dma_start3A] : memref<112x128xi32, #tpu.memory_space<vmem>> -> memref<1x128xi32, #tpu.memory_space<vmem>>
      %dma_start3A_34 = tpu.memref_squeeze %dma_start3A_33 : memref<1x128xi32, #tpu.memory_space<vmem>> -> memref<128xi32, #tpu.memory_space<vmem>>
      %dma_start3A_35 = arith.constant 0 : i32
      %dma_start3A_36 = arith.constant 0 : i32
      %dma_start3A_37 = tpu.memref_slice %arg2[%dma_start3A_35, %dma_start3A_36] : memref<10240x128xf32, #tpu.memory_space<hbm>> -> memref<10240x128xf32, #tpu.memory_space<hbm>>
      tpu.enqueue_indirect_dma source(%dma_start3A_37 : memref<10240x128xf32, #tpu.memory_space<hbm>>) target(%arg8 : memref<128x128xf32, #tpu.memory_space<vmem>>) offsets(%dma_start3A_34 : memref<128xi32, #tpu.memory_space<vmem>>) semaphore(%arg10 : memref<!tpu.dma_semaphore, #tpu.memory_space<semaphore_mem>>)
      %dma_wait3A = arith.constant 0 : i32
      %dma_wait3A_38 = tpu.memref_slice %arg6[%while3A_31, %dma_wait3A] : memref<112x128xi32, #tpu.memory_space<vmem>> -> memref<1x128xi32, #tpu.memory_space<vmem>>
      %dma_wait3A_39 = tpu.memref_squeeze %dma_wait3A_38 : memref<1x128xi32, #tpu.memory_space<vmem>> -> memref<128xi32, #tpu.memory_space<vmem>>
      %dma_wait3A_40 = arith.constant 0 : i32
      %dma_wait3A_41 = arith.constant 0 : i32
      %dma_wait3A_42 = tpu.memref_slice %arg2[%dma_wait3A_40, %dma_wait3A_41] : memref<10240x128xf32, #tpu.memory_space<hbm>> -> memref<10240x128xf32, #tpu.memory_space<hbm>>
      tpu.wait_indirect_dma semaphore(%arg10 : memref<!tpu.dma_semaphore, #tpu.memory_space<semaphore_mem>>) src(%dma_wait3A_42 : memref<10240x128xf32, #tpu.memory_space<hbm>>) dst(%arg8 : memref<128x128xf32, #tpu.memory_space<vmem>>)
      "tpu.region"() ({
        %run_scoped3A = tpu.sem_alloc : memref<!tpu.dma_semaphore, #tpu.memory_space<semaphore_mem>>
        %dma_start3A_44 = arith.constant 0 : i32
        %dma_start3A_45 = tpu.memref_slice %arg7[%while3A_31, %dma_start3A_44] : memref<112x128xi32, #tpu.memory_space<vmem>> -> memref<1x128xi32, #tpu.memory_space<vmem>>
        %dma_start3A_46 = tpu.memref_squeeze %dma_start3A_45 : memref<1x128xi32, #tpu.memory_space<vmem>> -> memref<128xi32, #tpu.memory_space<vmem>>
        %dma_start3A_47 = arith.constant 0 : i32
        %dma_start3A_48 = arith.constant 0 : i32
        %dma_start3A_49 = tpu.memref_slice %arg9[%dma_start3A_47, %dma_start3A_48] : memref<10240x128xf32, #tpu.memory_space<vmem_shared>> -> memref<10240x128xf32, #tpu.memory_space<vmem_shared>>
        tpu.enqueue_indirect_dma source(%arg8 : memref<128x128xf32, #tpu.memory_space<vmem>>) target(%dma_start3A_49 : memref<10240x128xf32, #tpu.memory_space<vmem_shared>>) offsets(%dma_start3A_46 : memref<128xi32, #tpu.memory_space<vmem>>) semaphore(%run_scoped3A : memref<!tpu.dma_semaphore, #tpu.memory_space<semaphore_mem>>) {add = true}
        %dma_wait3A_50 = arith.constant 0 : i32
        %dma_wait3A_51 = tpu.memref_slice %arg7[%while3A_31, %dma_wait3A_50] : memref<112x128xi32, #tpu.memory_space<vmem>> -> memref<1x128xi32, #tpu.memory_space<vmem>>
        %dma_wait3A_52 = tpu.memref_squeeze %dma_wait3A_51 : memref<1x128xi32, #tpu.memory_space<vmem>> -> memref<128xi32, #tpu.memory_space<vmem>>
        %dma_wait3A_53 = arith.constant 0 : i32
        %dma_wait3A_54 = arith.constant 0 : i32
        %dma_wait3A_55 = tpu.memref_slice %arg9[%dma_wait3A_53, %dma_wait3A_54] : memref<10240x128xf32, #tpu.memory_space<vmem_shared>> -> memref<10240x128xf32, #tpu.memory_space<vmem_shared>>
        tpu.wait_indirect_dma semaphore(%run_scoped3A : memref<!tpu.dma_semaphore, #tpu.memory_space<semaphore_mem>>) src(%arg8 : memref<128x128xf32, #tpu.memory_space<vmem>>) dst(%dma_wait3A_55 : memref<10240x128xf32, #tpu.memory_space<vmem_shared>>)
        tpu.yield
      }) : () -> ()
      %while3A_43 = arith.constant 0 : i32
      scf.yield %while3A_43 : i32
    }
    %while3A_25 = arith.constant 1 : i32
    %while3A_26 = scf.for %while3A_31 = %while3A_22 to %while3A_18 step %while3A_25 iter_args(%while3A_32 = %while3A_24) -> (i32)  : i32 {
      %dma_start3A = arith.constant 0 : i32
      %dma_start3A_33 = tpu.memref_slice %arg6[%while3A_31, %dma_start3A] : memref<112x128xi32, #tpu.memory_space<vmem>> -> memref<1x128xi32, #tpu.memory_space<vmem>>
      %dma_start3A_34 = tpu.memref_squeeze %dma_start3A_33 : memref<1x128xi32, #tpu.memory_space<vmem>> -> memref<128xi32, #tpu.memory_space<vmem>>
      %dma_start3A_35 = arith.constant 0 : i32
      %dma_start3A_36 = arith.constant 0 : i32
      %dma_start3A_37 = tpu.memref_slice %arg2[%dma_start3A_35, %dma_start3A_36] : memref<10240x128xf32, #tpu.memory_space<hbm>> -> memref<10240x128xf32, #tpu.memory_space<hbm>>
      tpu.enqueue_indirect_dma source(%dma_start3A_37 : memref<10240x128xf32, #tpu.memory_space<hbm>>) target(%arg8 : memref<128x128xf32, #tpu.memory_space<vmem>>) offsets(%dma_start3A_34 : memref<128xi32, #tpu.memory_space<vmem>>) semaphore(%arg10 : memref<!tpu.dma_semaphore, #tpu.memory_space<semaphore_mem>>)
      %dma_wait3A = arith.constant 0 : i32
      %dma_wait3A_38 = tpu.memref_slice %arg6[%while3A_31, %dma_wait3A] : memref<112x128xi32, #tpu.memory_space<vmem>> -> memref<1x128xi32, #tpu.memory_space<vmem>>
      %dma_wait3A_39 = tpu.memref_squeeze %dma_wait3A_38 : memref<1x128xi32, #tpu.memory_space<vmem>> -> memref<128xi32, #tpu.memory_space<vmem>>
      %dma_wait3A_40 = arith.constant 0 : i32
      %dma_wait3A_41 = arith.constant 0 : i32
      %dma_wait3A_42 = tpu.memref_slice %arg2[%dma_wait3A_40, %dma_wait3A_41] : memref<10240x128xf32, #tpu.memory_space<hbm>> -> memref<10240x128xf32, #tpu.memory_space<hbm>>
      tpu.wait_indirect_dma semaphore(%arg10 : memref<!tpu.dma_semaphore, #tpu.memory_space<semaphore_mem>>) src(%dma_wait3A_42 : memref<10240x128xf32, #tpu.memory_space<hbm>>) dst(%arg8 : memref<128x128xf32, #tpu.memory_space<vmem>>)
      "tpu.region"() ({
        %run_scoped3A = tpu.sem_alloc : memref<!tpu.dma_semaphore, #tpu.memory_space<semaphore_mem>>
        %dma_start3A_44 = arith.constant 0 : i32
        %dma_start3A_45 = tpu.memref_slice %arg7[%while3A_31, %dma_start3A_44] : memref<112x128xi32, #tpu.memory_space<vmem>> -> memref<1x128xi32, #tpu.memory_space<vmem>>
        %dma_start3A_46 = tpu.memref_squeeze %dma_start3A_45 : memref<1x128xi32, #tpu.memory_space<vmem>> -> memref<128xi32, #tpu.memory_space<vmem>>
        %dma_start3A_47 = arith.constant 0 : i32
        %dma_start3A_48 = arith.constant 0 : i32
        %dma_start3A_49 = tpu.memref_slice %arg9[%dma_start3A_47, %dma_start3A_48] : memref<10240x128xf32, #tpu.memory_space<vmem_shared>> -> memref<10240x128xf32, #tpu.memory_space<vmem_shared>>
        tpu.enqueue_indirect_dma source(%arg8 : memref<128x128xf32, #tpu.memory_space<vmem>>) target(%dma_start3A_49 : memref<10240x128xf32, #tpu.memory_space<vmem_shared>>) offsets(%dma_start3A_46 : memref<128xi32, #tpu.memory_space<vmem>>) semaphore(%run_scoped3A : memref<!tpu.dma_semaphore, #tpu.memory_space<semaphore_mem>>) {add = true}
        %dma_wait3A_50 = arith.constant 0 : i32
        %dma_wait3A_51 = tpu.memref_slice %arg7[%while3A_31, %dma_wait3A_50] : memref<112x128xi32, #tpu.memory_space<vmem>> -> memref<1x128xi32, #tpu.memory_space<vmem>>
        %dma_wait3A_52 = tpu.memref_squeeze %dma_wait3A_51 : memref<1x128xi32, #tpu.memory_space<vmem>> -> memref<128xi32, #tpu.memory_space<vmem>>
        %dma_wait3A_53 = arith.constant 0 : i32
        %dma_wait3A_54 = arith.constant 0 : i32
        %dma_wait3A_55 = tpu.memref_slice %arg9[%dma_wait3A_53, %dma_wait3A_54] : memref<10240x128xf32, #tpu.memory_space<vmem_shared>> -> memref<10240x128xf32, #tpu.memory_space<vmem_shared>>
        tpu.wait_indirect_dma semaphore(%run_scoped3A : memref<!tpu.dma_semaphore, #tpu.memory_space<semaphore_mem>>) src(%arg8 : memref<128x128xf32, #tpu.memory_space<vmem>>) dst(%dma_wait3A_55 : memref<10240x128xf32, #tpu.memory_space<vmem_shared>>)
        tpu.yield
      }) : () -> ()
      %while3A_43 = arith.constant 0 : i32
      scf.yield %while3A_43 : i32
    }
    %barrier3A_27 = arith.constant 0 : index
    tpu.barrier barrier_id(%barrier3A_27)
    %mul3A = arith.constant 640 : i32
    %mul3A_28 = arith.muli %arg1, %mul3A : i32
    %mul3A_29 = arith.constant 640 : i32
    %mul3A_30 = arith.muli %arg1, %mul3A_29 : i32
    "tpu.region"() ({
      %run_scoped3A = tpu.sem_alloc : memref<!tpu.dma_semaphore, #tpu.memory_space<semaphore_mem>>
      %dma_start3A = arith.constant 0 : i32
      %dma_start3A_31 = tpu.memref_slice %arg5[%arg0, %mul3A_30, %dma_start3A] : memref<2x10240x128xf32, #tpu.memory_space<hbm>> -> memref<1x640x128xf32, #tpu.memory_space<hbm>>
      %dma_start3A_32 = tpu.memref_squeeze %dma_start3A_31 : memref<1x640x128xf32, #tpu.memory_space<hbm>> -> memref<640x128xf32, #tpu.memory_space<hbm>>
      %dma_start3A_33 = arith.constant 0 : i32
      %dma_start3A_34 = tpu.memref_slice %arg9[%mul3A_28, %dma_start3A_33] : memref<10240x128xf32, #tpu.memory_space<vmem_shared>> -> memref<640x128xf32, #tpu.memory_space<vmem_shared>>
      tpu.enqueue_dma source(%dma_start3A_34 : memref<640x128xf32, #tpu.memory_space<vmem_shared>>) target(%dma_start3A_32 : memref<640x128xf32, #tpu.memory_space<hbm>>) target_semaphore(%run_scoped3A : memref<!tpu.dma_semaphore, #tpu.memory_space<semaphore_mem>>)
      %dma_wait3A = arith.constant 0 : i32
      %dma_wait3A_35 = tpu.memref_slice %arg5[%arg0, %mul3A_30, %dma_wait3A] : memref<2x10240x128xf32, #tpu.memory_space<hbm>> -> memref<1x640x128xf32, #tpu.memory_space<hbm>>
      %dma_wait3A_36 = tpu.memref_squeeze %dma_wait3A_35 : memref<1x640x128xf32, #tpu.memory_space<hbm>> -> memref<640x128xf32, #tpu.memory_space<hbm>>
      %dma_wait3A_37 = arith.constant 0 : i32
      %dma_wait3A_38 = tpu.memref_slice %arg9[%mul3A_28, %dma_wait3A_37] : memref<10240x128xf32, #tpu.memory_space<vmem_shared>> -> memref<640x128xf32, #tpu.memory_space<vmem_shared>>
      tpu.wait_dma2 semaphore(%run_scoped3A : memref<!tpu.dma_semaphore, #tpu.memory_space<semaphore_mem>>) src(%dma_wait3A_38 : memref<640x128xf32, #tpu.memory_space<vmem_shared>>) dst(%dma_wait3A_36 : memref<640x128xf32, #tpu.memory_space<hbm>>)
      tpu.yield
    }) : () -> ()
    return
  }
}

#map = affine_map<(d0, d1) -> (0, 0)>
#map1 = affine_map<(d0, d1) -> (0, 0, 0, 0)>
#map2 = affine_map<(d0, d1) -> (0, 0, 0)>
module attributes {stable_mosaic.version = 14 : i64} {
  func.func @_spmm_kernel(%arg0: i32, %arg1: i32, %arg2: memref<10240x128xf32, #tpu.memory_space<hbm>>, %arg3: memref<2x16x112x128xi32, #tpu.memory_space<hbm>>, %arg4: memref<2x16x112x128xi32, #tpu.memory_space<hbm>>, %arg5: memref<2x10240x128xf32, #tpu.memory_space<hbm>>, %arg6: memref<112x128xi32, #tpu.memory_space<vmem>>, %arg7: memref<112x128xi32, #tpu.memory_space<vmem>>, %arg8: memref<128x128xf32, #tpu.memory_space<vmem>>, %arg9: memref<10240x128xf32, #tpu.memory_space<vmem_shared>>, %arg10: memref<!tpu.dma_semaphore, #tpu.memory_space<semaphore_mem>>) attributes {dimension_semantics = [#tpu.dimension_semantics<core_parallel>, #tpu.dimension_semantics<subcore_parallel>], iteration_bounds = array<i64: 2, 16>, scalar_prefetch = 0 : i64, scratch_operands = 5 : i64, tpu.core_type = #tpu.core_type<sc_vector_subcore>, window_params = [{transform_indices = #map}, {transform_indices = #map1}, {transform_indices = #map1}, {transform_indices = #map2}]} {
    %eq3A = arith.constant 0 : i32
    %eq3A_0 = arith.cmpi eq, %arg0, %eq3A : i32
    %jit3A = arith.constant 112 : i32
    %jit3A_1 = arith.constant 46 : i32
    %select_n3A = arith.select %eq3A_0, %jit3A, %jit3A_1 : i32
    "tpu.region"() ({
      %run_scoped3A = tpu.sem_alloc : memref<!tpu.dma_semaphore, #tpu.memory_space<semaphore_mem>>
      %dma_start3A = arith.constant 0 : i32
      %dma_start3A_31 = arith.constant 0 : i32
      %dma_start3A_32 = tpu.memref_slice %arg3[%arg0, %arg1, %dma_start3A, %dma_start3A_31] : memref<2x16x112x128xi32, #tpu.memory_space<hbm>> -> memref<1x1x112x128xi32, #tpu.memory_space<hbm>>
      %dma_start3A_33 = tpu.memref_squeeze %dma_start3A_32 : memref<1x1x112x128xi32, #tpu.memory_space<hbm>> -> memref<112x128xi32, #tpu.memory_space<hbm>>
      %dma_start3A_34 = arith.constant 0 : i32
      %dma_start3A_35 = arith.constant 0 : i32
      %dma_start3A_36 = tpu.memref_slice %arg3[%arg0, %arg1, %dma_start3A_34, %dma_start3A_35] : memref<2x16x112x128xi32, #tpu.memory_space<hbm>> -> memref<1x1x112x128xi32, #tpu.memory_space<hbm>>
      %dma_start3A_37 = tpu.memref_squeeze %dma_start3A_36 : memref<1x1x112x128xi32, #tpu.memory_space<hbm>> -> memref<112x128xi32, #tpu.memory_space<hbm>>
      tpu.enqueue_dma source(%dma_start3A_37 : memref<112x128xi32, #tpu.memory_space<hbm>>) target(%arg6 : memref<112x128xi32, #tpu.memory_space<vmem>>) target_semaphore(%run_scoped3A : memref<!tpu.dma_semaphore, #tpu.memory_space<semaphore_mem>>)
      %dma_wait3A = arith.constant 0 : i32
      %dma_wait3A_38 = arith.constant 0 : i32
      %dma_wait3A_39 = tpu.memref_slice %arg3[%arg0, %arg1, %dma_wait3A, %dma_wait3A_38] : memref<2x16x112x128xi32, #tpu.memory_space<hbm>> -> memref<1x1x112x128xi32, #tpu.memory_space<hbm>>
      %dma_wait3A_40 = tpu.memref_squeeze %dma_wait3A_39 : memref<1x1x112x128xi32, #tpu.memory_space<hbm>> -> memref<112x128xi32, #tpu.memory_space<hbm>>
      %dma_wait3A_41 = arith.constant 0 : i32
      %dma_wait3A_42 = arith.constant 0 : i32
      %dma_wait3A_43 = tpu.memref_slice %arg3[%arg0, %arg1, %dma_wait3A_41, %dma_wait3A_42] : memref<2x16x112x128xi32, #tpu.memory_space<hbm>> -> memref<1x1x112x128xi32, #tpu.memory_space<hbm>>
      %dma_wait3A_44 = tpu.memref_squeeze %dma_wait3A_43 : memref<1x1x112x128xi32, #tpu.memory_space<hbm>> -> memref<112x128xi32, #tpu.memory_space<hbm>>
      tpu.wait_dma2 semaphore(%run_scoped3A : memref<!tpu.dma_semaphore, #tpu.memory_space<semaphore_mem>>) src(%dma_wait3A_44 : memref<112x128xi32, #tpu.memory_space<hbm>>) dst(%arg6 : memref<112x128xi32, #tpu.memory_space<vmem>>)
      tpu.yield
    }) : () -> ()
    "tpu.region"() ({
      %run_scoped3A = tpu.sem_alloc : memref<!tpu.dma_semaphore, #tpu.memory_space<semaphore_mem>>
      %dma_start3A = arith.constant 0 : i32
      %dma_start3A_31 = arith.constant 0 : i32
      %dma_start3A_32 = tpu.memref_slice %arg4[%arg0, %arg1, %dma_start3A, %dma_start3A_31] : memref<2x16x112x128xi32, #tpu.memory_space<hbm>> -> memref<1x1x112x128xi32, #tpu.memory_space<hbm>>
      %dma_start3A_33 = tpu.memref_squeeze %dma_start3A_32 : memref<1x1x112x128xi32, #tpu.memory_space<hbm>> -> memref<112x128xi32, #tpu.memory_space<hbm>>
      %dma_start3A_34 = arith.constant 0 : i32
      %dma_start3A_35 = arith.constant 0 : i32
      %dma_start3A_36 = tpu.memref_slice %arg4[%arg0, %arg1, %dma_start3A_34, %dma_start3A_35] : memref<2x16x112x128xi32, #tpu.memory_space<hbm>> -> memref<1x1x112x128xi32, #tpu.memory_space<hbm>>
      %dma_start3A_37 = tpu.memref_squeeze %dma_start3A_36 : memref<1x1x112x128xi32, #tpu.memory_space<hbm>> -> memref<112x128xi32, #tpu.memory_space<hbm>>
      tpu.enqueue_dma source(%dma_start3A_37 : memref<112x128xi32, #tpu.memory_space<hbm>>) target(%arg7 : memref<112x128xi32, #tpu.memory_space<vmem>>) target_semaphore(%run_scoped3A : memref<!tpu.dma_semaphore, #tpu.memory_space<semaphore_mem>>)
      %dma_wait3A = arith.constant 0 : i32
      %dma_wait3A_38 = arith.constant 0 : i32
      %dma_wait3A_39 = tpu.memref_slice %arg4[%arg0, %arg1, %dma_wait3A, %dma_wait3A_38] : memref<2x16x112x128xi32, #tpu.memory_space<hbm>> -> memref<1x1x112x128xi32, #tpu.memory_space<hbm>>
      %dma_wait3A_40 = tpu.memref_squeeze %dma_wait3A_39 : memref<1x1x112x128xi32, #tpu.memory_space<hbm>> -> memref<112x128xi32, #tpu.memory_space<hbm>>
      %dma_wait3A_41 = arith.constant 0 : i32
      %dma_wait3A_42 = arith.constant 0 : i32
      %dma_wait3A_43 = tpu.memref_slice %arg4[%arg0, %arg1, %dma_wait3A_41, %dma_wait3A_42] : memref<2x16x112x128xi32, #tpu.memory_space<hbm>> -> memref<1x1x112x128xi32, #tpu.memory_space<hbm>>
      %dma_wait3A_44 = tpu.memref_squeeze %dma_wait3A_43 : memref<1x1x112x128xi32, #tpu.memory_space<hbm>> -> memref<112x128xi32, #tpu.memory_space<hbm>>
      tpu.wait_dma2 semaphore(%run_scoped3A : memref<!tpu.dma_semaphore, #tpu.memory_space<semaphore_mem>>) src(%dma_wait3A_44 : memref<112x128xi32, #tpu.memory_space<hbm>>) dst(%arg7 : memref<112x128xi32, #tpu.memory_space<vmem>>)
      tpu.yield
    }) : () -> ()
    %broadcast_in_dim3A = arith.constant 0.000000e+00 : f32
    %broadcast_in_dim3A_2 = vector.broadcast %broadcast_in_dim3A : f32 to vector<16xf32>
    %scan3A = arith.constant 0 : i32
    %scan3A_3 = arith.constant 0 : i32
    %scan3A_4 = arith.constant 1024 : i32
    %scan3A_5 = arith.addi %scan3A_3, %scan3A_4 : i32
    %scan3A_6 = arith.constant 1 : i32
    %scan3A_7 = scf.for %scan3A_31 = %scan3A_3 to %scan3A_5 step %scan3A_6 iter_args(%scan3A_32 = %scan3A) -> (i32)  : i32 {
      %jit3A_33 = arith.constant 8 : i32
      %div3A = arith.divsi %scan3A_31, %jit3A_33 : i32
      %sign3A = arith.constant 0 : i32
      %sign3A_34 = arith.cmpi sgt, %scan3A_31, %sign3A : i32
      %sign3A_35 = arith.extui %sign3A_34 : i1 to i32
      %sign3A_36 = arith.constant 0 : i32
      %sign3A_37 = arith.cmpi slt, %scan3A_31, %sign3A_36 : i32
      %sign3A_38 = arith.extui %sign3A_37 : i1 to i32
      %sign3A_39 = arith.subi %sign3A_35, %sign3A_38 : i32
      %sign3A_40 = arith.constant 0 : i32
      %sign3A_41 = arith.cmpi sgt, %jit3A_33, %sign3A_40 : i32
      %sign3A_42 = arith.extui %sign3A_41 : i1 to i32
      %sign3A_43 = arith.constant 0 : i32
      %sign3A_44 = arith.cmpi slt, %jit3A_33, %sign3A_43 : i32
      %sign3A_45 = arith.extui %sign3A_44 : i1 to i32
      %sign3A_46 = arith.subi %sign3A_42, %sign3A_45 : i32
      %ne3A = arith.cmpi ne, %sign3A_39, %sign3A_46 : i32
      %rem3A = arith.remsi %scan3A_31, %jit3A_33 : i32
      %ne3A_47 = arith.constant 0 : i32
      %ne3A_48 = arith.cmpi ne, %rem3A, %ne3A_47 : i32
      %and3A = arith.andi %ne3A, %ne3A_48 : i1
      %sub3A = arith.constant 1 : i32
      %sub3A_49 = arith.subi %div3A, %sub3A : i32
      %select_n3A_50 = arith.select %and3A, %sub3A_49, %div3A : i32
      %jit3A_51 = arith.constant 8 : i32
      %eq3A_52 = arith.constant 0 : i32
      %eq3A_53 = arith.cmpi eq, %jit3A_51, %eq3A_52 : i32
      %jit3A_54 = arith.constant 1 : i32
      %select_n3A_55 = arith.select %eq3A_53, %jit3A_54, %jit3A_51 : i32
      %rem3A_56 = arith.remsi %scan3A_31, %select_n3A_55 : i32
      %ne3A_57 = arith.constant 0 : i32
      %ne3A_58 = arith.cmpi ne, %rem3A_56, %ne3A_57 : i32
      %lt3A = arith.constant 0 : i32
      %lt3A_59 = arith.cmpi slt, %rem3A_56, %lt3A : i32
      %lt3A_60 = arith.constant 0 : i32
      %lt3A_61 = arith.cmpi slt, %select_n3A_55, %lt3A_60 : i32
      %ne3A_62 = arith.xori %lt3A_59, %lt3A_61 : i1
      %and3A_63 = arith.andi %ne3A_62, %ne3A_58 : i1
      %add3A = arith.addi %rem3A_56, %select_n3A_55 : i32
      %select_n3A_64 = arith.select %and3A_63, %add3A, %rem3A_56 : i32
      %mul3A_65 = arith.constant 16 : i32
      %mul3A_66 = arith.muli %select_n3A_64, %mul3A_65 : i32
      %swap3A = arith.index_cast %select_n3A_50 : i32 to index
      %swap3A_67 = arith.index_cast %mul3A_66 : i32 to index
      %swap3A_68 = tpu.vector_load %arg8[%swap3A, %swap3A_67] {strides = array<i32>} : memref<128x128xf32, #tpu.memory_space<vmem>>, vector<1x16xf32>,
      %swap3A_69 = vector.shape_cast %swap3A_68 : vector<1x16xf32> to vector<16xf32>
      %swap3A_70 = vector.shape_cast %broadcast_in_dim3A_2 : vector<16xf32> to vector<1x16xf32>
      tpu.vector_store %arg8[%swap3A, %swap3A_67], %swap3A_70 {strides = array<i32>} : memref<128x128xf32, #tpu.memory_space<vmem>>, vector<1x16xf32>,
      %scan3A_71 = arith.constant 0 : i32
      scf.yield %scan3A_71 : i32
    }
    %scan3A_8 = arith.constant 1024 : i32
    %scan3A_9 = arith.constant 0 : i32
    %scan3A_10 = arith.constant 0 : i32
    %scan3A_11 = arith.constant 5 : i32
    %scan3A_12 = arith.addi %scan3A_10, %scan3A_11 : i32
    %scan3A_13 = arith.constant 1 : i32
    %scan3A_14 = scf.for %scan3A_31 = %scan3A_10 to %scan3A_12 step %scan3A_13 iter_args(%scan3A_32 = %scan3A_9) -> (i32)  : i32 {
      %mul3A_33 = arith.constant 640 : i32
      %mul3A_34 = arith.muli %arg1, %mul3A_33 : i32
      %mul3A_35 = arith.constant 128 : i32
      %mul3A_36 = arith.muli %scan3A_31, %mul3A_35 : i32
      %add3A = arith.addi %mul3A_34, %mul3A_36 : i32
      "tpu.region"() ({
        %run_scoped3A = tpu.sem_alloc : memref<!tpu.dma_semaphore, #tpu.memory_space<semaphore_mem>>
        %dma_start3A = arith.constant 0 : i32
        %dma_start3A_38 = tpu.memref_slice %arg9[%add3A, %dma_start3A] : memref<10240x128xf32, #tpu.memory_space<vmem_shared>> -> memref<128x128xf32, #tpu.memory_space<vmem_shared>>
        %dma_start3A_39 = arith.constant 0 : i32
        %dma_start3A_40 = tpu.memref_slice %arg9[%add3A, %dma_start3A_39] : memref<10240x128xf32, #tpu.memory_space<vmem_shared>> -> memref<128x128xf32, #tpu.memory_space<vmem_shared>>
        tpu.enqueue_dma source(%arg8 : memref<128x128xf32, #tpu.memory_space<vmem>>) target(%dma_start3A_40 : memref<128x128xf32, #tpu.memory_space<vmem_shared>>) target_semaphore(%run_scoped3A : memref<!tpu.dma_semaphore, #tpu.memory_space<semaphore_mem>>)
        %dma_wait3A = arith.constant 0 : i32
        %dma_wait3A_41 = tpu.memref_slice %arg9[%add3A, %dma_wait3A] : memref<10240x128xf32, #tpu.memory_space<vmem_shared>> -> memref<128x128xf32, #tpu.memory_space<vmem_shared>>
        %dma_wait3A_42 = arith.constant 0 : i32
        %dma_wait3A_43 = tpu.memref_slice %arg9[%add3A, %dma_wait3A_42] : memref<10240x128xf32, #tpu.memory_space<vmem_shared>> -> memref<128x128xf32, #tpu.memory_space<vmem_shared>>
        tpu.wait_dma2 semaphore(%run_scoped3A : memref<!tpu.dma_semaphore, #tpu.memory_space<semaphore_mem>>) src(%arg8 : memref<128x128xf32, #tpu.memory_space<vmem>>) dst(%dma_wait3A_43 : memref<128x128xf32, #tpu.memory_space<vmem_shared>>)
        tpu.yield
      }) : () -> ()
      %scan3A_37 = arith.constant 0 : i32
      scf.yield %scan3A_37 : i32
    }
    %scan3A_15 = arith.constant 5 : i32
    %barrier3A = arith.constant 0 : index
    tpu.barrier barrier_id(%barrier3A)
    %while3A = arith.constant 0 : i32
    %while3A_16 = arith.constant 0 : i32
    %while3A_17 = arith.subi %select_n3A, %while3A : i32
    %while3A_18 = arith.addi %while3A, %while3A_17 : i32
    %while3A_19 = arith.constant 1 : i32
    %while3A_20 = arith.divsi %while3A_17, %while3A_19 : i32
    %while3A_21 = arith.muli %while3A_20, %while3A_19 : i32
    %while3A_22 = arith.addi %while3A, %while3A_21 : i32
    %while3A_23 = arith.constant 1 : i32
    %while3A_24 = scf.for %while3A_31 = %while3A to %while3A_22 step %while3A_23 iter_args(%while3A_32 = %while3A_16) -> (i32)  : i32 {
      %dma_start3A = arith.constant 0 : i32
      %dma_start3A_33 = tpu.memref_slice %arg6[%while3A_31, %dma_start3A] : memref<112x128xi32, #tpu.memory_space<vmem>> -> memref<1x128xi32, #tpu.memory_space<vmem>>
      %dma_start3A_34 = tpu.memref_squeeze %dma_start3A_33 : memref<1x128xi32, #tpu.memory_space<vmem>> -> memref<128xi32, #tpu.memory_space<vmem>>
      %dma_start3A_35 = arith.constant 0 : i32
      %dma_start3A_36 = arith.constant 0 : i32
      %dma_start3A_37 = tpu.memref_slice %arg2[%dma_start3A_35, %dma_start3A_36] : memref<10240x128xf32, #tpu.memory_space<hbm>> -> memref<10240x128xf32, #tpu.memory_space<hbm>>
      tpu.enqueue_indirect_dma source(%dma_start3A_37 : memref<10240x128xf32, #tpu.memory_space<hbm>>) target(%arg8 : memref<128x128xf32, #tpu.memory_space<vmem>>) offsets(%dma_start3A_34 : memref<128xi32, #tpu.memory_space<vmem>>) semaphore(%arg10 : memref<!tpu.dma_semaphore, #tpu.memory_space<semaphore_mem>>)
      %dma_wait3A = arith.constant 0 : i32
      %dma_wait3A_38 = tpu.memref_slice %arg6[%while3A_31, %dma_wait3A] : memref<112x128xi32, #tpu.memory_space<vmem>> -> memref<1x128xi32, #tpu.memory_space<vmem>>
      %dma_wait3A_39 = tpu.memref_squeeze %dma_wait3A_38 : memref<1x128xi32, #tpu.memory_space<vmem>> -> memref<128xi32, #tpu.memory_space<vmem>>
      %dma_wait3A_40 = arith.constant 0 : i32
      %dma_wait3A_41 = arith.constant 0 : i32
      %dma_wait3A_42 = tpu.memref_slice %arg2[%dma_wait3A_40, %dma_wait3A_41] : memref<10240x128xf32, #tpu.memory_space<hbm>> -> memref<10240x128xf32, #tpu.memory_space<hbm>>
      tpu.wait_indirect_dma semaphore(%arg10 : memref<!tpu.dma_semaphore, #tpu.memory_space<semaphore_mem>>) src(%dma_wait3A_42 : memref<10240x128xf32, #tpu.memory_space<hbm>>) dst(%arg8 : memref<128x128xf32, #tpu.memory_space<vmem>>)
      "tpu.region"() ({
        %run_scoped3A = tpu.sem_alloc : memref<!tpu.dma_semaphore, #tpu.memory_space<semaphore_mem>>
        %dma_start3A_44 = arith.constant 0 : i32
        %dma_start3A_45 = tpu.memref_slice %arg7[%while3A_31, %dma_start3A_44] : memref<112x128xi32, #tpu.memory_space<vmem>> -> memref<1x128xi32, #tpu.memory_space<vmem>>
        %dma_start3A_46 = tpu.memref_squeeze %dma_start3A_45 : memref<1x128xi32, #tpu.memory_space<vmem>> -> memref<128xi32, #tpu.memory_space<vmem>>
        %dma_start3A_47 = arith.constant 0 : i32
        %dma_start3A_48 = arith.constant 0 : i32
        %dma_start3A_49 = tpu.memref_slice %arg9[%dma_start3A_47, %dma_start3A_48] : memref<10240x128xf32, #tpu.memory_space<vmem_shared>> -> memref<10240x128xf32, #tpu.memory_space<vmem_shared>>
        tpu.enqueue_indirect_dma source(%arg8 : memref<128x128xf32, #tpu.memory_space<vmem>>) target(%dma_start3A_49 : memref<10240x128xf32, #tpu.memory_space<vmem_shared>>) offsets(%dma_start3A_46 : memref<128xi32, #tpu.memory_space<vmem>>) semaphore(%run_scoped3A : memref<!tpu.dma_semaphore, #tpu.memory_space<semaphore_mem>>) {add = true}
        %dma_wait3A_50 = arith.constant 0 : i32
        %dma_wait3A_51 = tpu.memref_slice %arg7[%while3A_31, %dma_wait3A_50] : memref<112x128xi32, #tpu.memory_space<vmem>> -> memref<1x128xi32, #tpu.memory_space<vmem>>
        %dma_wait3A_52 = tpu.memref_squeeze %dma_wait3A_51 : memref<1x128xi32, #tpu.memory_space<vmem>> -> memref<128xi32, #tpu.memory_space<vmem>>
        %dma_wait3A_53 = arith.constant 0 : i32
        %dma_wait3A_54 = arith.constant 0 : i32
        %dma_wait3A_55 = tpu.memref_slice %arg9[%dma_wait3A_53, %dma_wait3A_54] : memref<10240x128xf32, #tpu.memory_space<vmem_shared>> -> memref<10240x128xf32, #tpu.memory_space<vmem_shared>>
        tpu.wait_indirect_dma semaphore(%run_scoped3A : memref<!tpu.dma_semaphore, #tpu.memory_space<semaphore_mem>>) src(%arg8 : memref<128x128xf32, #tpu.memory_space<vmem>>) dst(%dma_wait3A_55 : memref<10240x128xf32, #tpu.memory_space<vmem_shared>>)
        tpu.yield
      }) : () -> ()
      %while3A_43 = arith.constant 0 : i32
      scf.yield %while3A_43 : i32
    }
    %while3A_25 = arith.constant 1 : i32
    %while3A_26 = scf.for %while3A_31 = %while3A_22 to %while3A_18 step %while3A_25 iter_args(%while3A_32 = %while3A_24) -> (i32)  : i32 {
      %dma_start3A = arith.constant 0 : i32
      %dma_start3A_33 = tpu.memref_slice %arg6[%while3A_31, %dma_start3A] : memref<112x128xi32, #tpu.memory_space<vmem>> -> memref<1x128xi32, #tpu.memory_space<vmem>>
      %dma_start3A_34 = tpu.memref_squeeze %dma_start3A_33 : memref<1x128xi32, #tpu.memory_space<vmem>> -> memref<128xi32, #tpu.memory_space<vmem>>
      %dma_start3A_35 = arith.constant 0 : i32
      %dma_start3A_36 = arith.constant 0 : i32
      %dma_start3A_37 = tpu.memref_slice %arg2[%dma_start3A_35, %dma_start3A_36] : memref<10240x128xf32, #tpu.memory_space<hbm>> -> memref<10240x128xf32, #tpu.memory_space<hbm>>
      tpu.enqueue_indirect_dma source(%dma_start3A_37 : memref<10240x128xf32, #tpu.memory_space<hbm>>) target(%arg8 : memref<128x128xf32, #tpu.memory_space<vmem>>) offsets(%dma_start3A_34 : memref<128xi32, #tpu.memory_space<vmem>>) semaphore(%arg10 : memref<!tpu.dma_semaphore, #tpu.memory_space<semaphore_mem>>)
      %dma_wait3A = arith.constant 0 : i32
      %dma_wait3A_38 = tpu.memref_slice %arg6[%while3A_31, %dma_wait3A] : memref<112x128xi32, #tpu.memory_space<vmem>> -> memref<1x128xi32, #tpu.memory_space<vmem>>
      %dma_wait3A_39 = tpu.memref_squeeze %dma_wait3A_38 : memref<1x128xi32, #tpu.memory_space<vmem>> -> memref<128xi32, #tpu.memory_space<vmem>>
      %dma_wait3A_40 = arith.constant 0 : i32
      %dma_wait3A_41 = arith.constant 0 : i32
      %dma_wait3A_42 = tpu.memref_slice %arg2[%dma_wait3A_40, %dma_wait3A_41] : memref<10240x128xf32, #tpu.memory_space<hbm>> -> memref<10240x128xf32, #tpu.memory_space<hbm>>
      tpu.wait_indirect_dma semaphore(%arg10 : memref<!tpu.dma_semaphore, #tpu.memory_space<semaphore_mem>>) src(%dma_wait3A_42 : memref<10240x128xf32, #tpu.memory_space<hbm>>) dst(%arg8 : memref<128x128xf32, #tpu.memory_space<vmem>>)
      "tpu.region"() ({
        %run_scoped3A = tpu.sem_alloc : memref<!tpu.dma_semaphore, #tpu.memory_space<semaphore_mem>>
        %dma_start3A_44 = arith.constant 0 : i32
        %dma_start3A_45 = tpu.memref_slice %arg7[%while3A_31, %dma_start3A_44] : memref<112x128xi32, #tpu.memory_space<vmem>> -> memref<1x128xi32, #tpu.memory_space<vmem>>
        %dma_start3A_46 = tpu.memref_squeeze %dma_start3A_45 : memref<1x128xi32, #tpu.memory_space<vmem>> -> memref<128xi32, #tpu.memory_space<vmem>>
        %dma_start3A_47 = arith.constant 0 : i32
        %dma_start3A_48 = arith.constant 0 : i32
        %dma_start3A_49 = tpu.memref_slice %arg9[%dma_start3A_47, %dma_start3A_48] : memref<10240x128xf32, #tpu.memory_space<vmem_shared>> -> memref<10240x128xf32, #tpu.memory_space<vmem_shared>>
        tpu.enqueue_indirect_dma source(%arg8 : memref<128x128xf32, #tpu.memory_space<vmem>>) target(%dma_start3A_49 : memref<10240x128xf32, #tpu.memory_space<vmem_shared>>) offsets(%dma_start3A_46 : memref<128xi32, #tpu.memory_space<vmem>>) semaphore(%run_scoped3A : memref<!tpu.dma_semaphore, #tpu.memory_space<semaphore_mem>>) {add = true}
        %dma_wait3A_50 = arith.constant 0 : i32
        %dma_wait3A_51 = tpu.memref_slice %arg7[%while3A_31, %dma_wait3A_50] : memref<112x128xi32, #tpu.memory_space<vmem>> -> memref<1x128xi32, #tpu.memory_space<vmem>>
        %dma_wait3A_52 = tpu.memref_squeeze %dma_wait3A_51 : memref<1x128xi32, #tpu.memory_space<vmem>> -> memref<128xi32, #tpu.memory_space<vmem>>
        %dma_wait3A_53 = arith.constant 0 : i32
        %dma_wait3A_54 = arith.constant 0 : i32
        %dma_wait3A_55 = tpu.memref_slice %arg9[%dma_wait3A_53, %dma_wait3A_54] : memref<10240x128xf32, #tpu.memory_space<vmem_shared>> -> memref<10240x128xf32, #tpu.memory_space<vmem_shared>>
        tpu.wait_indirect_dma semaphore(%run_scoped3A : memref<!tpu.dma_semaphore, #tpu.memory_space<semaphore_mem>>) src(%arg8 : memref<128x128xf32, #tpu.memory_space<vmem>>) dst(%dma_wait3A_55 : memref<10240x128xf32, #tpu.memory_space<vmem_shared>>)
        tpu.yield
      }) : () -> ()
      %while3A_43 = arith.constant 0 : i32
      scf.yield %while3A_43 : i32
    }
    %barrier3A_27 = arith.constant 0 : index
    tpu.barrier barrier_id(%barrier3A_27)
    %mul3A = arith.constant 640 : i32
    %mul3A_28 = arith.muli %arg1, %mul3A : i32
    %mul3A_29 = arith.constant 640 : i32
    %mul3A_30 = arith.muli %arg1, %mul3A_29 : i32
    "tpu.region"() ({
      %run_scoped3A = tpu.sem_alloc : memref<!tpu.dma_semaphore, #tpu.memory_space<semaphore_mem>>
      %dma_start3A = arith.constant 0 : i32
      %dma_start3A_31 = tpu.memref_slice %arg5[%arg0, %mul3A_30, %dma_start3A] : memref<2x10240x128xf32, #tpu.memory_space<hbm>> -> memref<1x640x128xf32, #tpu.memory_space<hbm>>
      %dma_start3A_32 = tpu.memref_squeeze %dma_start3A_31 : memref<1x640x128xf32, #tpu.memory_space<hbm>> -> memref<640x128xf32, #tpu.memory_space<hbm>>
      %dma_start3A_33 = arith.constant 0 : i32
      %dma_start3A_34 = tpu.memref_slice %arg9[%mul3A_28, %dma_start3A_33] : memref<10240x128xf32, #tpu.memory_space<vmem_shared>> -> memref<640x128xf32, #tpu.memory_space<vmem_shared>>
      tpu.enqueue_dma source(%dma_start3A_34 : memref<640x128xf32, #tpu.memory_space<vmem_shared>>) target(%dma_start3A_32 : memref<640x128xf32, #tpu.memory_space<hbm>>) target_semaphore(%run_scoped3A : memref<!tpu.dma_semaphore, #tpu.memory_space<semaphore_mem>>)
      %dma_wait3A = arith.constant 0 : i32
      %dma_wait3A_35 = tpu.memref_slice %arg5[%arg0, %mul3A_30, %dma_wait3A] : memref<2x10240x128xf32, #tpu.memory_space<hbm>> -> memref<1x640x128xf32, #tpu.memory_space<hbm>>
      %dma_wait3A_36 = tpu.memref_squeeze %dma_wait3A_35 : memref<1x640x128xf32, #tpu.memory_space<hbm>> -> memref<640x128xf32, #tpu.memory_space<hbm>>
      %dma_wait3A_37 = arith.constant 0 : i32
      %dma_wait3A_38 = tpu.memref_slice %arg9[%mul3A_28, %dma_wait3A_37] : memref<10240x128xf32, #tpu.memory_space<vmem_shared>> -> memref<640x128xf32, #tpu.memory_space<vmem_shared>>
      tpu.wait_dma2 semaphore(%run_scoped3A : memref<!tpu.dma_semaphore, #tpu.memory_space<semaphore_mem>>) src(%dma_wait3A_38 : memref<640x128xf32, #tpu.memory_space<vmem_shared>>) dst(%dma_wait3A_36 : memref<640x128xf32, #tpu.memory_space<hbm>>)
      tpu.yield
    }) : () -> ()
    return
  }
}

#map = affine_map<(d0, d1) -> (0, 0, 0, 0)>
#map1 = affine_map<(d0, d1) -> (0, 0)>
module attributes {stable_mosaic.version = 14 : i64} {
  func.func @_deg_kernel(%arg0: i32, %arg1: i32, %arg2: memref<2x16x112x128xi32, #tpu.memory_space<hbm>>, %arg3: memref<2x16x112x128xi32, #tpu.memory_space<hbm>>, %arg4: memref<2x10240xf32, #tpu.memory_space<hbm>>, %arg5: memref<2x10240xf32, #tpu.memory_space<hbm>>, %arg6: memref<112x128xi32, #tpu.memory_space<vmem>>, %arg7: memref<112x128xi32, #tpu.memory_space<vmem>>, %arg8: memref<128xf32, #tpu.memory_space<vmem>>, %arg9: memref<640xf32, #tpu.memory_space<vmem>>, %arg10: memref<10240xf32, #tpu.memory_space<vmem_shared>>, %arg11: memref<10240xf32, #tpu.memory_space<vmem_shared>>) attributes {dimension_semantics = [#tpu.dimension_semantics<core_parallel>, #tpu.dimension_semantics<subcore_parallel>], iteration_bounds = array<i64: 2, 16>, scalar_prefetch = 0 : i64, scratch_operands = 6 : i64, tpu.core_type = #tpu.core_type<sc_vector_subcore>, window_params = [{transform_indices = #map}, {transform_indices = #map}, {transform_indices = #map1}, {transform_indices = #map1}]} {
    %eq3A = arith.constant 0 : i32
    %eq3A_0 = arith.cmpi eq, %arg0, %eq3A : i32
    %jit3A = arith.constant 112 : i32
    %jit3A_1 = arith.constant 46 : i32
    %select_n3A = arith.select %eq3A_0, %jit3A, %jit3A_1 : i32
    "tpu.region"() ({
      %run_scoped3A = tpu.sem_alloc : memref<!tpu.dma_semaphore, #tpu.memory_space<semaphore_mem>>
      %dma_start3A = arith.constant 0 : i32
      %dma_start3A_41 = arith.constant 0 : i32
      %dma_start3A_42 = tpu.memref_slice %arg2[%arg0, %arg1, %dma_start3A, %dma_start3A_41] : memref<2x16x112x128xi32, #tpu.memory_space<hbm>> -> memref<1x1x112x128xi32, #tpu.memory_space<hbm>>
      %dma_start3A_43 = tpu.memref_squeeze %dma_start3A_42 : memref<1x1x112x128xi32, #tpu.memory_space<hbm>> -> memref<112x128xi32, #tpu.memory_space<hbm>>
      %dma_start3A_44 = arith.constant 0 : i32
      %dma_start3A_45 = arith.constant 0 : i32
      %dma_start3A_46 = tpu.memref_slice %arg2[%arg0, %arg1, %dma_start3A_44, %dma_start3A_45] : memref<2x16x112x128xi32, #tpu.memory_space<hbm>> -> memref<1x1x112x128xi32, #tpu.memory_space<hbm>>
      %dma_start3A_47 = tpu.memref_squeeze %dma_start3A_46 : memref<1x1x112x128xi32, #tpu.memory_space<hbm>> -> memref<112x128xi32, #tpu.memory_space<hbm>>
      tpu.enqueue_dma source(%dma_start3A_47 : memref<112x128xi32, #tpu.memory_space<hbm>>) target(%arg6 : memref<112x128xi32, #tpu.memory_space<vmem>>) target_semaphore(%run_scoped3A : memref<!tpu.dma_semaphore, #tpu.memory_space<semaphore_mem>>)
      %dma_wait3A = arith.constant 0 : i32
      %dma_wait3A_48 = arith.constant 0 : i32
      %dma_wait3A_49 = tpu.memref_slice %arg2[%arg0, %arg1, %dma_wait3A, %dma_wait3A_48] : memref<2x16x112x128xi32, #tpu.memory_space<hbm>> -> memref<1x1x112x128xi32, #tpu.memory_space<hbm>>
      %dma_wait3A_50 = tpu.memref_squeeze %dma_wait3A_49 : memref<1x1x112x128xi32, #tpu.memory_space<hbm>> -> memref<112x128xi32, #tpu.memory_space<hbm>>
      %dma_wait3A_51 = arith.constant 0 : i32
      %dma_wait3A_52 = arith.constant 0 : i32
      %dma_wait3A_53 = tpu.memref_slice %arg2[%arg0, %arg1, %dma_wait3A_51, %dma_wait3A_52] : memref<2x16x112x128xi32, #tpu.memory_space<hbm>> -> memref<1x1x112x128xi32, #tpu.memory_space<hbm>>
      %dma_wait3A_54 = tpu.memref_squeeze %dma_wait3A_53 : memref<1x1x112x128xi32, #tpu.memory_space<hbm>> -> memref<112x128xi32, #tpu.memory_space<hbm>>
      tpu.wait_dma2 semaphore(%run_scoped3A : memref<!tpu.dma_semaphore, #tpu.memory_space<semaphore_mem>>) src(%dma_wait3A_54 : memref<112x128xi32, #tpu.memory_space<hbm>>) dst(%arg6 : memref<112x128xi32, #tpu.memory_space<vmem>>)
      tpu.yield
    }) : () -> ()
    "tpu.region"() ({
      %run_scoped3A = tpu.sem_alloc : memref<!tpu.dma_semaphore, #tpu.memory_space<semaphore_mem>>
      %dma_start3A = arith.constant 0 : i32
      %dma_start3A_41 = arith.constant 0 : i32
      %dma_start3A_42 = tpu.memref_slice %arg3[%arg0, %arg1, %dma_start3A, %dma_start3A_41] : memref<2x16x112x128xi32, #tpu.memory_space<hbm>> -> memref<1x1x112x128xi32, #tpu.memory_space<hbm>>
      %dma_start3A_43 = tpu.memref_squeeze %dma_start3A_42 : memref<1x1x112x128xi32, #tpu.memory_space<hbm>> -> memref<112x128xi32, #tpu.memory_space<hbm>>
      %dma_start3A_44 = arith.constant 0 : i32
      %dma_start3A_45 = arith.constant 0 : i32
      %dma_start3A_46 = tpu.memref_slice %arg3[%arg0, %arg1, %dma_start3A_44, %dma_start3A_45] : memref<2x16x112x128xi32, #tpu.memory_space<hbm>> -> memref<1x1x112x128xi32, #tpu.memory_space<hbm>>
      %dma_start3A_47 = tpu.memref_squeeze %dma_start3A_46 : memref<1x1x112x128xi32, #tpu.memory_space<hbm>> -> memref<112x128xi32, #tpu.memory_space<hbm>>
      tpu.enqueue_dma source(%dma_start3A_47 : memref<112x128xi32, #tpu.memory_space<hbm>>) target(%arg7 : memref<112x128xi32, #tpu.memory_space<vmem>>) target_semaphore(%run_scoped3A : memref<!tpu.dma_semaphore, #tpu.memory_space<semaphore_mem>>)
      %dma_wait3A = arith.constant 0 : i32
      %dma_wait3A_48 = arith.constant 0 : i32
      %dma_wait3A_49 = tpu.memref_slice %arg3[%arg0, %arg1, %dma_wait3A, %dma_wait3A_48] : memref<2x16x112x128xi32, #tpu.memory_space<hbm>> -> memref<1x1x112x128xi32, #tpu.memory_space<hbm>>
      %dma_wait3A_50 = tpu.memref_squeeze %dma_wait3A_49 : memref<1x1x112x128xi32, #tpu.memory_space<hbm>> -> memref<112x128xi32, #tpu.memory_space<hbm>>
      %dma_wait3A_51 = arith.constant 0 : i32
      %dma_wait3A_52 = arith.constant 0 : i32
      %dma_wait3A_53 = tpu.memref_slice %arg3[%arg0, %arg1, %dma_wait3A_51, %dma_wait3A_52] : memref<2x16x112x128xi32, #tpu.memory_space<hbm>> -> memref<1x1x112x128xi32, #tpu.memory_space<hbm>>
      %dma_wait3A_54 = tpu.memref_squeeze %dma_wait3A_53 : memref<1x1x112x128xi32, #tpu.memory_space<hbm>> -> memref<112x128xi32, #tpu.memory_space<hbm>>
      tpu.wait_dma2 semaphore(%run_scoped3A : memref<!tpu.dma_semaphore, #tpu.memory_space<semaphore_mem>>) src(%dma_wait3A_54 : memref<112x128xi32, #tpu.memory_space<hbm>>) dst(%arg7 : memref<112x128xi32, #tpu.memory_space<vmem>>)
      tpu.yield
    }) : () -> ()
    %broadcast_in_dim3A = arith.constant 1.000000e+00 : f32
    %broadcast_in_dim3A_2 = vector.broadcast %broadcast_in_dim3A : f32 to vector<16xf32>
    %broadcast_in_dim3A_3 = arith.constant 0.000000e+00 : f32
    %broadcast_in_dim3A_4 = vector.broadcast %broadcast_in_dim3A_3 : f32 to vector<16xf32>
    %scan3A = arith.constant 0 : i32
    %scan3A_5 = arith.constant 0 : i32
    %scan3A_6 = arith.constant 8 : i32
    %scan3A_7 = arith.addi %scan3A_5, %scan3A_6 : i32
    %scan3A_8 = arith.constant 1 : i32
    %scan3A_9 = scf.for %scan3A_41 = %scan3A_5 to %scan3A_7 step %scan3A_8 iter_args(%scan3A_42 = %scan3A) -> (i32)  : i32 {
      %mul3A_43 = arith.constant 16 : i32
      %mul3A_44 = arith.muli %scan3A_41, %mul3A_43 : i32
      %swap3A = arith.index_cast %mul3A_44 : i32 to index
      %swap3A_45 = tpu.vector_load %arg8[%swap3A] {strides = array<i32>} : memref<128xf32, #tpu.memory_space<vmem>>, vector<16xf32>,
      %swap3A_46 = vector.shape_cast %swap3A_45 : vector<16xf32> to vector<16xf32>
      %swap3A_47 = vector.shape_cast %broadcast_in_dim3A_2 : vector<16xf32> to vector<16xf32>
      tpu.vector_store %arg8[%swap3A], %swap3A_47 {strides = array<i32>} : memref<128xf32, #tpu.memory_space<vmem>>, vector<16xf32>,
      %scan3A_48 = arith.constant 0 : i32
      scf.yield %scan3A_48 : i32
    }
    %scan3A_10 = arith.constant 8 : i32
    %scan3A_11 = arith.constant 0 : i32
    %scan3A_12 = arith.constant 0 : i32
    %scan3A_13 = arith.constant 40 : i32
    %scan3A_14 = arith.addi %scan3A_12, %scan3A_13 : i32
    %scan3A_15 = arith.constant 1 : i32
    %scan3A_16 = scf.for %scan3A_41 = %scan3A_12 to %scan3A_14 step %scan3A_15 iter_args(%scan3A_42 = %scan3A_11) -> (i32)  : i32 {
      %mul3A_43 = arith.constant 16 : i32
      %mul3A_44 = arith.muli %scan3A_41, %mul3A_43 : i32
      %swap3A = arith.index_cast %mul3A_44 : i32 to index
      %swap3A_45 = tpu.vector_load %arg9[%swap3A] {strides = array<i32>} : memref<640xf32, #tpu.memory_space<vmem>>, vector<16xf32>,
      %swap3A_46 = vector.shape_cast %swap3A_45 : vector<16xf32> to vector<16xf32>
      %swap3A_47 = vector.shape_cast %broadcast_in_dim3A_4 : vector<16xf32> to vector<16xf32>
      tpu.vector_store %arg9[%swap3A], %swap3A_47 {strides = array<i32>} : memref<640xf32, #tpu.memory_space<vmem>>, vector<16xf32>,
      %scan3A_48 = arith.constant 0 : i32
      scf.yield %scan3A_48 : i32
    }
    %scan3A_17 = arith.constant 40 : i32
    %mul3A = arith.constant 640 : i32
    %mul3A_18 = arith.muli %arg1, %mul3A : i32
    "tpu.region"() ({
      %run_scoped3A = tpu.sem_alloc : memref<!tpu.dma_semaphore, #tpu.memory_space<semaphore_mem>>
      %dma_start3A = tpu.memref_slice %arg10[%mul3A_18] : memref<10240xf32, #tpu.memory_space<vmem_shared>> -> memref<640xf32, #tpu.memory_space<vmem_shared>>
      %dma_start3A_41 = tpu.memref_slice %arg10[%mul3A_18] : memref<10240xf32, #tpu.memory_space<vmem_shared>> -> memref<640xf32, #tpu.memory_space<vmem_shared>>
      tpu.enqueue_dma source(%arg9 : memref<640xf32, #tpu.memory_space<vmem>>) target(%dma_start3A_41 : memref<640xf32, #tpu.memory_space<vmem_shared>>) target_semaphore(%run_scoped3A : memref<!tpu.dma_semaphore, #tpu.memory_space<semaphore_mem>>)
      %dma_wait3A = tpu.memref_slice %arg10[%mul3A_18] : memref<10240xf32, #tpu.memory_space<vmem_shared>> -> memref<640xf32, #tpu.memory_space<vmem_shared>>
      %dma_wait3A_42 = tpu.memref_slice %arg10[%mul3A_18] : memref<10240xf32, #tpu.memory_space<vmem_shared>> -> memref<640xf32, #tpu.memory_space<vmem_shared>>
      tpu.wait_dma2 semaphore(%run_scoped3A : memref<!tpu.dma_semaphore, #tpu.memory_space<semaphore_mem>>) src(%arg9 : memref<640xf32, #tpu.memory_space<vmem>>) dst(%dma_wait3A_42 : memref<640xf32, #tpu.memory_space<vmem_shared>>)
      tpu.yield
    }) : () -> ()
    %mul3A_19 = arith.constant 640 : i32
    %mul3A_20 = arith.muli %arg1, %mul3A_19 : i32
    "tpu.region"() ({
      %run_scoped3A = tpu.sem_alloc : memref<!tpu.dma_semaphore, #tpu.memory_space<semaphore_mem>>
      %dma_start3A = tpu.memref_slice %arg11[%mul3A_20] : memref<10240xf32, #tpu.memory_space<vmem_shared>> -> memref<640xf32, #tpu.memory_space<vmem_shared>>
      %dma_start3A_41 = tpu.memref_slice %arg11[%mul3A_20] : memref<10240xf32, #tpu.memory_space<vmem_shared>> -> memref<640xf32, #tpu.memory_space<vmem_shared>>
      tpu.enqueue_dma source(%arg9 : memref<640xf32, #tpu.memory_space<vmem>>) target(%dma_start3A_41 : memref<640xf32, #tpu.memory_space<vmem_shared>>) target_semaphore(%run_scoped3A : memref<!tpu.dma_semaphore, #tpu.memory_space<semaphore_mem>>)
      %dma_wait3A = tpu.memref_slice %arg11[%mul3A_20] : memref<10240xf32, #tpu.memory_space<vmem_shared>> -> memref<640xf32, #tpu.memory_space<vmem_shared>>
      %dma_wait3A_42 = tpu.memref_slice %arg11[%mul3A_20] : memref<10240xf32, #tpu.memory_space<vmem_shared>> -> memref<640xf32, #tpu.memory_space<vmem_shared>>
      tpu.wait_dma2 semaphore(%run_scoped3A : memref<!tpu.dma_semaphore, #tpu.memory_space<semaphore_mem>>) src(%arg9 : memref<640xf32, #tpu.memory_space<vmem>>) dst(%dma_wait3A_42 : memref<640xf32, #tpu.memory_space<vmem_shared>>)
      tpu.yield
    }) : () -> ()
    %barrier3A = arith.constant 0 : index
    tpu.barrier barrier_id(%barrier3A)
    %while3A = arith.constant 0 : i32
    %while3A_21 = arith.constant 0 : i32
    %while3A_22 = arith.subi %select_n3A, %while3A : i32
    %while3A_23 = arith.addi %while3A, %while3A_22 : i32
    %while3A_24 = arith.constant 1 : i32
    %while3A_25 = arith.divsi %while3A_22, %while3A_24 : i32
    %while3A_26 = arith.muli %while3A_25, %while3A_24 : i32
    %while3A_27 = arith.addi %while3A, %while3A_26 : i32
    %while3A_28 = arith.constant 1 : i32
    %while3A_29 = scf.for %while3A_41 = %while3A to %while3A_27 step %while3A_28 iter_args(%while3A_42 = %while3A_21) -> (i32)  : i32 {
      "tpu.region"() ({
        %run_scoped3A = tpu.sem_alloc : memref<!tpu.dma_semaphore, #tpu.memory_space<semaphore_mem>>
        %dma_start3A = arith.constant 0 : i32
        %dma_start3A_44 = tpu.memref_slice %arg6[%while3A_41, %dma_start3A] : memref<112x128xi32, #tpu.memory_space<vmem>> -> memref<1x128xi32, #tpu.memory_space<vmem>>
        %dma_start3A_45 = tpu.memref_squeeze %dma_start3A_44 : memref<1x128xi32, #tpu.memory_space<vmem>> -> memref<128xi32, #tpu.memory_space<vmem>>
        %dma_start3A_46 = arith.constant 0 : i32
        %dma_start3A_47 = tpu.memref_slice %arg10[%dma_start3A_46] : memref<10240xf32, #tpu.memory_space<vmem_shared>> -> memref<10240xf32, #tpu.memory_space<vmem_shared>>
        tpu.enqueue_indirect_dma source(%arg8 : memref<128xf32, #tpu.memory_space<vmem>>) target(%dma_start3A_47 : memref<10240xf32, #tpu.memory_space<vmem_shared>>) offsets(%dma_start3A_45 : memref<128xi32, #tpu.memory_space<vmem>>) semaphore(%run_scoped3A : memref<!tpu.dma_semaphore, #tpu.memory_space<semaphore_mem>>) {add = true}
        %dma_wait3A = arith.constant 0 : i32
        %dma_wait3A_48 = tpu.memref_slice %arg6[%while3A_41, %dma_wait3A] : memref<112x128xi32, #tpu.memory_space<vmem>> -> memref<1x128xi32, #tpu.memory_space<vmem>>
        %dma_wait3A_49 = tpu.memref_squeeze %dma_wait3A_48 : memref<1x128xi32, #tpu.memory_space<vmem>> -> memref<128xi32, #tpu.memory_space<vmem>>
        %dma_wait3A_50 = arith.constant 0 : i32
        %dma_wait3A_51 = tpu.memref_slice %arg10[%dma_wait3A_50] : memref<10240xf32, #tpu.memory_space<vmem_shared>> -> memref<10240xf32, #tpu.memory_space<vmem_shared>>
        tpu.wait_indirect_dma semaphore(%run_scoped3A : memref<!tpu.dma_semaphore, #tpu.memory_space<semaphore_mem>>) src(%arg8 : memref<128xf32, #tpu.memory_space<vmem>>) dst(%dma_wait3A_51 : memref<10240xf32, #tpu.memory_space<vmem_shared>>)
        tpu.yield
      }) : () -> ()
      "tpu.region"() ({
        %run_scoped3A = tpu.sem_alloc : memref<!tpu.dma_semaphore, #tpu.memory_space<semaphore_mem>>
        %dma_start3A = arith.constant 0 : i32
        %dma_start3A_44 = tpu.memref_slice %arg7[%while3A_41, %dma_start3A] : memref<112x128xi32, #tpu.memory_space<vmem>> -> memref<1x128xi32, #tpu.memory_space<vmem>>
        %dma_start3A_45 = tpu.memref_squeeze %dma_start3A_44 : memref<1x128xi32, #tpu.memory_space<vmem>> -> memref<128xi32, #tpu.memory_space<vmem>>
        %dma_start3A_46 = arith.constant 0 : i32
        %dma_start3A_47 = tpu.memref_slice %arg11[%dma_start3A_46] : memref<10240xf32, #tpu.memory_space<vmem_shared>> -> memref<10240xf32, #tpu.memory_space<vmem_shared>>
        tpu.enqueue_indirect_dma source(%arg8 : memref<128xf32, #tpu.memory_space<vmem>>) target(%dma_start3A_47 : memref<10240xf32, #tpu.memory_space<vmem_shared>>) offsets(%dma_start3A_45 : memref<128xi32, #tpu.memory_space<vmem>>) semaphore(%run_scoped3A : memref<!tpu.dma_semaphore, #tpu.memory_space<semaphore_mem>>) {add = true}
        %dma_wait3A = arith.constant 0 : i32
        %dma_wait3A_48 = tpu.memref_slice %arg7[%while3A_41, %dma_wait3A] : memref<112x128xi32, #tpu.memory_space<vmem>> -> memref<1x128xi32, #tpu.memory_space<vmem>>
        %dma_wait3A_49 = tpu.memref_squeeze %dma_wait3A_48 : memref<1x128xi32, #tpu.memory_space<vmem>> -> memref<128xi32, #tpu.memory_space<vmem>>
        %dma_wait3A_50 = arith.constant 0 : i32
        %dma_wait3A_51 = tpu.memref_slice %arg11[%dma_wait3A_50] : memref<10240xf32, #tpu.memory_space<vmem_shared>> -> memref<10240xf32, #tpu.memory_space<vmem_shared>>
        tpu.wait_indirect_dma semaphore(%run_scoped3A : memref<!tpu.dma_semaphore, #tpu.memory_space<semaphore_mem>>) src(%arg8 : memref<128xf32, #tpu.memory_space<vmem>>) dst(%dma_wait3A_51 : memref<10240xf32, #tpu.memory_space<vmem_shared>>)
        tpu.yield
      }) : () -> ()
      %while3A_43 = arith.constant 0 : i32
      scf.yield %while3A_43 : i32
    }
    %while3A_30 = arith.constant 1 : i32
    %while3A_31 = scf.for %while3A_41 = %while3A_27 to %while3A_23 step %while3A_30 iter_args(%while3A_42 = %while3A_29) -> (i32)  : i32 {
      "tpu.region"() ({
        %run_scoped3A = tpu.sem_alloc : memref<!tpu.dma_semaphore, #tpu.memory_space<semaphore_mem>>
        %dma_start3A = arith.constant 0 : i32
        %dma_start3A_44 = tpu.memref_slice %arg6[%while3A_41, %dma_start3A] : memref<112x128xi32, #tpu.memory_space<vmem>> -> memref<1x128xi32, #tpu.memory_space<vmem>>
        %dma_start3A_45 = tpu.memref_squeeze %dma_start3A_44 : memref<1x128xi32, #tpu.memory_space<vmem>> -> memref<128xi32, #tpu.memory_space<vmem>>
        %dma_start3A_46 = arith.constant 0 : i32
        %dma_start3A_47 = tpu.memref_slice %arg10[%dma_start3A_46] : memref<10240xf32, #tpu.memory_space<vmem_shared>> -> memref<10240xf32, #tpu.memory_space<vmem_shared>>
        tpu.enqueue_indirect_dma source(%arg8 : memref<128xf32, #tpu.memory_space<vmem>>) target(%dma_start3A_47 : memref<10240xf32, #tpu.memory_space<vmem_shared>>) offsets(%dma_start3A_45 : memref<128xi32, #tpu.memory_space<vmem>>) semaphore(%run_scoped3A : memref<!tpu.dma_semaphore, #tpu.memory_space<semaphore_mem>>) {add = true}
        %dma_wait3A = arith.constant 0 : i32
        %dma_wait3A_48 = tpu.memref_slice %arg6[%while3A_41, %dma_wait3A] : memref<112x128xi32, #tpu.memory_space<vmem>> -> memref<1x128xi32, #tpu.memory_space<vmem>>
        %dma_wait3A_49 = tpu.memref_squeeze %dma_wait3A_48 : memref<1x128xi32, #tpu.memory_space<vmem>> -> memref<128xi32, #tpu.memory_space<vmem>>
        %dma_wait3A_50 = arith.constant 0 : i32
        %dma_wait3A_51 = tpu.memref_slice %arg10[%dma_wait3A_50] : memref<10240xf32, #tpu.memory_space<vmem_shared>> -> memref<10240xf32, #tpu.memory_space<vmem_shared>>
        tpu.wait_indirect_dma semaphore(%run_scoped3A : memref<!tpu.dma_semaphore, #tpu.memory_space<semaphore_mem>>) src(%arg8 : memref<128xf32, #tpu.memory_space<vmem>>) dst(%dma_wait3A_51 : memref<10240xf32, #tpu.memory_space<vmem_shared>>)
        tpu.yield
      }) : () -> ()
      "tpu.region"() ({
        %run_scoped3A = tpu.sem_alloc : memref<!tpu.dma_semaphore, #tpu.memory_space<semaphore_mem>>
        %dma_start3A = arith.constant 0 : i32
        %dma_start3A_44 = tpu.memref_slice %arg7[%while3A_41, %dma_start3A] : memref<112x128xi32, #tpu.memory_space<vmem>> -> memref<1x128xi32, #tpu.memory_space<vmem>>
        %dma_start3A_45 = tpu.memref_squeeze %dma_start3A_44 : memref<1x128xi32, #tpu.memory_space<vmem>> -> memref<128xi32, #tpu.memory_space<vmem>>
        %dma_start3A_46 = arith.constant 0 : i32
        %dma_start3A_47 = tpu.memref_slice %arg11[%dma_start3A_46] : memref<10240xf32, #tpu.memory_space<vmem_shared>> -> memref<10240xf32, #tpu.memory_space<vmem_shared>>
        tpu.enqueue_indirect_dma source(%arg8 : memref<128xf32, #tpu.memory_space<vmem>>) target(%dma_start3A_47 : memref<10240xf32, #tpu.memory_space<vmem_shared>>) offsets(%dma_start3A_45 : memref<128xi32, #tpu.memory_space<vmem>>) semaphore(%run_scoped3A : memref<!tpu.dma_semaphore, #tpu.memory_space<semaphore_mem>>) {add = true}
        %dma_wait3A = arith.constant 0 : i32
        %dma_wait3A_48 = tpu.memref_slice %arg7[%while3A_41, %dma_wait3A] : memref<112x128xi32, #tpu.memory_space<vmem>> -> memref<1x128xi32, #tpu.memory_space<vmem>>
        %dma_wait3A_49 = tpu.memref_squeeze %dma_wait3A_48 : memref<1x128xi32, #tpu.memory_space<vmem>> -> memref<128xi32, #tpu.memory_space<vmem>>
        %dma_wait3A_50 = arith.constant 0 : i32
        %dma_wait3A_51 = tpu.memref_slice %arg11[%dma_wait3A_50] : memref<10240xf32, #tpu.memory_space<vmem_shared>> -> memref<10240xf32, #tpu.memory_space<vmem_shared>>
        tpu.wait_indirect_dma semaphore(%run_scoped3A : memref<!tpu.dma_semaphore, #tpu.memory_space<semaphore_mem>>) src(%arg8 : memref<128xf32, #tpu.memory_space<vmem>>) dst(%dma_wait3A_51 : memref<10240xf32, #tpu.memory_space<vmem_shared>>)
        tpu.yield
      }) : () -> ()
      %while3A_43 = arith.constant 0 : i32
      scf.yield %while3A_43 : i32
    }
    %barrier3A_32 = arith.constant 0 : index
    tpu.barrier barrier_id(%barrier3A_32)
    %mul3A_33 = arith.constant 640 : i32
    %mul3A_34 = arith.muli %arg1, %mul3A_33 : i32
    %mul3A_35 = arith.constant 640 : i32
    %mul3A_36 = arith.muli %arg1, %mul3A_35 : i32
    "tpu.region"() ({
      %run_scoped3A = tpu.sem_alloc : memref<!tpu.dma_semaphore, #tpu.memory_space<semaphore_mem>>
      %dma_start3A = tpu.memref_slice %arg4[%arg0, %mul3A_36] : memref<2x10240xf32, #tpu.memory_space<hbm>> -> memref<1x640xf32, #tpu.memory_space<hbm>>
      %dma_start3A_41 = tpu.memref_squeeze %dma_start3A : memref<1x640xf32, #tpu.memory_space<hbm>> -> memref<640xf32, #tpu.memory_space<hbm>>
      %dma_start3A_42 = tpu.memref_slice %arg10[%mul3A_34] : memref<10240xf32, #tpu.memory_space<vmem_shared>> -> memref<640xf32, #tpu.memory_space<vmem_shared>>
      tpu.enqueue_dma source(%dma_start3A_42 : memref<640xf32, #tpu.memory_space<vmem_shared>>) target(%dma_start3A_41 : memref<640xf32, #tpu.memory_space<hbm>>) target_semaphore(%run_scoped3A : memref<!tpu.dma_semaphore, #tpu.memory_space<semaphore_mem>>)
      %dma_wait3A = tpu.memref_slice %arg4[%arg0, %mul3A_36] : memref<2x10240xf32, #tpu.memory_space<hbm>> -> memref<1x640xf32, #tpu.memory_space<hbm>>
      %dma_wait3A_43 = tpu.memref_squeeze %dma_wait3A : memref<1x640xf32, #tpu.memory_space<hbm>> -> memref<640xf32, #tpu.memory_space<hbm>>
      %dma_wait3A_44 = tpu.memref_slice %arg10[%mul3A_34] : memref<10240xf32, #tpu.memory_space<vmem_shared>> -> memref<640xf32, #tpu.memory_space<vmem_shared>>
      tpu.wait_dma2 semaphore(%run_scoped3A : memref<!tpu.dma_semaphore, #tpu.memory_space<semaphore_mem>>) src(%dma_wait3A_44 : memref<640xf32, #tpu.memory_space<vmem_shared>>) dst(%dma_wait3A_43 : memref<640xf32, #tpu.memory_space<hbm>>)
      tpu.yield
    }) : () -> ()
    %mul3A_37 = arith.constant 640 : i32
    %mul3A_38 = arith.muli %arg1, %mul3A_37 : i32
    %mul3A_39 = arith.constant 640 : i32
    %mul3A_40 = arith.muli %arg1, %mul3A_39 : i32
    "tpu.region"() ({
      %run_scoped3A = tpu.sem_alloc : memref<!tpu.dma_semaphore, #tpu.memory_space<semaphore_mem>>
      %dma_start3A = tpu.memref_slice %arg5[%arg0, %mul3A_40] : memref<2x10240xf32, #tpu.memory_space<hbm>> -> memref<1x640xf32, #tpu.memory_space<hbm>>
      %dma_start3A_41 = tpu.memref_squeeze %dma_start3A : memref<1x640xf32, #tpu.memory_space<hbm>> -> memref<640xf32, #tpu.memory_space<hbm>>
      %dma_start3A_42 = tpu.memref_slice %arg11[%mul3A_38] : memref<10240xf32, #tpu.memory_space<vmem_shared>> -> memref<640xf32, #tpu.memory_space<vmem_shared>>
      tpu.enqueue_dma source(%dma_start3A_42 : memref<640xf32, #tpu.memory_space<vmem_shared>>) target(%dma_start3A_41 : memref<640xf32, #tpu.memory_space<hbm>>) target_semaphore(%run_scoped3A : memref<!tpu.dma_semaphore, #tpu.memory_space<semaphore_mem>>)
      %dma_wait3A = tpu.memref_slice %arg5[%arg0, %mul3A_40] : memref<2x10240xf32, #tpu.memory_space<hbm>> -> memref<1x640xf32, #tpu.memory_space<hbm>>
      %dma_wait3A_43 = tpu.memref_squeeze %dma_wait3A : memref<1x640xf32, #tpu.memory_space<hbm>> -> memref<640xf32, #tpu.memory_space<hbm>>
      %dma_wait3A_44 = tpu.memref_slice %arg11[%mul3A_38] : memref<10240xf32, #tpu.memory_space<vmem_shared>> -> memref<640xf32, #tpu.memory_space<vmem_shared>>
      tpu.wait_dma2 semaphore(%run_scoped3A : memref<!tpu.dma_semaphore, #tpu.memory_space<semaphore_mem>>) src(%dma_wait3A_44 : memref<640xf32, #tpu.memory_space<vmem_shared>>) dst(%dma_wait3A_43 : memref<640xf32, #tpu.memory_space<hbm>>)
      tpu.yield
    }) : () -> ()
    return
  }
}

#map = affine_map<(d0, d1) -> (0, 0)>
#map1 = affine_map<(d0, d1) -> (0, 0, 0, 0)>
#map2 = affine_map<(d0, d1) -> (0, 0, 0)>
module attributes {stable_mosaic.version = 14 : i64} {
  func.func @_spmm_kernel(%arg0: i32, %arg1: i32, %arg2: memref<10240x128xf32, #tpu.memory_space<hbm>>, %arg3: memref<2x16x112x128xi32, #tpu.memory_space<hbm>>, %arg4: memref<2x16x112x128xi32, #tpu.memory_space<hbm>>, %arg5: memref<2x10240x128xf32, #tpu.memory_space<hbm>>, %arg6: memref<112x128xi32, #tpu.memory_space<vmem>>, %arg7: memref<112x128xi32, #tpu.memory_space<vmem>>, %arg8: memref<128x128xf32, #tpu.memory_space<vmem>>, %arg9: memref<10240x128xf32, #tpu.memory_space<vmem_shared>>, %arg10: memref<!tpu.dma_semaphore, #tpu.memory_space<semaphore_mem>>) attributes {dimension_semantics = [#tpu.dimension_semantics<core_parallel>, #tpu.dimension_semantics<subcore_parallel>], iteration_bounds = array<i64: 2, 16>, scalar_prefetch = 0 : i64, scratch_operands = 5 : i64, tpu.core_type = #tpu.core_type<sc_vector_subcore>, window_params = [{transform_indices = #map}, {transform_indices = #map1}, {transform_indices = #map1}, {transform_indices = #map2}]} {
    %eq3A = arith.constant 0 : i32
    %eq3A_0 = arith.cmpi eq, %arg0, %eq3A : i32
    %jit3A = arith.constant 112 : i32
    %jit3A_1 = arith.constant 46 : i32
    %select_n3A = arith.select %eq3A_0, %jit3A, %jit3A_1 : i32
    "tpu.region"() ({
      %run_scoped3A = tpu.sem_alloc : memref<!tpu.dma_semaphore, #tpu.memory_space<semaphore_mem>>
      %dma_start3A = arith.constant 0 : i32
      %dma_start3A_31 = arith.constant 0 : i32
      %dma_start3A_32 = tpu.memref_slice %arg3[%arg0, %arg1, %dma_start3A, %dma_start3A_31] : memref<2x16x112x128xi32, #tpu.memory_space<hbm>> -> memref<1x1x112x128xi32, #tpu.memory_space<hbm>>
      %dma_start3A_33 = tpu.memref_squeeze %dma_start3A_32 : memref<1x1x112x128xi32, #tpu.memory_space<hbm>> -> memref<112x128xi32, #tpu.memory_space<hbm>>
      %dma_start3A_34 = arith.constant 0 : i32
      %dma_start3A_35 = arith.constant 0 : i32
      %dma_start3A_36 = tpu.memref_slice %arg3[%arg0, %arg1, %dma_start3A_34, %dma_start3A_35] : memref<2x16x112x128xi32, #tpu.memory_space<hbm>> -> memref<1x1x112x128xi32, #tpu.memory_space<hbm>>
      %dma_start3A_37 = tpu.memref_squeeze %dma_start3A_36 : memref<1x1x112x128xi32, #tpu.memory_space<hbm>> -> memref<112x128xi32, #tpu.memory_space<hbm>>
      tpu.enqueue_dma source(%dma_start3A_37 : memref<112x128xi32, #tpu.memory_space<hbm>>) target(%arg6 : memref<112x128xi32, #tpu.memory_space<vmem>>) target_semaphore(%run_scoped3A : memref<!tpu.dma_semaphore, #tpu.memory_space<semaphore_mem>>)
      %dma_wait3A = arith.constant 0 : i32
      %dma_wait3A_38 = arith.constant 0 : i32
      %dma_wait3A_39 = tpu.memref_slice %arg3[%arg0, %arg1, %dma_wait3A, %dma_wait3A_38] : memref<2x16x112x128xi32, #tpu.memory_space<hbm>> -> memref<1x1x112x128xi32, #tpu.memory_space<hbm>>
      %dma_wait3A_40 = tpu.memref_squeeze %dma_wait3A_39 : memref<1x1x112x128xi32, #tpu.memory_space<hbm>> -> memref<112x128xi32, #tpu.memory_space<hbm>>
      %dma_wait3A_41 = arith.constant 0 : i32
      %dma_wait3A_42 = arith.constant 0 : i32
      %dma_wait3A_43 = tpu.memref_slice %arg3[%arg0, %arg1, %dma_wait3A_41, %dma_wait3A_42] : memref<2x16x112x128xi32, #tpu.memory_space<hbm>> -> memref<1x1x112x128xi32, #tpu.memory_space<hbm>>
      %dma_wait3A_44 = tpu.memref_squeeze %dma_wait3A_43 : memref<1x1x112x128xi32, #tpu.memory_space<hbm>> -> memref<112x128xi32, #tpu.memory_space<hbm>>
      tpu.wait_dma2 semaphore(%run_scoped3A : memref<!tpu.dma_semaphore, #tpu.memory_space<semaphore_mem>>) src(%dma_wait3A_44 : memref<112x128xi32, #tpu.memory_space<hbm>>) dst(%arg6 : memref<112x128xi32, #tpu.memory_space<vmem>>)
      tpu.yield
    }) : () -> ()
    "tpu.region"() ({
      %run_scoped3A = tpu.sem_alloc : memref<!tpu.dma_semaphore, #tpu.memory_space<semaphore_mem>>
      %dma_start3A = arith.constant 0 : i32
      %dma_start3A_31 = arith.constant 0 : i32
      %dma_start3A_32 = tpu.memref_slice %arg4[%arg0, %arg1, %dma_start3A, %dma_start3A_31] : memref<2x16x112x128xi32, #tpu.memory_space<hbm>> -> memref<1x1x112x128xi32, #tpu.memory_space<hbm>>
      %dma_start3A_33 = tpu.memref_squeeze %dma_start3A_32 : memref<1x1x112x128xi32, #tpu.memory_space<hbm>> -> memref<112x128xi32, #tpu.memory_space<hbm>>
      %dma_start3A_34 = arith.constant 0 : i32
      %dma_start3A_35 = arith.constant 0 : i32
      %dma_start3A_36 = tpu.memref_slice %arg4[%arg0, %arg1, %dma_start3A_34, %dma_start3A_35] : memref<2x16x112x128xi32, #tpu.memory_space<hbm>> -> memref<1x1x112x128xi32, #tpu.memory_space<hbm>>
      %dma_start3A_37 = tpu.memref_squeeze %dma_start3A_36 : memref<1x1x112x128xi32, #tpu.memory_space<hbm>> -> memref<112x128xi32, #tpu.memory_space<hbm>>
      tpu.enqueue_dma source(%dma_start3A_37 : memref<112x128xi32, #tpu.memory_space<hbm>>) target(%arg7 : memref<112x128xi32, #tpu.memory_space<vmem>>) target_semaphore(%run_scoped3A : memref<!tpu.dma_semaphore, #tpu.memory_space<semaphore_mem>>)
      %dma_wait3A = arith.constant 0 : i32
      %dma_wait3A_38 = arith.constant 0 : i32
      %dma_wait3A_39 = tpu.memref_slice %arg4[%arg0, %arg1, %dma_wait3A, %dma_wait3A_38] : memref<2x16x112x128xi32, #tpu.memory_space<hbm>> -> memref<1x1x112x128xi32, #tpu.memory_space<hbm>>
      %dma_wait3A_40 = tpu.memref_squeeze %dma_wait3A_39 : memref<1x1x112x128xi32, #tpu.memory_space<hbm>> -> memref<112x128xi32, #tpu.memory_space<hbm>>
      %dma_wait3A_41 = arith.constant 0 : i32
      %dma_wait3A_42 = arith.constant 0 : i32
      %dma_wait3A_43 = tpu.memref_slice %arg4[%arg0, %arg1, %dma_wait3A_41, %dma_wait3A_42] : memref<2x16x112x128xi32, #tpu.memory_space<hbm>> -> memref<1x1x112x128xi32, #tpu.memory_space<hbm>>
      %dma_wait3A_44 = tpu.memref_squeeze %dma_wait3A_43 : memref<1x1x112x128xi32, #tpu.memory_space<hbm>> -> memref<112x128xi32, #tpu.memory_space<hbm>>
      tpu.wait_dma2 semaphore(%run_scoped3A : memref<!tpu.dma_semaphore, #tpu.memory_space<semaphore_mem>>) src(%dma_wait3A_44 : memref<112x128xi32, #tpu.memory_space<hbm>>) dst(%arg7 : memref<112x128xi32, #tpu.memory_space<vmem>>)
      tpu.yield
    }) : () -> ()
    %broadcast_in_dim3A = arith.constant 0.000000e+00 : f32
    %broadcast_in_dim3A_2 = vector.broadcast %broadcast_in_dim3A : f32 to vector<16xf32>
    %scan3A = arith.constant 0 : i32
    %scan3A_3 = arith.constant 0 : i32
    %scan3A_4 = arith.constant 1024 : i32
    %scan3A_5 = arith.addi %scan3A_3, %scan3A_4 : i32
    %scan3A_6 = arith.constant 1 : i32
    %scan3A_7 = scf.for %scan3A_31 = %scan3A_3 to %scan3A_5 step %scan3A_6 iter_args(%scan3A_32 = %scan3A) -> (i32)  : i32 {
      %jit3A_33 = arith.constant 8 : i32
      %div3A = arith.divsi %scan3A_31, %jit3A_33 : i32
      %sign3A = arith.constant 0 : i32
      %sign3A_34 = arith.cmpi sgt, %scan3A_31, %sign3A : i32
      %sign3A_35 = arith.extui %sign3A_34 : i1 to i32
      %sign3A_36 = arith.constant 0 : i32
      %sign3A_37 = arith.cmpi slt, %scan3A_31, %sign3A_36 : i32
      %sign3A_38 = arith.extui %sign3A_37 : i1 to i32
      %sign3A_39 = arith.subi %sign3A_35, %sign3A_38 : i32
      %sign3A_40 = arith.constant 0 : i32
      %sign3A_41 = arith.cmpi sgt, %jit3A_33, %sign3A_40 : i32
      %sign3A_42 = arith.extui %sign3A_41 : i1 to i32
      %sign3A_43 = arith.constant 0 : i32
      %sign3A_44 = arith.cmpi slt, %jit3A_33, %sign3A_43 : i32
      %sign3A_45 = arith.extui %sign3A_44 : i1 to i32
      %sign3A_46 = arith.subi %sign3A_42, %sign3A_45 : i32
      %ne3A = arith.cmpi ne, %sign3A_39, %sign3A_46 : i32
      %rem3A = arith.remsi %scan3A_31, %jit3A_33 : i32
      %ne3A_47 = arith.constant 0 : i32
      %ne3A_48 = arith.cmpi ne, %rem3A, %ne3A_47 : i32
      %and3A = arith.andi %ne3A, %ne3A_48 : i1
      %sub3A = arith.constant 1 : i32
      %sub3A_49 = arith.subi %div3A, %sub3A : i32
      %select_n3A_50 = arith.select %and3A, %sub3A_49, %div3A : i32
      %jit3A_51 = arith.constant 8 : i32
      %eq3A_52 = arith.constant 0 : i32
      %eq3A_53 = arith.cmpi eq, %jit3A_51, %eq3A_52 : i32
      %jit3A_54 = arith.constant 1 : i32
      %select_n3A_55 = arith.select %eq3A_53, %jit3A_54, %jit3A_51 : i32
      %rem3A_56 = arith.remsi %scan3A_31, %select_n3A_55 : i32
      %ne3A_57 = arith.constant 0 : i32
      %ne3A_58 = arith.cmpi ne, %rem3A_56, %ne3A_57 : i32
      %lt3A = arith.constant 0 : i32
      %lt3A_59 = arith.cmpi slt, %rem3A_56, %lt3A : i32
      %lt3A_60 = arith.constant 0 : i32
      %lt3A_61 = arith.cmpi slt, %select_n3A_55, %lt3A_60 : i32
      %ne3A_62 = arith.xori %lt3A_59, %lt3A_61 : i1
      %and3A_63 = arith.andi %ne3A_62, %ne3A_58 : i1
      %add3A = arith.addi %rem3A_56, %select_n3A_55 : i32
      %select_n3A_64 = arith.select %and3A_63, %add3A, %rem3A_56 : i32
      %mul3A_65 = arith.constant 16 : i32
      %mul3A_66 = arith.muli %select_n3A_64, %mul3A_65 : i32
      %swap3A = arith.index_cast %select_n3A_50 : i32 to index
      %swap3A_67 = arith.index_cast %mul3A_66 : i32 to index
      %swap3A_68 = tpu.vector_load %arg8[%swap3A, %swap3A_67] {strides = array<i32>} : memref<128x128xf32, #tpu.memory_space<vmem>>, vector<1x16xf32>,
      %swap3A_69 = vector.shape_cast %swap3A_68 : vector<1x16xf32> to vector<16xf32>
      %swap3A_70 = vector.shape_cast %broadcast_in_dim3A_2 : vector<16xf32> to vector<1x16xf32>
      tpu.vector_store %arg8[%swap3A, %swap3A_67], %swap3A_70 {strides = array<i32>} : memref<128x128xf32, #tpu.memory_space<vmem>>, vector<1x16xf32>,
      %scan3A_71 = arith.constant 0 : i32
      scf.yield %scan3A_71 : i32
    }
    %scan3A_8 = arith.constant 1024 : i32
    %scan3A_9 = arith.constant 0 : i32
    %scan3A_10 = arith.constant 0 : i32
    %scan3A_11 = arith.constant 5 : i32
    %scan3A_12 = arith.addi %scan3A_10, %scan3A_11 : i32
    %scan3A_13 = arith.constant 1 : i32
    %scan3A_14 = scf.for %scan3A_31 = %scan3A_10 to %scan3A_12 step %scan3A_13 iter_args(%scan3A_32 = %scan3A_9) -> (i32)  : i32 {
      %mul3A_33 = arith.constant 640 : i32
      %mul3A_34 = arith.muli %arg1, %mul3A_33 : i32
      %mul3A_35 = arith.constant 128 : i32
      %mul3A_36 = arith.muli %scan3A_31, %mul3A_35 : i32
      %add3A = arith.addi %mul3A_34, %mul3A_36 : i32
      "tpu.region"() ({
        %run_scoped3A = tpu.sem_alloc : memref<!tpu.dma_semaphore, #tpu.memory_space<semaphore_mem>>
        %dma_start3A = arith.constant 0 : i32
        %dma_start3A_38 = tpu.memref_slice %arg9[%add3A, %dma_start3A] : memref<10240x128xf32, #tpu.memory_space<vmem_shared>> -> memref<128x128xf32, #tpu.memory_space<vmem_shared>>
        %dma_start3A_39 = arith.constant 0 : i32
        %dma_start3A_40 = tpu.memref_slice %arg9[%add3A, %dma_start3A_39] : memref<10240x128xf32, #tpu.memory_space<vmem_shared>> -> memref<128x128xf32, #tpu.memory_space<vmem_shared>>
        tpu.enqueue_dma source(%arg8 : memref<128x128xf32, #tpu.memory_space<vmem>>) target(%dma_start3A_40 : memref<128x128xf32, #tpu.memory_space<vmem_shared>>) target_semaphore(%run_scoped3A : memref<!tpu.dma_semaphore, #tpu.memory_space<semaphore_mem>>)
        %dma_wait3A = arith.constant 0 : i32
        %dma_wait3A_41 = tpu.memref_slice %arg9[%add3A, %dma_wait3A] : memref<10240x128xf32, #tpu.memory_space<vmem_shared>> -> memref<128x128xf32, #tpu.memory_space<vmem_shared>>
        %dma_wait3A_42 = arith.constant 0 : i32
        %dma_wait3A_43 = tpu.memref_slice %arg9[%add3A, %dma_wait3A_42] : memref<10240x128xf32, #tpu.memory_space<vmem_shared>> -> memref<128x128xf32, #tpu.memory_space<vmem_shared>>
        tpu.wait_dma2 semaphore(%run_scoped3A : memref<!tpu.dma_semaphore, #tpu.memory_space<semaphore_mem>>) src(%arg8 : memref<128x128xf32, #tpu.memory_space<vmem>>) dst(%dma_wait3A_43 : memref<128x128xf32, #tpu.memory_space<vmem_shared>>)
        tpu.yield
      }) : () -> ()
      %scan3A_37 = arith.constant 0 : i32
      scf.yield %scan3A_37 : i32
    }
    %scan3A_15 = arith.constant 5 : i32
    %barrier3A = arith.constant 0 : index
    tpu.barrier barrier_id(%barrier3A)
    %while3A = arith.constant 0 : i32
    %while3A_16 = arith.constant 0 : i32
    %while3A_17 = arith.subi %select_n3A, %while3A : i32
    %while3A_18 = arith.addi %while3A, %while3A_17 : i32
    %while3A_19 = arith.constant 1 : i32
    %while3A_20 = arith.divsi %while3A_17, %while3A_19 : i32
    %while3A_21 = arith.muli %while3A_20, %while3A_19 : i32
    %while3A_22 = arith.addi %while3A, %while3A_21 : i32
    %while3A_23 = arith.constant 1 : i32
    %while3A_24 = scf.for %while3A_31 = %while3A to %while3A_22 step %while3A_23 iter_args(%while3A_32 = %while3A_16) -> (i32)  : i32 {
      %dma_start3A = arith.constant 0 : i32
      %dma_start3A_33 = tpu.memref_slice %arg6[%while3A_31, %dma_start3A] : memref<112x128xi32, #tpu.memory_space<vmem>> -> memref<1x128xi32, #tpu.memory_space<vmem>>
      %dma_start3A_34 = tpu.memref_squeeze %dma_start3A_33 : memref<1x128xi32, #tpu.memory_space<vmem>> -> memref<128xi32, #tpu.memory_space<vmem>>
      %dma_start3A_35 = arith.constant 0 : i32
      %dma_start3A_36 = arith.constant 0 : i32
      %dma_start3A_37 = tpu.memref_slice %arg2[%dma_start3A_35, %dma_start3A_36] : memref<10240x128xf32, #tpu.memory_space<hbm>> -> memref<10240x128xf32, #tpu.memory_space<hbm>>
      tpu.enqueue_indirect_dma source(%dma_start3A_37 : memref<10240x128xf32, #tpu.memory_space<hbm>>) target(%arg8 : memref<128x128xf32, #tpu.memory_space<vmem>>) offsets(%dma_start3A_34 : memref<128xi32, #tpu.memory_space<vmem>>) semaphore(%arg10 : memref<!tpu.dma_semaphore, #tpu.memory_space<semaphore_mem>>)
      %dma_wait3A = arith.constant 0 : i32
      %dma_wait3A_38 = tpu.memref_slice %arg6[%while3A_31, %dma_wait3A] : memref<112x128xi32, #tpu.memory_space<vmem>> -> memref<1x128xi32, #tpu.memory_space<vmem>>
      %dma_wait3A_39 = tpu.memref_squeeze %dma_wait3A_38 : memref<1x128xi32, #tpu.memory_space<vmem>> -> memref<128xi32, #tpu.memory_space<vmem>>
      %dma_wait3A_40 = arith.constant 0 : i32
      %dma_wait3A_41 = arith.constant 0 : i32
      %dma_wait3A_42 = tpu.memref_slice %arg2[%dma_wait3A_40, %dma_wait3A_41] : memref<10240x128xf32, #tpu.memory_space<hbm>> -> memref<10240x128xf32, #tpu.memory_space<hbm>>
      tpu.wait_indirect_dma semaphore(%arg10 : memref<!tpu.dma_semaphore, #tpu.memory_space<semaphore_mem>>) src(%dma_wait3A_42 : memref<10240x128xf32, #tpu.memory_space<hbm>>) dst(%arg8 : memref<128x128xf32, #tpu.memory_space<vmem>>)
      "tpu.region"() ({
        %run_scoped3A = tpu.sem_alloc : memref<!tpu.dma_semaphore, #tpu.memory_space<semaphore_mem>>
        %dma_start3A_44 = arith.constant 0 : i32
        %dma_start3A_45 = tpu.memref_slice %arg7[%while3A_31, %dma_start3A_44] : memref<112x128xi32, #tpu.memory_space<vmem>> -> memref<1x128xi32, #tpu.memory_space<vmem>>
        %dma_start3A_46 = tpu.memref_squeeze %dma_start3A_45 : memref<1x128xi32, #tpu.memory_space<vmem>> -> memref<128xi32, #tpu.memory_space<vmem>>
        %dma_start3A_47 = arith.constant 0 : i32
        %dma_start3A_48 = arith.constant 0 : i32
        %dma_start3A_49 = tpu.memref_slice %arg9[%dma_start3A_47, %dma_start3A_48] : memref<10240x128xf32, #tpu.memory_space<vmem_shared>> -> memref<10240x128xf32, #tpu.memory_space<vmem_shared>>
        tpu.enqueue_indirect_dma source(%arg8 : memref<128x128xf32, #tpu.memory_space<vmem>>) target(%dma_start3A_49 : memref<10240x128xf32, #tpu.memory_space<vmem_shared>>) offsets(%dma_start3A_46 : memref<128xi32, #tpu.memory_space<vmem>>) semaphore(%run_scoped3A : memref<!tpu.dma_semaphore, #tpu.memory_space<semaphore_mem>>) {add = true}
        %dma_wait3A_50 = arith.constant 0 : i32
        %dma_wait3A_51 = tpu.memref_slice %arg7[%while3A_31, %dma_wait3A_50] : memref<112x128xi32, #tpu.memory_space<vmem>> -> memref<1x128xi32, #tpu.memory_space<vmem>>
        %dma_wait3A_52 = tpu.memref_squeeze %dma_wait3A_51 : memref<1x128xi32, #tpu.memory_space<vmem>> -> memref<128xi32, #tpu.memory_space<vmem>>
        %dma_wait3A_53 = arith.constant 0 : i32
        %dma_wait3A_54 = arith.constant 0 : i32
        %dma_wait3A_55 = tpu.memref_slice %arg9[%dma_wait3A_53, %dma_wait3A_54] : memref<10240x128xf32, #tpu.memory_space<vmem_shared>> -> memref<10240x128xf32, #tpu.memory_space<vmem_shared>>
        tpu.wait_indirect_dma semaphore(%run_scoped3A : memref<!tpu.dma_semaphore, #tpu.memory_space<semaphore_mem>>) src(%arg8 : memref<128x128xf32, #tpu.memory_space<vmem>>) dst(%dma_wait3A_55 : memref<10240x128xf32, #tpu.memory_space<vmem_shared>>)
        tpu.yield
      }) : () -> ()
      %while3A_43 = arith.constant 0 : i32
      scf.yield %while3A_43 : i32
    }
    %while3A_25 = arith.constant 1 : i32
    %while3A_26 = scf.for %while3A_31 = %while3A_22 to %while3A_18 step %while3A_25 iter_args(%while3A_32 = %while3A_24) -> (i32)  : i32 {
      %dma_start3A = arith.constant 0 : i32
      %dma_start3A_33 = tpu.memref_slice %arg6[%while3A_31, %dma_start3A] : memref<112x128xi32, #tpu.memory_space<vmem>> -> memref<1x128xi32, #tpu.memory_space<vmem>>
      %dma_start3A_34 = tpu.memref_squeeze %dma_start3A_33 : memref<1x128xi32, #tpu.memory_space<vmem>> -> memref<128xi32, #tpu.memory_space<vmem>>
      %dma_start3A_35 = arith.constant 0 : i32
      %dma_start3A_36 = arith.constant 0 : i32
      %dma_start3A_37 = tpu.memref_slice %arg2[%dma_start3A_35, %dma_start3A_36] : memref<10240x128xf32, #tpu.memory_space<hbm>> -> memref<10240x128xf32, #tpu.memory_space<hbm>>
      tpu.enqueue_indirect_dma source(%dma_start3A_37 : memref<10240x128xf32, #tpu.memory_space<hbm>>) target(%arg8 : memref<128x128xf32, #tpu.memory_space<vmem>>) offsets(%dma_start3A_34 : memref<128xi32, #tpu.memory_space<vmem>>) semaphore(%arg10 : memref<!tpu.dma_semaphore, #tpu.memory_space<semaphore_mem>>)
      %dma_wait3A = arith.constant 0 : i32
      %dma_wait3A_38 = tpu.memref_slice %arg6[%while3A_31, %dma_wait3A] : memref<112x128xi32, #tpu.memory_space<vmem>> -> memref<1x128xi32, #tpu.memory_space<vmem>>
      %dma_wait3A_39 = tpu.memref_squeeze %dma_wait3A_38 : memref<1x128xi32, #tpu.memory_space<vmem>> -> memref<128xi32, #tpu.memory_space<vmem>>
      %dma_wait3A_40 = arith.constant 0 : i32
      %dma_wait3A_41 = arith.constant 0 : i32
      %dma_wait3A_42 = tpu.memref_slice %arg2[%dma_wait3A_40, %dma_wait3A_41] : memref<10240x128xf32, #tpu.memory_space<hbm>> -> memref<10240x128xf32, #tpu.memory_space<hbm>>
      tpu.wait_indirect_dma semaphore(%arg10 : memref<!tpu.dma_semaphore, #tpu.memory_space<semaphore_mem>>) src(%dma_wait3A_42 : memref<10240x128xf32, #tpu.memory_space<hbm>>) dst(%arg8 : memref<128x128xf32, #tpu.memory_space<vmem>>)
      "tpu.region"() ({
        %run_scoped3A = tpu.sem_alloc : memref<!tpu.dma_semaphore, #tpu.memory_space<semaphore_mem>>
        %dma_start3A_44 = arith.constant 0 : i32
        %dma_start3A_45 = tpu.memref_slice %arg7[%while3A_31, %dma_start3A_44] : memref<112x128xi32, #tpu.memory_space<vmem>> -> memref<1x128xi32, #tpu.memory_space<vmem>>
        %dma_start3A_46 = tpu.memref_squeeze %dma_start3A_45 : memref<1x128xi32, #tpu.memory_space<vmem>> -> memref<128xi32, #tpu.memory_space<vmem>>
        %dma_start3A_47 = arith.constant 0 : i32
        %dma_start3A_48 = arith.constant 0 : i32
        %dma_start3A_49 = tpu.memref_slice %arg9[%dma_start3A_47, %dma_start3A_48] : memref<10240x128xf32, #tpu.memory_space<vmem_shared>> -> memref<10240x128xf32, #tpu.memory_space<vmem_shared>>
        tpu.enqueue_indirect_dma source(%arg8 : memref<128x128xf32, #tpu.memory_space<vmem>>) target(%dma_start3A_49 : memref<10240x128xf32, #tpu.memory_space<vmem_shared>>) offsets(%dma_start3A_46 : memref<128xi32, #tpu.memory_space<vmem>>) semaphore(%run_scoped3A : memref<!tpu.dma_semaphore, #tpu.memory_space<semaphore_mem>>) {add = true}
        %dma_wait3A_50 = arith.constant 0 : i32
        %dma_wait3A_51 = tpu.memref_slice %arg7[%while3A_31, %dma_wait3A_50] : memref<112x128xi32, #tpu.memory_space<vmem>> -> memref<1x128xi32, #tpu.memory_space<vmem>>
        %dma_wait3A_52 = tpu.memref_squeeze %dma_wait3A_51 : memref<1x128xi32, #tpu.memory_space<vmem>> -> memref<128xi32, #tpu.memory_space<vmem>>
        %dma_wait3A_53 = arith.constant 0 : i32
        %dma_wait3A_54 = arith.constant 0 : i32
        %dma_wait3A_55 = tpu.memref_slice %arg9[%dma_wait3A_53, %dma_wait3A_54] : memref<10240x128xf32, #tpu.memory_space<vmem_shared>> -> memref<10240x128xf32, #tpu.memory_space<vmem_shared>>
        tpu.wait_indirect_dma semaphore(%run_scoped3A : memref<!tpu.dma_semaphore, #tpu.memory_space<semaphore_mem>>) src(%arg8 : memref<128x128xf32, #tpu.memory_space<vmem>>) dst(%dma_wait3A_55 : memref<10240x128xf32, #tpu.memory_space<vmem_shared>>)
        tpu.yield
      }) : () -> ()
      %while3A_43 = arith.constant 0 : i32
      scf.yield %while3A_43 : i32
    }
    %barrier3A_27 = arith.constant 0 : index
    tpu.barrier barrier_id(%barrier3A_27)
    %mul3A = arith.constant 640 : i32
    %mul3A_28 = arith.muli %arg1, %mul3A : i32
    %mul3A_29 = arith.constant 640 : i32
    %mul3A_30 = arith.muli %arg1, %mul3A_29 : i32
    "tpu.region"() ({
      %run_scoped3A = tpu.sem_alloc : memref<!tpu.dma_semaphore, #tpu.memory_space<semaphore_mem>>
      %dma_start3A = arith.constant 0 : i32
      %dma_start3A_31 = tpu.memref_slice %arg5[%arg0, %mul3A_30, %dma_start3A] : memref<2x10240x128xf32, #tpu.memory_space<hbm>> -> memref<1x640x128xf32, #tpu.memory_space<hbm>>
      %dma_start3A_32 = tpu.memref_squeeze %dma_start3A_31 : memref<1x640x128xf32, #tpu.memory_space<hbm>> -> memref<640x128xf32, #tpu.memory_space<hbm>>
      %dma_start3A_33 = arith.constant 0 : i32
      %dma_start3A_34 = tpu.memref_slice %arg9[%mul3A_28, %dma_start3A_33] : memref<10240x128xf32, #tpu.memory_space<vmem_shared>> -> memref<640x128xf32, #tpu.memory_space<vmem_shared>>
      tpu.enqueue_dma source(%dma_start3A_34 : memref<640x128xf32, #tpu.memory_space<vmem_shared>>) target(%dma_start3A_32 : memref<640x128xf32, #tpu.memory_space<hbm>>) target_semaphore(%run_scoped3A : memref<!tpu.dma_semaphore, #tpu.memory_space<semaphore_mem>>)
      %dma_wait3A = arith.constant 0 : i32
      %dma_wait3A_35 = tpu.memref_slice %arg5[%arg0, %mul3A_30, %dma_wait3A] : memref<2x10240x128xf32, #tpu.memory_space<hbm>> -> memref<1x640x128xf32, #tpu.memory_space<hbm>>
      %dma_wait3A_36 = tpu.memref_squeeze %dma_wait3A_35 : memref<1x640x128xf32, #tpu.memory_space<hbm>> -> memref<640x128xf32, #tpu.memory_space<hbm>>
      %dma_wait3A_37 = arith.constant 0 : i32
      %dma_wait3A_38 = tpu.memref_slice %arg9[%mul3A_28, %dma_wait3A_37] : memref<10240x128xf32, #tpu.memory_space<vmem_shared>> -> memref<640x128xf32, #tpu.memory_space<vmem_shared>>
      tpu.wait_dma2 semaphore(%run_scoped3A : memref<!tpu.dma_semaphore, #tpu.memory_space<semaphore_mem>>) src(%dma_wait3A_38 : memref<640x128xf32, #tpu.memory_space<vmem_shared>>) dst(%dma_wait3A_36 : memref<640x128xf32, #tpu.memory_space<hbm>>)
      tpu.yield
    }) : () -> ()
    return
  }
}

module attributes {stable_mosaic.version = 14 : i64} {
  func.func @_p0a_body(%arg0: i32, %arg1: memref<1024x128xf32, #tpu.memory_space<vmem>>, %arg2: memref<128x128xf32, #tpu.memory_space<vmem>>, %arg3: memref<1x128xf32, #tpu.memory_space<vmem>>, %arg4: memref<1024x128xf32, #tpu.memory_space<vmem>>) attributes {dimension_semantics = [#tpu.dimension_semantics<arbitrary>], iteration_bounds = array<i64: 10>, scalar_prefetch = 0 : i64, scratch_operands = 0 : i64, tpu.core_type = #tpu.core_type<tc>, window_params = [{transform_indices = @transform_0, window_bounds = array<i64: 1024, 128>}, {pipeline_mode = #tpu.pipeline_mode<synchronous>, transform_indices = @transform_1, window_bounds = array<i64: 128, 128>}, {pipeline_mode = #tpu.pipeline_mode<synchronous>, transform_indices = @transform_2, window_bounds = array<i64: 1, 128>}, {transform_indices = @transform_3, window_bounds = array<i64: 1024, 128>}]} {
    %get3A = arith.constant 0 : index
    %get3A_0 = arith.constant 0 : index
    %get3A_1 = vector.load %arg1[%get3A, %get3A_0] : memref<1024x128xf32, #tpu.memory_space<vmem>>, vector<1024x128xf32>
    %get3A_2 = arith.constant 0 : index
    %get3A_3 = arith.constant 0 : index
    %get3A_4 = vector.load %arg2[%get3A_2, %get3A_3] : memref<128x128xf32, #tpu.memory_space<vmem>>, vector<128x128xf32>
    %dot_general3A = arith.constant dense<0.000000e+00> : vector<1024x128xf32>
    %dot_general3A_5 = tpu.matmul %get3A_1, %get3A_4, %dot_general3A {dimension_numbers = #tpu.dot_dimension_numbers<[1], [0], [0], [1], [0, 0, 1, 1], [], []>, transpose_lhs_hint = false} : vector<1024x128xf32>, vector<128x128xf32>, vector<1024x128xf32> -> vector<1024x128xf32>
    %get3A_6 = arith.constant 0 : index
    %get3A_7 = arith.constant 0 : index
    %get3A_8 = vector.load %arg3[%get3A_6, %get3A_7] : memref<1x128xf32, #tpu.memory_space<vmem>>, vector<1x128xf32>
    %add3A = vector.broadcast %get3A_8 : vector<1x128xf32> to vector<1024x128xf32>
    %add3A_9 = arith.addf %dot_general3A_5, %add3A : vector<1024x128xf32>
    %swap3A = arith.constant 0 : index
    %swap3A_10 = arith.constant 0 : index
    %swap3A_11 = vector.load %arg4[%swap3A, %swap3A_10] : memref<1024x128xf32, #tpu.memory_space<vmem>>, vector<1024x128xf32>
    tpu.vector_store %arg4[%swap3A, %swap3A_10], %add3A_9 {strides = array<i32>} : memref<1024x128xf32, #tpu.memory_space<vmem>>, vector<1024x128xf32>,
    return
  }
  func.func @transform_0(%arg0: i32) -> (i32, i32) {
    %c0_i32 = arith.constant 0 : i32
    %c0_i32_0 = arith.constant 0 : i32
    return %arg0, %c0_i32 : i32, i32
  }
  func.func @transform_1(%arg0: i32) -> (i32, i32) {
    %c0_i32 = arith.constant 0 : i32
    %c0_i32_0 = arith.constant 0 : i32
    %c0_i32_1 = arith.constant 0 : i32
    return %c0_i32, %c0_i32_0 : i32, i32
  }
  func.func @transform_2(%arg0: i32) -> (i32, i32) {
    %c0_i32 = arith.constant 0 : i32
    %c0_i32_0 = arith.constant 0 : i32
    %c0_i32_1 = arith.constant 0 : i32
    return %c0_i32, %c0_i32_0 : i32, i32
  }
  func.func @transform_3(%arg0: i32) -> (i32, i32) {
    %c0_i32 = arith.constant 0 : i32
    %c0_i32_0 = arith.constant 0 : i32
    return %arg0, %c0_i32 : i32, i32
  }
}

module attributes {stable_mosaic.version = 14 : i64} {
  func.func @_p0b_body(%arg0: i32, %arg1: memref<1024x128xf32, #tpu.memory_space<vmem>>, %arg2: memref<2x1024xf32, #tpu.memory_space<vmem>>, %arg3: memref<2x1024xf32, #tpu.memory_space<vmem>>, %arg4: memref<1024x128xf32, #tpu.memory_space<vmem>>, %arg5: memref<1024x1xf32, #tpu.memory_space<vmem>>, %arg6: memref<1024x1xf32, #tpu.memory_space<vmem>>) attributes {dimension_semantics = [#tpu.dimension_semantics<arbitrary>], iteration_bounds = array<i64: 10>, scalar_prefetch = 0 : i64, scratch_operands = 0 : i64, tpu.core_type = #tpu.core_type<tc>, window_params = [{transform_indices = @transform_0, window_bounds = array<i64: 1024, 128>}, {transform_indices = @transform_1, window_bounds = array<i64: 2, 1024>}, {transform_indices = @transform_2, window_bounds = array<i64: 2, 1024>}, {transform_indices = @transform_3, window_bounds = array<i64: 1024, 128>}, {transform_indices = @transform_4, window_bounds = array<i64: 1024, 1>}, {transform_indices = @transform_5, window_bounds = array<i64: 1024, 1>}]} {
    %broadcast_in_dim3A = arith.constant 1.000000e+00 : f32
    %broadcast_in_dim3A_0 = vector.broadcast %broadcast_in_dim3A : f32 to vector<2x1xf32>
    %get3A = arith.constant 0 : index
    %get3A_1 = arith.constant 0 : index
    %get3A_2 = vector.load %arg2[%get3A, %get3A_1] : memref<2x1024xf32, #tpu.memory_space<vmem>>, vector<2x1024xf32>
    %dot_general3A = arith.constant dense<0.000000e+00> : vector<1024x1xf32>
    %dot_general3A_3 = tpu.matmul %get3A_2, %broadcast_in_dim3A_0, %dot_general3A {dimension_numbers = #tpu.dot_dimension_numbers<[0], [0], [1], [1], [0, 1, 1, 1], [], []>, transpose_lhs_hint = false} : vector<2x1024xf32>, vector<2x1xf32>, vector<1024x1xf32> -> vector<1024x1xf32>
    %get3A_4 = arith.constant 0 : index
    %get3A_5 = arith.constant 0 : index
    %get3A_6 = vector.load %arg3[%get3A_4, %get3A_5] : memref<2x1024xf32, #tpu.memory_space<vmem>>, vector<2x1024xf32>
    %dot_general3A_7 = arith.constant dense<0.000000e+00> : vector<1024x1xf32>
    %dot_general3A_8 = tpu.matmul %get3A_6, %broadcast_in_dim3A_0, %dot_general3A_7 {dimension_numbers = #tpu.dot_dimension_numbers<[0], [0], [1], [1], [0, 1, 1, 1], [], []>, transpose_lhs_hint = false} : vector<2x1024xf32>, vector<2x1xf32>, vector<1024x1xf32> -> vector<1024x1xf32>
    %iota3A = tpu.iota {dimensions = array<i32: 0>} : vector<1024x1xi32>
    %mul3A = arith.constant 1024 : i32
    %mul3A_9 = arith.muli %arg0, %mul3A : i32
    %add3A = vector.broadcast %mul3A_9 : i32 to vector<1024x1xi32>
    %add3A_10 = arith.addi %iota3A, %add3A : vector<1024x1xi32>
    %lt3A = arith.constant 10000 : i32
    %lt3A_11 = vector.broadcast %lt3A : i32 to vector<1024x1xi32>
    %lt3A_12 = arith.cmpi slt, %add3A_10, %lt3A_11 : vector<1024x1xi32>
    %jit3A = arith.constant 1.000000e+00 : f32
    %max3A = vector.broadcast %jit3A : f32 to vector<1024x1xf32>
    %max3A_13 = arith.maximumf %max3A, %dot_general3A_3 : vector<1024x1xf32>
    %rsqrt3A = math.rsqrt %max3A_13 : vector<1024x1xf32>
    %jit3A_14 = arith.constant 0.000000e+00 : f32
    %broadcast_in_dim3A_15 = vector.broadcast %jit3A_14 : f32 to vector<1024x1xf32>
    %select_n3A = arith.select %lt3A_12, %rsqrt3A, %broadcast_in_dim3A_15 : vector<1024x1xi1>, vector<1024x1xf32>
    %jit3A_16 = arith.constant 1.000000e+00 : f32
    %max3A_17 = vector.broadcast %jit3A_16 : f32 to vector<1024x1xf32>
    %max3A_18 = arith.maximumf %max3A_17, %dot_general3A_8 : vector<1024x1xf32>
    %rsqrt3A_19 = math.rsqrt %max3A_18 : vector<1024x1xf32>
    %jit3A_20 = arith.constant 0.000000e+00 : f32
    %broadcast_in_dim3A_21 = vector.broadcast %jit3A_20 : f32 to vector<1024x1xf32>
    %select_n3A_22 = arith.select %lt3A_12, %rsqrt3A_19, %broadcast_in_dim3A_21 : vector<1024x1xi1>, vector<1024x1xf32>
    %get3A_23 = arith.constant 0 : index
    %get3A_24 = arith.constant 0 : index
    %get3A_25 = vector.load %arg1[%get3A_23, %get3A_24] : memref<1024x128xf32, #tpu.memory_space<vmem>>, vector<1024x128xf32>
    %mul3A_26 = vector.broadcast %select_n3A : vector<1024x1xf32> to vector<1024x128xf32>
    %mul3A_27 = arith.mulf %get3A_25, %mul3A_26 : vector<1024x128xf32>
    %swap3A = arith.constant 0 : index
    %swap3A_28 = arith.constant 0 : index
    %swap3A_29 = vector.load %arg4[%swap3A, %swap3A_28] : memref<1024x128xf32, #tpu.memory_space<vmem>>, vector<1024x128xf32>
    tpu.vector_store %arg4[%swap3A, %swap3A_28], %mul3A_27 {strides = array<i32>} : memref<1024x128xf32, #tpu.memory_space<vmem>>, vector<1024x128xf32>,
    %swap3A_30 = arith.constant 0 : index
    %swap3A_31 = arith.constant 0 : index
    %swap3A_32 = vector.load %arg5[%swap3A_30, %swap3A_31] : memref<1024x1xf32, #tpu.memory_space<vmem>>, vector<1024x1xf32>
    tpu.vector_store %arg5[%swap3A_30, %swap3A_31], %select_n3A {strides = array<i32>} : memref<1024x1xf32, #tpu.memory_space<vmem>>, vector<1024x1xf32>,
    %swap3A_33 = arith.constant 0 : index
    %swap3A_34 = arith.constant 0 : index
    %swap3A_35 = vector.load %arg6[%swap3A_33, %swap3A_34] : memref<1024x1xf32, #tpu.memory_space<vmem>>, vector<1024x1xf32>
    tpu.vector_store %arg6[%swap3A_33, %swap3A_34], %select_n3A_22 {strides = array<i32>} : memref<1024x1xf32, #tpu.memory_space<vmem>>, vector<1024x1xf32>,
    return
  }
  func.func @transform_0(%arg0: i32) -> (i32, i32) {
    %c0_i32 = arith.constant 0 : i32
    %c0_i32_0 = arith.constant 0 : i32
    return %arg0, %c0_i32 : i32, i32
  }
  func.func @transform_1(%arg0: i32) -> (i32, i32) {
    %c0_i32 = arith.constant 0 : i32
    %c0_i32_0 = arith.constant 0 : i32
    return %c0_i32, %arg0 : i32, i32
  }
  func.func @transform_2(%arg0: i32) -> (i32, i32) {
    %c0_i32 = arith.constant 0 : i32
    %c0_i32_0 = arith.constant 0 : i32
    return %c0_i32, %arg0 : i32, i32
  }
  func.func @transform_3(%arg0: i32) -> (i32, i32) {
    %c0_i32 = arith.constant 0 : i32
    %c0_i32_0 = arith.constant 0 : i32
    return %arg0, %c0_i32 : i32, i32
  }
  func.func @transform_4(%arg0: i32) -> (i32, i32) {
    %c0_i32 = arith.constant 0 : i32
    %c0_i32_0 = arith.constant 0 : i32
    return %arg0, %c0_i32 : i32, i32
  }
  func.func @transform_5(%arg0: i32) -> (i32, i32) {
    %c0_i32 = arith.constant 0 : i32
    %c0_i32_0 = arith.constant 0 : i32
    return %arg0, %c0_i32 : i32, i32
  }
}

module attributes {stable_mosaic.version = 14 : i64} {
  func.func @_pg_body(%arg0: i32, %arg1: memref<2x1024x128xf32, #tpu.memory_space<vmem>>, %arg2: memref<1024x1xf32, #tpu.memory_space<vmem>>, %arg3: memref<1024x1xf32, #tpu.memory_space<vmem>>, %arg4: memref<1024x128xf32, #tpu.memory_space<vmem>>, %arg5: memref<128x128xf32, #tpu.memory_space<vmem>>, %arg6: memref<1x128xf32, #tpu.memory_space<vmem>>, %arg7: memref<128x1xf32, #tpu.memory_space<vmem>>, %arg8: memref<1x1xf32, #tpu.memory_space<vmem>>, %arg9: memref<1024x128xf32, #tpu.memory_space<vmem>>, %arg10: memref<1024x128xf32, #tpu.memory_space<vmem>>) attributes {dimension_semantics = [#tpu.dimension_semantics<arbitrary>], iteration_bounds = array<i64: 10>, scalar_prefetch = 0 : i64, scratch_operands = 0 : i64, tpu.core_type = #tpu.core_type<tc>, window_params = [{transform_indices = @transform_0, window_bounds = array<i64: 2, 1024, 128>}, {transform_indices = @transform_1, window_bounds = array<i64: 1024, 1>}, {transform_indices = @transform_2, window_bounds = array<i64: 1024, 1>}, {transform_indices = @transform_3, window_bounds = array<i64: 1024, 128>}, {pipeline_mode = #tpu.pipeline_mode<synchronous>, transform_indices = @transform_4, window_bounds = array<i64: 128, 128>}, {pipeline_mode = #tpu.pipeline_mode<synchronous>, transform_indices = @transform_5, window_bounds = array<i64: 1, 128>}, {pipeline_mode = #tpu.pipeline_mode<synchronous>, transform_indices = @transform_6, window_bounds = array<i64: 128, 1>}, {pipeline_mode = #tpu.pipeline_mode<synchronous>, transform_indices = @transform_7, window_bounds = array<i64: 1, 1>}, {transform_indices = @transform_8, window_bounds = array<i64: 1024, 128>}, {transform_indices = @transform_9, window_bounds = array<i64: 1024, 128>}]} {
    %get3A = arith.constant 0 : index
    %get3A_0 = arith.constant 0 : index
    %get3A_1 = arith.constant 0 : index
    %get3A_2 = vector.load %arg1[%get3A, %get3A_0, %get3A_1] : memref<2x1024x128xf32, #tpu.memory_space<vmem>>, vector<1x1024x128xf32>
    %get3A_3 = vector.shape_cast %get3A_2 : vector<1x1024x128xf32> to vector<1024x128xf32>
    %get3A_4 = arith.constant 1 : index
    %get3A_5 = arith.constant 0 : index
    %get3A_6 = arith.constant 0 : index
    %get3A_7 = vector.load %arg1[%get3A_4, %get3A_5, %get3A_6] : memref<2x1024x128xf32, #tpu.memory_space<vmem>>, vector<1x1024x128xf32>
    %get3A_8 = vector.shape_cast %get3A_7 : vector<1x1024x128xf32> to vector<1024x128xf32>
    %add3A = arith.addf %get3A_3, %get3A_8 : vector<1024x128xf32>
    %get3A_9 = arith.constant 0 : index
    %get3A_10 = arith.constant 0 : index
    %get3A_11 = vector.load %arg2[%get3A_9, %get3A_10] : memref<1024x1xf32, #tpu.memory_space<vmem>>, vector<1024x1xf32>
    %mul3A = vector.broadcast %get3A_11 : vector<1024x1xf32> to vector<1024x128xf32>
    %mul3A_12 = arith.mulf %add3A, %mul3A : vector<1024x128xf32>
    %get3A_13 = arith.constant 0 : index
    %get3A_14 = arith.constant 0 : index
    %get3A_15 = vector.load %arg5[%get3A_13, %get3A_14] : memref<128x128xf32, #tpu.memory_space<vmem>>, vector<128x128xf32>
    %dot_general3A = arith.constant dense<0.000000e+00> : vector<1024x128xf32>
    %dot_general3A_16 = tpu.matmul %mul3A_12, %get3A_15, %dot_general3A {dimension_numbers = #tpu.dot_dimension_numbers<[1], [0], [0], [1], [0, 0, 1, 1], [], []>, transpose_lhs_hint = false} : vector<1024x128xf32>, vector<128x128xf32>, vector<1024x128xf32> -> vector<1024x128xf32>
    %get3A_17 = arith.constant 0 : index
    %get3A_18 = arith.constant 0 : index
    %get3A_19 = vector.load %arg6[%get3A_17, %get3A_18] : memref<1x128xf32, #tpu.memory_space<vmem>>, vector<1x128xf32>
    %add3A_20 = vector.broadcast %get3A_19 : vector<1x128xf32> to vector<1024x128xf32>
    %add3A_21 = arith.addf %dot_general3A_16, %add3A_20 : vector<1024x128xf32>
    %ge3A = arith.constant 0.000000e+00 : f32
    %ge3A_22 = vector.broadcast %ge3A : f32 to vector<1024x128xf32>
    %ge3A_23 = arith.cmpf oge, %add3A_21, %ge3A_22 : vector<1024x128xf32>
    %mul3A_24 = arith.constant 0.00999999977 : f32
    %mul3A_25 = vector.broadcast %mul3A_24 : f32 to vector<1024x128xf32>
    %mul3A_26 = arith.mulf %mul3A_25, %add3A_21 : vector<1024x128xf32>
    %select_n3A = arith.select %ge3A_23, %add3A_21, %mul3A_26 : vector<1024x128xi1>, vector<1024x128xf32>
    %get3A_27 = arith.constant 0 : index
    %get3A_28 = arith.constant 0 : index
    %get3A_29 = vector.load %arg7[%get3A_27, %get3A_28] : memref<128x1xf32, #tpu.memory_space<vmem>>, vector<128x1xf32>
    %dot_general3A_30 = arith.constant dense<0.000000e+00> : vector<1024x1xf32>
    %dot_general3A_31 = tpu.matmul %select_n3A, %get3A_29, %dot_general3A_30 {dimension_numbers = #tpu.dot_dimension_numbers<[1], [0], [0], [1], [0, 0, 1, 1], [], []>, transpose_lhs_hint = false} : vector<1024x128xf32>, vector<128x1xf32>, vector<1024x1xf32> -> vector<1024x1xf32>
    %get3A_32 = arith.constant 0 : index
    %get3A_33 = arith.constant 0 : index
    %get3A_34 = vector.load %arg8[%get3A_32, %get3A_33] : memref<1x1xf32, #tpu.memory_space<vmem>>, vector<1x1xf32>
    %add3A_35 = vector.broadcast %get3A_34 : vector<1x1xf32> to vector<1024x1xf32>
    %add3A_36 = arith.addf %dot_general3A_31, %add3A_35 : vector<1024x1xf32>
    %mul3A_37 = vector.broadcast %add3A_36 : vector<1024x1xf32> to vector<1024x128xf32>
    %mul3A_38 = arith.mulf %select_n3A, %mul3A_37 : vector<1024x128xf32>
    %get3A_39 = arith.constant 0 : index
    %get3A_40 = arith.constant 0 : index
    %get3A_41 = vector.load %arg4[%get3A_39, %get3A_40] : memref<1024x128xf32, #tpu.memory_space<vmem>>, vector<1024x128xf32>
    %sub3A = arith.constant 1.000000e+00 : f32
    %sub3A_42 = vector.broadcast %sub3A : f32 to vector<1024x1xf32>
    %sub3A_43 = arith.subf %sub3A_42, %add3A_36 : vector<1024x1xf32>
    %mul3A_44 = vector.broadcast %sub3A_43 : vector<1024x1xf32> to vector<1024x128xf32>
    %mul3A_45 = arith.mulf %get3A_41, %mul3A_44 : vector<1024x128xf32>
    %add3A_46 = arith.addf %mul3A_38, %mul3A_45 : vector<1024x128xf32>
    %swap3A = arith.constant 0 : index
    %swap3A_47 = arith.constant 0 : index
    %swap3A_48 = vector.load %arg9[%swap3A, %swap3A_47] : memref<1024x128xf32, #tpu.memory_space<vmem>>, vector<1024x128xf32>
    tpu.vector_store %arg9[%swap3A, %swap3A_47], %add3A_46 {strides = array<i32>} : memref<1024x128xf32, #tpu.memory_space<vmem>>, vector<1024x128xf32>,
    %get3A_49 = arith.constant 0 : index
    %get3A_50 = arith.constant 0 : index
    %get3A_51 = vector.load %arg3[%get3A_49, %get3A_50] : memref<1024x1xf32, #tpu.memory_space<vmem>>, vector<1024x1xf32>
    %mul3A_52 = vector.broadcast %get3A_51 : vector<1024x1xf32> to vector<1024x128xf32>
    %mul3A_53 = arith.mulf %add3A_46, %mul3A_52 : vector<1024x128xf32>
    %swap3A_54 = arith.constant 0 : index
    %swap3A_55 = arith.constant 0 : index
    %swap3A_56 = vector.load %arg10[%swap3A_54, %swap3A_55] : memref<1024x128xf32, #tpu.memory_space<vmem>>, vector<1024x128xf32>
    tpu.vector_store %arg10[%swap3A_54, %swap3A_55], %mul3A_53 {strides = array<i32>} : memref<1024x128xf32, #tpu.memory_space<vmem>>, vector<1024x128xf32>,
    return
  }
  func.func @transform_0(%arg0: i32) -> (i32, i32, i32) {
    %c0_i32 = arith.constant 0 : i32
    %c0_i32_0 = arith.constant 0 : i32
    %c0_i32_1 = arith.constant 0 : i32
    return %c0_i32, %arg0, %c0_i32_0 : i32, i32, i32
  }
  func.func @transform_1(%arg0: i32) -> (i32, i32) {
    %c0_i32 = arith.constant 0 : i32
    %c0_i32_0 = arith.constant 0 : i32
    return %arg0, %c0_i32 : i32, i32
  }
  func.func @transform_2(%arg0: i32) -> (i32, i32) {
    %c0_i32 = arith.constant 0 : i32
    %c0_i32_0 = arith.constant 0 : i32
    return %arg0, %c0_i32 : i32, i32
  }
  func.func @transform_3(%arg0: i32) -> (i32, i32) {
    %c0_i32 = arith.constant 0 : i32
    %c0_i32_0 = arith.constant 0 : i32
    return %arg0, %c0_i32 : i32, i32
  }
  func.func @transform_4(%arg0: i32) -> (i32, i32) {
    %c0_i32 = arith.constant 0 : i32
    %c0_i32_0 = arith.constant 0 : i32
    %c0_i32_1 = arith.constant 0 : i32
    return %c0_i32, %c0_i32_0 : i32, i32
  }
  func.func @transform_5(%arg0: i32) -> (i32, i32) {
    %c0_i32 = arith.constant 0 : i32
    %c0_i32_0 = arith.constant 0 : i32
    %c0_i32_1 = arith.constant 0 : i32
    return %c0_i32, %c0_i32_0 : i32, i32
  }
  func.func @transform_6(%arg0: i32) -> (i32, i32) {
    %c0_i32 = arith.constant 0 : i32
    %c0_i32_0 = arith.constant 0 : i32
    %c0_i32_1 = arith.constant 0 : i32
    return %c0_i32, %c0_i32_0 : i32, i32
  }
  func.func @transform_7(%arg0: i32) -> (i32, i32) {
    %c0_i32 = arith.constant 0 : i32
    %c0_i32_0 = arith.constant 0 : i32
    %c0_i32_1 = arith.constant 0 : i32
    return %c0_i32, %c0_i32_0 : i32, i32
  }
  func.func @transform_8(%arg0: i32) -> (i32, i32) {
    %c0_i32 = arith.constant 0 : i32
    %c0_i32_0 = arith.constant 0 : i32
    return %arg0, %c0_i32 : i32, i32
  }
  func.func @transform_9(%arg0: i32) -> (i32, i32) {
    %c0_i32 = arith.constant 0 : i32
    %c0_i32_0 = arith.constant 0 : i32
    return %arg0, %c0_i32 : i32, i32
  }
}

module attributes {stable_mosaic.version = 14 : i64} {
  func.func @_pg_body(%arg0: i32, %arg1: memref<2x1024x128xf32, #tpu.memory_space<vmem>>, %arg2: memref<1024x1xf32, #tpu.memory_space<vmem>>, %arg3: memref<1024x1xf32, #tpu.memory_space<vmem>>, %arg4: memref<1024x128xf32, #tpu.memory_space<vmem>>, %arg5: memref<128x128xf32, #tpu.memory_space<vmem>>, %arg6: memref<1x128xf32, #tpu.memory_space<vmem>>, %arg7: memref<128x1xf32, #tpu.memory_space<vmem>>, %arg8: memref<1x1xf32, #tpu.memory_space<vmem>>, %arg9: memref<1024x128xf32, #tpu.memory_space<vmem>>, %arg10: memref<1024x128xf32, #tpu.memory_space<vmem>>) attributes {dimension_semantics = [#tpu.dimension_semantics<arbitrary>], iteration_bounds = array<i64: 10>, scalar_prefetch = 0 : i64, scratch_operands = 0 : i64, tpu.core_type = #tpu.core_type<tc>, window_params = [{transform_indices = @transform_0, window_bounds = array<i64: 2, 1024, 128>}, {transform_indices = @transform_1, window_bounds = array<i64: 1024, 1>}, {transform_indices = @transform_2, window_bounds = array<i64: 1024, 1>}, {transform_indices = @transform_3, window_bounds = array<i64: 1024, 128>}, {pipeline_mode = #tpu.pipeline_mode<synchronous>, transform_indices = @transform_4, window_bounds = array<i64: 128, 128>}, {pipeline_mode = #tpu.pipeline_mode<synchronous>, transform_indices = @transform_5, window_bounds = array<i64: 1, 128>}, {pipeline_mode = #tpu.pipeline_mode<synchronous>, transform_indices = @transform_6, window_bounds = array<i64: 128, 1>}, {pipeline_mode = #tpu.pipeline_mode<synchronous>, transform_indices = @transform_7, window_bounds = array<i64: 1, 1>}, {transform_indices = @transform_8, window_bounds = array<i64: 1024, 128>}, {transform_indices = @transform_9, window_bounds = array<i64: 1024, 128>}]} {
    %get3A = arith.constant 0 : index
    %get3A_0 = arith.constant 0 : index
    %get3A_1 = arith.constant 0 : index
    %get3A_2 = vector.load %arg1[%get3A, %get3A_0, %get3A_1] : memref<2x1024x128xf32, #tpu.memory_space<vmem>>, vector<1x1024x128xf32>
    %get3A_3 = vector.shape_cast %get3A_2 : vector<1x1024x128xf32> to vector<1024x128xf32>
    %get3A_4 = arith.constant 1 : index
    %get3A_5 = arith.constant 0 : index
    %get3A_6 = arith.constant 0 : index
    %get3A_7 = vector.load %arg1[%get3A_4, %get3A_5, %get3A_6] : memref<2x1024x128xf32, #tpu.memory_space<vmem>>, vector<1x1024x128xf32>
    %get3A_8 = vector.shape_cast %get3A_7 : vector<1x1024x128xf32> to vector<1024x128xf32>
    %add3A = arith.addf %get3A_3, %get3A_8 : vector<1024x128xf32>
    %get3A_9 = arith.constant 0 : index
    %get3A_10 = arith.constant 0 : index
    %get3A_11 = vector.load %arg2[%get3A_9, %get3A_10] : memref<1024x1xf32, #tpu.memory_space<vmem>>, vector<1024x1xf32>
    %mul3A = vector.broadcast %get3A_11 : vector<1024x1xf32> to vector<1024x128xf32>
    %mul3A_12 = arith.mulf %add3A, %mul3A : vector<1024x128xf32>
    %get3A_13 = arith.constant 0 : index
    %get3A_14 = arith.constant 0 : index
    %get3A_15 = vector.load %arg5[%get3A_13, %get3A_14] : memref<128x128xf32, #tpu.memory_space<vmem>>, vector<128x128xf32>
    %dot_general3A = arith.constant dense<0.000000e+00> : vector<1024x128xf32>
    %dot_general3A_16 = tpu.matmul %mul3A_12, %get3A_15, %dot_general3A {dimension_numbers = #tpu.dot_dimension_numbers<[1], [0], [0], [1], [0, 0, 1, 1], [], []>, transpose_lhs_hint = false} : vector<1024x128xf32>, vector<128x128xf32>, vector<1024x128xf32> -> vector<1024x128xf32>
    %get3A_17 = arith.constant 0 : index
    %get3A_18 = arith.constant 0 : index
    %get3A_19 = vector.load %arg6[%get3A_17, %get3A_18] : memref<1x128xf32, #tpu.memory_space<vmem>>, vector<1x128xf32>
    %add3A_20 = vector.broadcast %get3A_19 : vector<1x128xf32> to vector<1024x128xf32>
    %add3A_21 = arith.addf %dot_general3A_16, %add3A_20 : vector<1024x128xf32>
    %ge3A = arith.constant 0.000000e+00 : f32
    %ge3A_22 = vector.broadcast %ge3A : f32 to vector<1024x128xf32>
    %ge3A_23 = arith.cmpf oge, %add3A_21, %ge3A_22 : vector<1024x128xf32>
    %mul3A_24 = arith.constant 0.00999999977 : f32
    %mul3A_25 = vector.broadcast %mul3A_24 : f32 to vector<1024x128xf32>
    %mul3A_26 = arith.mulf %mul3A_25, %add3A_21 : vector<1024x128xf32>
    %select_n3A = arith.select %ge3A_23, %add3A_21, %mul3A_26 : vector<1024x128xi1>, vector<1024x128xf32>
    %get3A_27 = arith.constant 0 : index
    %get3A_28 = arith.constant 0 : index
    %get3A_29 = vector.load %arg7[%get3A_27, %get3A_28] : memref<128x1xf32, #tpu.memory_space<vmem>>, vector<128x1xf32>
    %dot_general3A_30 = arith.constant dense<0.000000e+00> : vector<1024x1xf32>
    %dot_general3A_31 = tpu.matmul %select_n3A, %get3A_29, %dot_general3A_30 {dimension_numbers = #tpu.dot_dimension_numbers<[1], [0], [0], [1], [0, 0, 1, 1], [], []>, transpose_lhs_hint = false} : vector<1024x128xf32>, vector<128x1xf32>, vector<1024x1xf32> -> vector<1024x1xf32>
    %get3A_32 = arith.constant 0 : index
    %get3A_33 = arith.constant 0 : index
    %get3A_34 = vector.load %arg8[%get3A_32, %get3A_33] : memref<1x1xf32, #tpu.memory_space<vmem>>, vector<1x1xf32>
    %add3A_35 = vector.broadcast %get3A_34 : vector<1x1xf32> to vector<1024x1xf32>
    %add3A_36 = arith.addf %dot_general3A_31, %add3A_35 : vector<1024x1xf32>
    %mul3A_37 = vector.broadcast %add3A_36 : vector<1024x1xf32> to vector<1024x128xf32>
    %mul3A_38 = arith.mulf %select_n3A, %mul3A_37 : vector<1024x128xf32>
    %get3A_39 = arith.constant 0 : index
    %get3A_40 = arith.constant 0 : index
    %get3A_41 = vector.load %arg4[%get3A_39, %get3A_40] : memref<1024x128xf32, #tpu.memory_space<vmem>>, vector<1024x128xf32>
    %sub3A = arith.constant 1.000000e+00 : f32
    %sub3A_42 = vector.broadcast %sub3A : f32 to vector<1024x1xf32>
    %sub3A_43 = arith.subf %sub3A_42, %add3A_36 : vector<1024x1xf32>
    %mul3A_44 = vector.broadcast %sub3A_43 : vector<1024x1xf32> to vector<1024x128xf32>
    %mul3A_45 = arith.mulf %get3A_41, %mul3A_44 : vector<1024x128xf32>
    %add3A_46 = arith.addf %mul3A_38, %mul3A_45 : vector<1024x128xf32>
    %swap3A = arith.constant 0 : index
    %swap3A_47 = arith.constant 0 : index
    %swap3A_48 = vector.load %arg9[%swap3A, %swap3A_47] : memref<1024x128xf32, #tpu.memory_space<vmem>>, vector<1024x128xf32>
    tpu.vector_store %arg9[%swap3A, %swap3A_47], %add3A_46 {strides = array<i32>} : memref<1024x128xf32, #tpu.memory_space<vmem>>, vector<1024x128xf32>,
    %get3A_49 = arith.constant 0 : index
    %get3A_50 = arith.constant 0 : index
    %get3A_51 = vector.load %arg3[%get3A_49, %get3A_50] : memref<1024x1xf32, #tpu.memory_space<vmem>>, vector<1024x1xf32>
    %mul3A_52 = vector.broadcast %get3A_51 : vector<1024x1xf32> to vector<1024x128xf32>
    %mul3A_53 = arith.mulf %add3A_46, %mul3A_52 : vector<1024x128xf32>
    %swap3A_54 = arith.constant 0 : index
    %swap3A_55 = arith.constant 0 : index
    %swap3A_56 = vector.load %arg10[%swap3A_54, %swap3A_55] : memref<1024x128xf32, #tpu.memory_space<vmem>>, vector<1024x128xf32>
    tpu.vector_store %arg10[%swap3A_54, %swap3A_55], %mul3A_53 {strides = array<i32>} : memref<1024x128xf32, #tpu.memory_space<vmem>>, vector<1024x128xf32>,
    return
  }
  func.func @transform_0(%arg0: i32) -> (i32, i32, i32) {
    %c0_i32 = arith.constant 0 : i32
    %c0_i32_0 = arith.constant 0 : i32
    %c0_i32_1 = arith.constant 0 : i32
    return %c0_i32, %arg0, %c0_i32_0 : i32, i32, i32
  }
  func.func @transform_1(%arg0: i32) -> (i32, i32) {
    %c0_i32 = arith.constant 0 : i32
    %c0_i32_0 = arith.constant 0 : i32
    return %arg0, %c0_i32 : i32, i32
  }
  func.func @transform_2(%arg0: i32) -> (i32, i32) {
    %c0_i32 = arith.constant 0 : i32
    %c0_i32_0 = arith.constant 0 : i32
    return %arg0, %c0_i32 : i32, i32
  }
  func.func @transform_3(%arg0: i32) -> (i32, i32) {
    %c0_i32 = arith.constant 0 : i32
    %c0_i32_0 = arith.constant 0 : i32
    return %arg0, %c0_i32 : i32, i32
  }
  func.func @transform_4(%arg0: i32) -> (i32, i32) {
    %c0_i32 = arith.constant 0 : i32
    %c0_i32_0 = arith.constant 0 : i32
    %c0_i32_1 = arith.constant 0 : i32
    return %c0_i32, %c0_i32_0 : i32, i32
  }
  func.func @transform_5(%arg0: i32) -> (i32, i32) {
    %c0_i32 = arith.constant 0 : i32
    %c0_i32_0 = arith.constant 0 : i32
    %c0_i32_1 = arith.constant 0 : i32
    return %c0_i32, %c0_i32_0 : i32, i32
  }
  func.func @transform_6(%arg0: i32) -> (i32, i32) {
    %c0_i32 = arith.constant 0 : i32
    %c0_i32_0 = arith.constant 0 : i32
    %c0_i32_1 = arith.constant 0 : i32
    return %c0_i32, %c0_i32_0 : i32, i32
  }
  func.func @transform_7(%arg0: i32) -> (i32, i32) {
    %c0_i32 = arith.constant 0 : i32
    %c0_i32_0 = arith.constant 0 : i32
    %c0_i32_1 = arith.constant 0 : i32
    return %c0_i32, %c0_i32_0 : i32, i32
  }
  func.func @transform_8(%arg0: i32) -> (i32, i32) {
    %c0_i32 = arith.constant 0 : i32
    %c0_i32_0 = arith.constant 0 : i32
    return %arg0, %c0_i32 : i32, i32
  }
  func.func @transform_9(%arg0: i32) -> (i32, i32) {
    %c0_i32 = arith.constant 0 : i32
    %c0_i32_0 = arith.constant 0 : i32
    return %arg0, %c0_i32 : i32, i32
  }
}

module attributes {stable_mosaic.version = 14 : i64} {
  func.func @_p3_body(%arg0: i32, %arg1: memref<2x400x128xf32, #tpu.memory_space<vmem>>, %arg2: memref<400x1xf32, #tpu.memory_space<vmem>>, %arg3: memref<128x256xf32, #tpu.memory_space<vmem>>, %arg4: memref<1x256xf32, #tpu.memory_space<vmem>>, %arg5: memref<400x129xf32, #tpu.memory_space<vmem>>) attributes {dimension_semantics = [#tpu.dimension_semantics<arbitrary>], iteration_bounds = array<i64: 25>, scalar_prefetch = 0 : i64, scratch_operands = 0 : i64, tpu.core_type = #tpu.core_type<tc>, window_params = [{transform_indices = @transform_0, window_bounds = array<i64: 2, 400, 128>}, {transform_indices = @transform_1, window_bounds = array<i64: 400, 1>}, {pipeline_mode = #tpu.pipeline_mode<synchronous>, transform_indices = @transform_2, window_bounds = array<i64: 128, 256>}, {pipeline_mode = #tpu.pipeline_mode<synchronous>, transform_indices = @transform_3, window_bounds = array<i64: 1, 256>}, {transform_indices = @transform_4, window_bounds = array<i64: 400, 129>}]} {
    %get3A = arith.constant 0 : index
    %get3A_0 = arith.constant 0 : index
    %get3A_1 = arith.constant 0 : index
    %get3A_2 = vector.load %arg1[%get3A, %get3A_0, %get3A_1] : memref<2x400x128xf32, #tpu.memory_space<vmem>>, vector<1x400x128xf32>
    %get3A_3 = vector.shape_cast %get3A_2 : vector<1x400x128xf32> to vector<400x128xf32>
    %get3A_4 = arith.constant 1 : index
    %get3A_5 = arith.constant 0 : index
    %get3A_6 = arith.constant 0 : index
    %get3A_7 = vector.load %arg1[%get3A_4, %get3A_5, %get3A_6] : memref<2x400x128xf32, #tpu.memory_space<vmem>>, vector<1x400x128xf32>
    %get3A_8 = vector.shape_cast %get3A_7 : vector<1x400x128xf32> to vector<400x128xf32>
    %add3A = arith.addf %get3A_3, %get3A_8 : vector<400x128xf32>
    %get3A_9 = arith.constant 0 : index
    %get3A_10 = arith.constant 0 : index
    %get3A_11 = vector.load %arg2[%get3A_9, %get3A_10] : memref<400x1xf32, #tpu.memory_space<vmem>>, vector<400x1xf32>
    %mul3A = vector.broadcast %get3A_11 : vector<400x1xf32> to vector<400x128xf32>
    %mul3A_12 = arith.mulf %add3A, %mul3A : vector<400x128xf32>
    %get3A_13 = arith.constant 0 : index
    %get3A_14 = arith.constant 0 : index
    %get3A_15 = vector.load %arg3[%get3A_13, %get3A_14] : memref<128x256xf32, #tpu.memory_space<vmem>>, vector<128x256xf32>
    %dot_general3A = arith.constant dense<0.000000e+00> : vector<400x256xf32>
    %dot_general3A_16 = tpu.matmul %mul3A_12, %get3A_15, %dot_general3A {dimension_numbers = #tpu.dot_dimension_numbers<[1], [0], [0], [1], [0, 0, 1, 1], [], []>, transpose_lhs_hint = false} : vector<400x128xf32>, vector<128x256xf32>, vector<400x256xf32> -> vector<400x256xf32>
    %get3A_17 = arith.constant 0 : index
    %get3A_18 = arith.constant 0 : index
    %get3A_19 = vector.load %arg4[%get3A_17, %get3A_18] : memref<1x256xf32, #tpu.memory_space<vmem>>, vector<1x256xf32>
    %add3A_20 = vector.broadcast %get3A_19 : vector<1x256xf32> to vector<400x256xf32>
    %add3A_21 = arith.addf %dot_general3A_16, %add3A_20 : vector<400x256xf32>
    %ge3A = arith.constant 0.000000e+00 : f32
    %ge3A_22 = vector.broadcast %ge3A : f32 to vector<400x256xf32>
    %ge3A_23 = arith.cmpf oge, %add3A_21, %ge3A_22 : vector<400x256xf32>
    %mul3A_24 = arith.constant 0.00999999977 : f32
    %mul3A_25 = vector.broadcast %mul3A_24 : f32 to vector<400x256xf32>
    %mul3A_26 = arith.mulf %mul3A_25, %add3A_21 : vector<400x256xf32>
    %select_n3A = arith.select %ge3A_23, %add3A_21, %mul3A_26 : vector<400x256xi1>, vector<400x256xf32>
    %slice3A = vector.extract_strided_slice %select_n3A {offsets = [0, 0], sizes = [400, 129], strides = [1, 1]} : vector<400x256xf32> to vector<400x129xf32>
    %swap3A = arith.constant 0 : index
    %swap3A_27 = arith.constant 0 : index
    %swap3A_28 = vector.load %arg5[%swap3A, %swap3A_27] : memref<400x129xf32, #tpu.memory_space<vmem>>, vector<400x129xf32>
    tpu.vector_store %arg5[%swap3A, %swap3A_27], %slice3A {strides = array<i32>} : memref<400x129xf32, #tpu.memory_space<vmem>>, vector<400x129xf32>,
    return
  }
  func.func @transform_0(%arg0: i32) -> (i32, i32, i32) {
    %c0_i32 = arith.constant 0 : i32
    %c0_i32_0 = arith.constant 0 : i32
    %c0_i32_1 = arith.constant 0 : i32
    return %c0_i32, %arg0, %c0_i32_0 : i32, i32, i32
  }
  func.func @transform_1(%arg0: i32) -> (i32, i32) {
    %c0_i32 = arith.constant 0 : i32
    %c0_i32_0 = arith.constant 0 : i32
    return %arg0, %c0_i32 : i32, i32
  }
  func.func @transform_2(%arg0: i32) -> (i32, i32) {
    %c0_i32 = arith.constant 0 : i32
    %c0_i32_0 = arith.constant 0 : i32
    %c0_i32_1 = arith.constant 0 : i32
    return %c0_i32, %c0_i32_0 : i32, i32
  }
  func.func @transform_3(%arg0: i32) -> (i32, i32) {
    %c0_i32 = arith.constant 0 : i32
    %c0_i32_0 = arith.constant 0 : i32
    %c0_i32_1 = arith.constant 0 : i32
    return %c0_i32, %c0_i32_0 : i32, i32
  }
  func.func @transform_4(%arg0: i32) -> (i32, i32) {
    %c0_i32 = arith.constant 0 : i32
    %c0_i32_0 = arith.constant 0 : i32
    return %arg0, %c0_i32 : i32, i32
  }
}

</mosaic_0001>

<sc_bundles>
// kernel: kernel.11.cloned.1.call-start
scs
__scs_entry_jumppad:
0x0: {  	(pc) =	sbr.rel $0x88, $3  }
0x1: {  	(tag) =	ssettag $0x0;
	lr =	simm.s32 $0x1  }
0x2: {  	[smem:$0x3F94] =	sst lr;
	_ =	strace $0xD0000000  }
0x3: {  	_ = 	snop  }
0x4: {  	_ = 	snop  }
0x5: {  	_ = 	snop  }
0x6: {  	_ = 	snop  }
0x7: {  	_ = 	snop  }
__scs_overlays_trampoline_lowered:
0x8: {  	[smem:$0x3FA3] =	sst s0  }
0x9: {  	[smem:$0x3FA4] =	sst s1  }
0xa: {  	[smem:$0x3FA5] =	sst s2  }
0xb: {  	[smem:$0x3FA6] =	sst s3  }
0xc: {  	[smem:$0x3FA7] =	sst s4  }
0xd: {  	[smem:$0x3FA8] =	sst s5  }
0xe: {  	[smem:$0x3FA9] =	sst s6  }
0xf: {  	[smem:$0x3FAA] =	sst s7  }
0x10: {  	[smem:$0x3FAB] =	sst s8  }
0x11: {  	[smem:$0x3FAC] =	sst s9;
	s0 =	simm.s32 @!p0 $0x0  }
0x12: {  	s1 =	sld [smem:$0x3F92];
	s0 =	simm.s32 @p0 $0x1  }
0x13: {  	[smem:$0x3FAD] =	sst s0;
	s0 =	simm.s32 @!p1 $0x0  }
0x14: {  	s2 =	sld [smem:$0x3F91];
	s0 =	simm.s32 @p1 $0x1  }
0x15: {  	[smem:$0x3FAE] =	sst s0;
	s0 =	simm.s32 @!p2 $0x0  }
0x16: {  	s3 =	sld [smem:$0x3FDB];
	s0 =	simm.s32 @p2 $0x1  }
0x17: {  	s4 =	simm.s32 $0x1BF5;
	[smem:$0x3FB0] =	sst s0  }
0x18: {  	s0 =	sld [smem:$0x3F93];
	_ =	swait.ge [sflag:s4], $0x0  }
0x19: {  	s7 =	sld [smem:$0x3F94]  }
0x1a: {  	s8 =	sadd.s32 $0xFFFFE003, lr  }
0x1b: {  	s9 =	sadd.s32 $0xFFFFFEF7, lr;
	s5 =	simm.s32 $0xFFFFFFFF;
	p2 =	slt.u32 s8, $0xFFFFF086  }
0x1c: {  	p1 =	slt.u32 s9, $0xF7A;
	s5 =	simm.s32 @!p2 $0x0  }
0x1d: {  	s5 =	simm.s32 @p1 $0x1;
	p0 =	seq.s32 s7, s2  }
0x1e: {  	s7 =	smul.u32 @!p0 $0xF7A, s2;
	p2 =	seq.s32 @!p0 s5, $0x0  }
0x1f: {  	s9 =	smul.u32 $0xF7A, s1;
	s8 =	simm.s32 @!p0 $0x1BF5;
	p2 =	por !p2, p0  }
0x20: {  	[sflag:s8] =	ssyncset.s32 @!p0 $0xFFFFF086;
	s6 =	sadd.s32 @!p0 s3, s7;
	s7 =	simm.s32 @!p0 $0x108  }
0x21: {  	s3 =	sadd.s32 s3, s9;
	s6 =	sadd.s32 @!p0 $0x88, s6;
	s7 =	simm.s32 @p2 $0x1082  }
0x22: {  	[simem:s7], [sflag:s8] =	dma.local @!p0 [hbm:s6], $0xF7A  }
0x23: {  	s9 =	sor.u32 $0xD0000000, s2;
	s6 =	simm.s32 $0x108;
	_ =	swait.ge @!p0 [sflag:s8], $0x0  }
0x24: {  	s3 =	sadd.s32 $0x88, s3;
	s6 =	simm.s32 @!p1 $0x1082;
	[sflag:s4] =	ssyncset.s32 $0xFFFFF086  }
0x25: {  	[simem:s6], [sflag:s4] =	dma.local [hbm:s3], $0xF7A  }
0x26: {  	[smem:$0x3F94] =	sst s1;
	(tag) =	ssettag s2;
	_ =	strace s9  }
0x27: {  	s1 =	sld [smem:$0x3FA4]  }
0x28: {  	s2 =	sld [smem:$0x3FA5]  }
0x29: {  	s4 =	sld [smem:$0x3FA7]  }
0x2a: {  	p0 =	seq.s32 s5, $0x0;
	s5 =	sld [smem:$0x3FA8]  }
0x2b: {  	s6 =	sld [smem:$0x3FA9]  }
0x2c: {  	s7 =	sld [smem:$0x3FAA]  }
0x2d: {  	s3 =	simm.s32 $0x108;
	s8 =	sld [smem:$0x3FAB]  }
0x2e: {  	s3 =	simm.s32 @!p0 $0x1082;
	s9 =	sld [smem:$0x3FAC]  }
0x2f: {  	lr =	sadd.s32 s0, s3;
	s0 =	sld [smem:$0x3FA3]  }
0x30: {  	s3 =	sld [smem:$0x3FA6]  }
0x31: {  	[smem:$0x3FAF] =	sst s10  }
0x32: {  	s10 =	sld [smem:$0x3FAD];
	_ =	sdelay $0x3  }
0x33: {  	p0 =	seq.s32 s10, $0x1;
	s10 =	sld [smem:$0x3FAF];
	_ =	sdelay $0x3  }
0x34: {  	[smem:$0x3FAF] =	sst s10  }
0x35: {  	s10 =	sld [smem:$0x3FAE];
	_ =	sdelay $0x3  }
0x36: {  	p1 =	seq.s32 s10, $0x1;
	s10 =	sld [smem:$0x3FAF];
	_ =	sdelay $0x3  }
0x37: {  	[smem:$0x3FAF] =	sst s10  }
0x38: {  	s10 =	sld [smem:$0x3FB0]  }
0x39: {  	_ = 	snop;
	(pc) =	sbr.ind lr, $3  }
0x3a: {  	_ = 	snop  }
0x3b: {  	_ = 	snop  }
0x3c: {  	p2 =	seq.s32 s10, $0x1;
	s10 =	sld [smem:$0x3FAF]  }
0x3d: {  	_ =	shalt  }
0x3e: {  	_ =	shalt  }
0x3f: {  	_ =	shalt  }
0x40: {  	_ =	shalt  }
0x41: {  	_ =	shalt  }
0x42: {  	_ =	shalt  }
0x43: {  	_ =	shalt  }
0x44: {  	_ =	shalt  }
0x45: {  	_ =	shalt  }
0x46: {  	_ =	shalt  }
0x47: {  	_ =	shalt  }
0x48: {  	_ =	shalt  }
0x49: {  	_ =	shalt  }
0x4a: {  	_ =	shalt  }
0x4b: {  	_ =	shalt  }
0x4c: {  	_ =	shalt  }
0x4d: {  	_ =	shalt  }
0x4e: {  	_ =	shalt  }
0x4f: {  	_ =	shalt  }
0x50: {  	_ =	shalt  }
0x51: {  	_ =	shalt  }
0x52: {  	_ =	shalt  }
0x53: {  	_ =	shalt  }
0x54: {  	_ =	shalt  }
0x55: {  	_ =	shalt  }
0x56: {  	_ =	shalt  }
0x57: {  	_ =	shalt  }
0x58: {  	_ =	shalt  }
0x59: {  	_ =	shalt  }
0x5a: {  	_ =	shalt  }
0x5b: {  	_ =	shalt  }
0x5c: {  	_ =	shalt  }
0x5d: {  	_ =	shalt  }
0x5e: {  	_ =	shalt  }
0x5f: {  	_ =	shalt  }
0x60: {  	_ =	shalt  }
0x61: {  	_ =	shalt  }
0x62: {  	_ =	shalt  }
0x63: {  	_ =	shalt  }
0x64: {  	_ =	shalt  }
0x65: {  	_ =	shalt  }
0x66: {  	_ =	shalt  }
0x67: {  	_ =	shalt  }
0x68: {  	_ =	shalt  }
0x69: {  	_ =	shalt  }
0x6a: {  	_ =	shalt  }
0x6b: {  	_ =	shalt  }
0x6c: {  	_ =	shalt  }
0x6d: {  	_ =	shalt  }
0x6e: {  	_ =	shalt  }
0x6f: {  	_ =	shalt  }
0x70: {  	_ =	shalt  }
0x71: {  	_ =	shalt  }
0x72: {  	_ =	shalt  }
0x73: {  	_ =	shalt  }
0x74: {  	_ =	shalt  }
0x75: {  	_ =	shalt  }
0x76: {  	_ =	shalt  }
0x77: {  	_ =	shalt  }
0x78: {  	_ =	shalt  }
0x79: {  	_ =	shalt  }
0x7a: {  	_ =	shalt  }
0x7b: {  	_ =	shalt  }
0x7c: {  	_ =	shalt  }
0x7d: {  	_ =	shalt  }
0x7e: {  	_ =	shalt  }
0x7f: {  	_ =	shalt  }
0x80: {  	_ =	shalt  }
0x81: {  	_ =	shalt  }
0x82: {  	_ =	shalt  }
0x83: {  	_ =	shalt  }
0x84: {  	_ =	shalt  }
0x85: {  	_ =	shalt  }
0x86: {  	_ =	shalt  }
0x87: {  	_ =	shalt  }
.Lfunc_end0:
.L_simem_size_0:
called_computation_lowered:
.L_overlay_start_0:
0x88: {  	s2 =	sld [smem:$0x3FD9]  }
0x89: {  	s3 =	sld [smem:$0x3FFE];
	_ =	sdelay $0x1  }
0x8a: {  	s1 =	srdreg.scid  }
0x8b: {  	s0 =	sand.u32 $0x1, s1  }
0x8c: {  	s17 =	sshll.u32 s0, $0xA;
	s2 =	sadd.s32 s3, s2  }
0x8d: {  	s2 =	sadd.s32 s2, s17  }
0x8e: {  	[smem:$0x3FBB] =	sst s2  }
0x8f: {  	_ = 	snop  }
0x90: {  	s2 =	sld [smem:$0x3FD0];
	(tm) =	ssettm $0x1  }
0x91: {  	s18 =	sld [smem:$0x3FFB];
	_ =	sdelay $0x3  }
0x92: {  	_ =	strace s18  }
0x93: {  	s3 =	sld [smem:$0x3FFC];
	_ =	sdelay $0x3  }
0x94: {  	_ =	strace s3  }
0x95: {  	s3 =	sld [smem:$0x3FFD];
	_ =	sdelay $0x3  }
0x96: {  	_ =	strace s3  }
0x97: {  	_ =	strace $0x8FFFFFFF  }
0x98: {  	s19 =	sld [smem:$0x3FDB];
	_ =	sdelay $0x1  }
0x99: {  	s4 =	simm.s32 $_scs_section_size  }
0x9a: {  	s5 =	simm.s32 $_size__tile_overlayer_lowered;
	s6 =	simm.s32 $_tile_overlayer_lowered  }
0x9b: {  	s22 =	simm.s32 $0x1BFF;
	s21 =	sshll.u32 s6, $0x1;
	s3 =	sadd.s32 s4, s19  }
0x9c: {  	s7 =	simm.s32 $0x0;
	s20 =	sshll.u32 s5, $0x1;
	s5 =	sadd.s32 s21, s3  }
0x9d: {  	[timem:s7], [sflag:s22] =	dma.local [hbm:s5], s20  }
0x9e: {  	_ =	swait.ge [sflag:s22], s20  }
0x9f: {  	s4 =	ssub.s32 $0x0, s20;
	[sflag:s22] =	ssyncset.done $0x0  }
0xa0: {  	[sflag:s22] =	ssyncadd.s32 s4;
	_ =	sdelay $0x1  }
0xa1: {  	s23 =	simm.s32 $0x1B8B  }
0xa2: {  	_ =	swait.ge [sflag:s23], $0x1  }
0xa3: {  	[sflag:s23] =	ssyncset.done $0x0  }
0xa4: {  	s25 =	simm.s32 $0x1B8E;
	s24 =	sld [smem:$0x3FFE];
	[sflag:s23] =	ssyncadd.s32 $0xFFFFFFFF  }
0xa5: {  	s26 =	simm.s32 $execute0_lowered;
	[smem:$0x3FD2] =	sst s25  }
0xa6: {  	s5 =	sshll.u32 s26, $0x1;
	_ =	strace $0x80000046;
	[dreg:$0x1] =	wrdreg $0xFFFFFFFF  }
0xa7: {  	s28 =	simm.s32 $_size_execute0_lowered;
	s3 =	sadd.s32 s3, s5;
	[dreg:$0x0] =	wrdreg $0x0  }
0xa8: {  	s5 =	sshll.u32 s28, $0x1;
	[dreg:$0x2] =	wrdreg s3  }
0xa9: {  	[dreg:$0x3] =	wrdreg s5  }
0xaa: {  	[dreg:$0x4] =	wrdreg $0xC0  }
0xab: {  	_ =	task [dreg:s7], $0x5FFFF  }
0xac: {  	[dreg:$0x1] =	wrdreg $0xFFFFFFFF  }
0xad: {  	[dreg:$0x0] =	wrdreg $0x60  }
0xae: {  	[dreg:$0x2] =	wrdreg s24  }
0xaf: {  	[dreg:$0x3] =	wrdreg s2  }
0xb0: {  	[dreg:$0x4] =	wrdreg $0x73000  }
0xb1: {  	[dreg:$0x5] =	wrdreg $0x75800  }
0xb2: {  	[dreg:$0x6] =	wrdreg $0x9  }
0xb3: {  	_ =	task.clear_ibuf [dreg:s7], $0x7FFFF;
	_ =	strace $0x90000046  }
0xb4: {  	s29 =	simm.s32 $0x9;
	_ =	strace $0x80000048  }
0xb5: {  	_ =	swait.ge [sflag:s29], $0x1  }
0xb6: {  	[sflag:s29] =	ssyncadd.s32 $0xFFFFFFFF  }
0xb7: {  	_ =	strace $0x90000048  }
0xb8: {  	_ =	sfence  }
0xb9: {  	s30 =	sld [smem:$0x0];
	_ =	sdelay $0x2  }
0xba: {  	s31 =	sshll.u32 s1, $0xD;
	s1 =	sshrl.u32 s1, $0x2  }
0xbb: {  	s3 =	sand.u32 $0x4000, s31;
	s1 =	sadd.s32 s1, s30  }
0xbc: {  	s0 =	sor.u32 s3, s0;
	s1 =	sshll.u32 s1, $0x11  }
0xbd: {  	s0 =	sor.u32 s1, s0  }
0xbe: {  	s0 =	sadd.s32 $0x8F2B, s0  }
0xbf: {  	[sflag:s0] =	ssyncadd.remote.s32 $0x1  }
0xc0: {  	_ =	sfence.sel $0xFFFF  }
0xc1: {  	[dreg:$0x0] =	wrdreg $0xFFFFFFFF;
	(pc) =	sbr.abs _section_cstart, $3  }
0xc2: {  	[dreg:$0x1] =	wrdreg $0xFFFFFFFF  }
0xc3: {  	_ =	task.clear_ibuf [dreg:s7], $0x2FFFF;
	_ =	strace $0x9FFFFFFF  }
0xc4: {  	(tm) =	ssettm $0x7FFFFFFF  }
0xc5: {  	_ =	shalt  }
tec
execute0_lowered:
.L_overlay_start_1:
0x0: {  	(tag) =	ssettag $0x1  }
0x1: {  	s5 =	rddreg [dreg:$0x0]  }
0x2: {  	s10 =	rddreg [dreg:$0x1]  }
0x3: {  	s2 =	rddreg [dreg:$0x2]  }
0x4: {  	s0 =	srdreg.scid;
	s3 =	rddreg [dreg:$0x3]  }
0x5: {  	s1 =	rddreg [dreg:$0x4];
	s4 =	simm.s32 $0x0;
	s15 =	simm.s32 $0x80  }
0x6: {  	s16 =	simm.s32 $0x7000;
	s18 =	simm.s32 $0x20;
	s6 =	sand.u32 $0x1, s0  }
0x7: {  	s19 =	simm.s32 $0x10;
	s0 =	stileid.u32;
	s7 =	smul.u32 $0x38000, s6  }
0x8: {  	s20 =	simm.s32 $0x0;
	[smem:$0x7FF] =	sst s4;
	s8 =	smul.u32 $0x3800, s0  }
0x9: {  	s9 =	smul.u32 $0x500, s0;
	s11 =	sshll.u32 s6, $0x7;
	_ =	strace $0x80000047  }
0xa: {  	s30 =	ssub.s32 $0x2, s6;
	p0 =	seq.s32 s6, $0x0;
	s17 =	sshll.u32 s0, $0x6  }
0xb: {  	s13 =	smul.u32 $0x280, s0;
	s31 =	sshrl.u32 s30, $0x1;
	s17 =	sor.u32 $0x1C01, s17  }
0xc: {  	s7 =	sadd.s32 s8, s7;
	s29 =	sor.u32 s11, s9;
	s14 =	ssub.s32 s30, s31  }
0xd: {  	s8 =	sadd.s32 s13, s2;
	s9 =	sadd.s32 s13, s3;
	s7 =	sshrl.u32 s7, $0x3  }
0xe: {  	s13 =	simm.s32 $0x1;
	s11 =	sshrl.u32 s29, $0x3;
	s7 =	sadd.s32 s7, s5  }
0xf: {  	s12 =	sadd.s32 s11, s5;
	s5 =	simm.s32 $0x70;
	s10 =	sadd.s32 s10, s11  }
0x10: {  	s5 =	simm.s32 @!p0 $0x2E;
	s6 =	sadd.s32 $0x12000, s7;
	s7 =	sadd.s32 $0x4000, s7  }
0x11: {  	v0 =	vimm.f32 $1.000000000e+00;
	v1 =	vimm.f32 $0.0e+00;
	s11 =	sadd.s32 $0x20000, s12;
	s12 =	smax.u32 s14, $0x1;
	s14 =	simm.s32 $0x7080  }
.LBB2_1:
0x12: {  	[tilespmem:s4], [sflag:$0x1] =	stream.linear.gather [hbm4b:s6+s4], $0x3800, $0x38;
	[tilespmem:$0x7800] =	vst v63  }
0x13: {  	_ =	swait.ge [sflag:s13], $0x3800  }
0x14: {  	[sflag:s13] =	ssyncset.done $0x0  }
0x15: {  	s21 =	simm.s32 $0x3800;
	[sflag:s13] =	ssyncadd.s32 $0xFFFFC800  }
0x16: {  	[tilespmem:s21], [sflag:$0x1] =	stream.linear.gather [hbm4b:s7+s4], $0x3800, $0x38;
	[tilespmem:$0x7800] =	vst v63  }
0x17: {  	_ =	swait.ge [sflag:s13], $0x3800  }
0x18: {  	[sflag:s13] =	ssyncset.done $0x0  }
0x19: {  	[sflag:s13] =	ssyncadd.s32 $0xFFFFC800  }
0x1a: {  	[tilespmem:$0x7000] =	vst v0  }
0x1b: {  	[tilespmem:$0x7010] =	vst v0  }
0x1c: {  	[tilespmem:$0x7020] =	vst v0  }
0x1d: {  	[tilespmem:$0x7030] =	vst v0  }
0x1e: {  	[tilespmem:$0x7040] =	vst v0  }
0x1f: {  	[tilespmem:$0x7050] =	vst v0  }
0x20: {  	[tilespmem:$0x7060] =	vst v0  }
0x21: {  	[tilespmem:$0x7070] =	vst v0  }
0x22: {  	[tilespmem:$0x7080] =	vst v1  }
0x23: {  	[tilespmem:$0x7090] =	vst v1  }
0x24: {  	[tilespmem:$0x70A0] =	vst v1  }
0x25: {  	[tilespmem:$0x70B0] =	vst v1  }
0x26: {  	[tilespmem:$0x70C0] =	vst v1  }
0x27: {  	[tilespmem:$0x70D0] =	vst v1  }
0x28: {  	[tilespmem:$0x70E0] =	vst v1  }
0x29: {  	[tilespmem:$0x70F0] =	vst v1  }
0x2a: {  	[tilespmem:$0x7100] =	vst v1  }
0x2b: {  	[tilespmem:$0x7110] =	vst v1  }
0x2c: {  	[tilespmem:$0x7120] =	vst v1  }
0x2d: {  	[tilespmem:$0x7130] =	vst v1  }
0x2e: {  	[tilespmem:$0x7140] =	vst v1  }
0x2f: {  	[tilespmem:$0x7150] =	vst v1  }
0x30: {  	[tilespmem:$0x7160] =	vst v1  }
0x31: {  	[tilespmem:$0x7170] =	vst v1  }
0x32: {  	[tilespmem:$0x7180] =	vst v1  }
0x33: {  	[tilespmem:$0x7190] =	vst v1  }
0x34: {  	[tilespmem:$0x71A0] =	vst v1  }
0x35: {  	[tilespmem:$0x71B0] =	vst v1  }
0x36: {  	[tilespmem:$0x71C0] =	vst v1  }
0x37: {  	[tilespmem:$0x71D0] =	vst v1  }
0x38: {  	[tilespmem:$0x71E0] =	vst v1  }
0x39: {  	[tilespmem:$0x71F0] =	vst v1  }
0x3a: {  	[tilespmem:$0x7200] =	vst v1  }
0x3b: {  	[tilespmem:$0x7210] =	vst v1  }
0x3c: {  	[tilespmem:$0x7220] =	vst v1  }
0x3d: {  	[tilespmem:$0x7230] =	vst v1  }
0x3e: {  	[tilespmem:$0x7240] =	vst v1  }
0x3f: {  	[tilespmem:$0x7250] =	vst v1  }
0x40: {  	[tilespmem:$0x7260] =	vst v1  }
0x41: {  	[tilespmem:$0x7270] =	vst v1  }
0x42: {  	[tilespmem:$0x7280] =	vst v1  }
0x43: {  	[tilespmem:$0x7290] =	vst v1  }
0x44: {  	[tilespmem:$0x72A0] =	vst v1  }
0x45: {  	[tilespmem:$0x72B0] =	vst v1  }
0x46: {  	[tilespmem:$0x72C0] =	vst v1  }
0x47: {  	[tilespmem:$0x72D0] =	vst v1  }
0x48: {  	[tilespmem:$0x72E0] =	vst v1  }
0x49: {  	[tilespmem:$0x72F0] =	vst v1  }
0x4a: {  	[spmem:s8] =	stream.linear.scatter [tilespmem:s14], [sflag:$0x1], $0x280, $0x38;
	[tilespmem:$0x7800] =	vst v63  }
0x4b: {  	_ =	swait.ge [sflag:s13], $0x280  }
0x4c: {  	[sflag:s13] =	ssyncset.done $0x0  }
0x4d: {  	[sflag:s13] =	ssyncadd.s32 $0xFFFFFD80  }
0x4e: {  	[spmem:s9] =	stream.linear.scatter [tilespmem:s14], [sflag:$0x1], $0x280, $0x38;
	[tilespmem:$0x7800] =	vst v63  }
0x4f: {  	_ =	swait.ge [sflag:s13], $0x280  }
0x50: {  	[sflag:s13] =	ssyncset.done $0x0  }
0x51: {  	[sflag:s13] =	ssyncadd.s32 $0xFFFFFD80  }
0x52: {  	[bflag:$0x0] =	sbarrier.arrive $0xFFFF  }
0x53: {  	[spmem:s2] =	stream.indirect.scatter.add.f32 [tilespmem:s16], [sflag:$0x1], $0x1, s4, s15, $0xb8;
	[tilespmem:$0x7800] =	vst v63  }
0x54: {  	p0 =	sne.s32 s5, $0x1;
	_ =	swait.ge [sflag:s13], $0x80  }
.Ltmp0:
0x55: {  	[sflag:s13] =	ssyncset.done $0x0;
	(pc) =	sbr.rel @!p0 .LBB2_3-.Ltmp0, $4  }
0x56: {  	[sflag:s13] =	ssyncadd.s32 $0xFFFFFF80  }
0x57: {  	[spmem:s3] =	stream.indirect.scatter.add.f32 [tilespmem:s16], [sflag:$0x1], $0x1, s21, s15, $0xb8;
	[tilespmem:$0x7800] =	vst v63  }
0x58: {  	_ =	swait.ge [sflag:s13], $0x80  }
0x59: {  	s22 =	sadd.s32 $0xFFFFFFFF, s5;
	s23 =	simm.s32 $0x0;
	[sflag:s13] =	ssyncset.done $0x0  }
.LBB2_2:
0x5a: {  	[sflag:s13] =	ssyncadd.s32 $0xFFFFFF80;
	s23 =	sadd.s32 $0x80, s23;
	s21 =	sadd.s32 $0x80, s21  }
0x5b: {  	[spmem:s2] =	stream.indirect.scatter.add.f32 [tilespmem:s16], [sflag:$0x1], $0x1, s23, s15, $0xb8;
	[tilespmem:$0x7800] =	vst v63  }
0x5c: {  	p0 =	sne.s32 s22, $0x1;
	s22 =	sadd.s32 $0xFFFFFFFF, s22;
	_ =	swait.ge [sflag:s13], $0x80  }
.Ltmp1:
0x5d: {  	[sflag:s13] =	ssyncset.done $0x0;
	(pc) =	sbr.rel @p0 .LBB2_2-.Ltmp1, $4  }
0x5e: {  	[sflag:s13] =	ssyncadd.s32 $0xFFFFFF80  }
0x5f: {  	[spmem:s3] =	stream.indirect.scatter.add.f32 [tilespmem:s16], [sflag:$0x1], $0x1, s21, s15, $0xb8;
	[tilespmem:$0x7800] =	vst v63  }
0x60: {  	_ =	swait.ge [sflag:s13], $0x80  }
0x61: {  	[sflag:s13] =	ssyncset.done $0x0  }
.LBB2_3:
0x62: {  	[sflag:s13] =	ssyncadd.s32 $0xFFFFFF80  }
0x63: {  	s21 =	sshrl.u32 s8, $0x3;
	[bflag:$0x0] =	sbarrier.arrive $0xFFFF  }
0x64: {  	[hbm:s10@s18], [sflag:s17] =	dma.strided [spmem:s21@s19], $0x50, s13, $0x10   }
0x65: {  	s20 =	sadd.s32 $0x1, s20;
	_ =	swait.ge [sflag:s13], $0x50  }
0x66: {  	p0 =	sne.s32 s20, s12;
	[sflag:s13] =	ssyncset.done $0x0  }
.Ltmp2:
0x67: {  	s31 =	sshrl.u32 s9, $0x3;
	[sflag:s13] =	ssyncadd.s32 $0xFFFFFFB0;
	(pc) =	sbr.rel @p0 .LBB2_1-.Ltmp2, $4  }
0x68: {  	[hbm:s11@s18], [sflag:s17] =	dma.strided [spmem:s31@s19], $0x50, s13, $0x10   }
0x69: {  	_ =	swait.ge [sflag:s13], $0x50  }
0x6a: {  	[sflag:s13] =	ssyncset.done $0x0  }
0x6b: {  	[sflag:s13] =	ssyncadd.s32 $0xFFFFFFB0  }
0x6c: {  	_ =	sfence.sel $0x180000  }
0x6d: {  	[bflag:$0x0] =	sbarrier.arrive $0xFFFF  }
0x6e: {  	p0 =	sne.s32 s0, $0x0;
	_ =	strace $0x90000047  }
0x6f: {  	s0 =	sadd.s32 @!p0 $0x100000, s1;
	[bflag:$0x2] =	sbarrier.arrive $0xFFFF  }
0x70: {  	[sflag:s0] =	ssyncadd.tile.s32 @!p0 $0x1;
	_ =	shalt  }
.Lfunc_end2:
_tile_overlayer_lowered:
.L_overlay_start_2:
0x71: {  	(tag) =	ssettag $0x2  }
0x72: {  	s0 =	rddreg [dreg:$0x0];
	s2 =	stileid.u32  }
0x73: {  	s1 =	rddreg [dreg:$0x1];
	p0 =	sne.s32 s2, $0x0  }
0x74: {  	s3 =	rddreg [dreg:$0x2];
	[bflag:$0x3] =	sbarrier.arrive $0xFFFF;
	s2 =	simm.s32 @!p0 $0x1C01  }
0x75: {  	[timem:s3], [sflag:s2] =	dma.local @!p0 [hbm:s0], s1  }
0x76: {  	s0 =	simm.s32 @!p0 $0x1  }
0x77: {  	_ =	swait.ge @!p0 [sflag:s0], s1  }
0x78: {  	s1 =	ssub.s32 @!p0 $0x0, s1;
	[sflag:s0] =	ssyncset.done @!p0 $0x0  }
0x79: {  	[sflag:s0] =	ssyncadd.s32 @!p0 s1  }
0x7a: {  	[bflag:$0x3] =	sbarrier.arrive $0xFFFF  }
0x7b: {  	_ =	shalt  }

// kernel: kernel.14.cloned.1.call-start
scs
__scs_entry_jumppad:
0x0: {  	(pc) =	sbr.rel $0x88, $3  }
0x1: {  	(tag) =	ssettag $0x0;
	lr =	simm.s32 $0x1  }
0x2: {  	[smem:$0x3F94] =	sst lr;
	_ =	strace $0xD0000000  }
0x3: {  	_ = 	snop  }
0x4: {  	_ = 	snop  }
0x5: {  	_ = 	snop  }
0x6: {  	_ = 	snop  }
0x7: {  	_ = 	snop  }
__scs_overlays_trampoline_lowered:
0x8: {  	[smem:$0x3FA3] =	sst s0  }
0x9: {  	[smem:$0x3FA4] =	sst s1  }
0xa: {  	[smem:$0x3FA5] =	sst s2  }
0xb: {  	[smem:$0x3FA6] =	sst s3  }
0xc: {  	[smem:$0x3FA7] =	sst s4  }
0xd: {  	[smem:$0x3FA8] =	sst s5  }
0xe: {  	[smem:$0x3FA9] =	sst s6  }
0xf: {  	[smem:$0x3FAA] =	sst s7  }
0x10: {  	[smem:$0x3FAB] =	sst s8  }
0x11: {  	[smem:$0x3FAC] =	sst s9;
	s0 =	simm.s32 @!p0 $0x0  }
0x12: {  	s1 =	sld [smem:$0x3F92];
	s0 =	simm.s32 @p0 $0x1  }
0x13: {  	[smem:$0x3FAD] =	sst s0;
	s0 =	simm.s32 @!p1 $0x0  }
0x14: {  	s2 =	sld [smem:$0x3F91];
	s0 =	simm.s32 @p1 $0x1  }
0x15: {  	[smem:$0x3FAE] =	sst s0;
	s0 =	simm.s32 @!p2 $0x0  }
0x16: {  	s3 =	sld [smem:$0x3FDB];
	s0 =	simm.s32 @p2 $0x1  }
0x17: {  	s4 =	simm.s32 $0x1BF5;
	[smem:$0x3FB0] =	sst s0  }
0x18: {  	s0 =	sld [smem:$0x3F93];
	_ =	swait.ge [sflag:s4], $0x0  }
0x19: {  	s7 =	sld [smem:$0x3F94]  }
0x1a: {  	s8 =	sadd.s32 $0xFFFFE003, lr  }
0x1b: {  	s9 =	sadd.s32 $0xFFFFFEF7, lr;
	s5 =	simm.s32 $0xFFFFFFFF;
	p2 =	slt.u32 s8, $0xFFFFF086  }
0x1c: {  	p1 =	slt.u32 s9, $0xF7A;
	s5 =	simm.s32 @!p2 $0x0  }
0x1d: {  	s5 =	simm.s32 @p1 $0x1;
	p0 =	seq.s32 s7, s2  }
0x1e: {  	s7 =	smul.u32 @!p0 $0xF7A, s2;
	p2 =	seq.s32 @!p0 s5, $0x0  }
0x1f: {  	s9 =	smul.u32 $0xF7A, s1;
	s8 =	simm.s32 @!p0 $0x1BF5;
	p2 =	por !p2, p0  }
0x20: {  	[sflag:s8] =	ssyncset.s32 @!p0 $0xFFFFF086;
	s6 =	sadd.s32 @!p0 s3, s7;
	s7 =	simm.s32 @!p0 $0x108  }
0x21: {  	s3 =	sadd.s32 s3, s9;
	s6 =	sadd.s32 @!p0 $0x88, s6;
	s7 =	simm.s32 @p2 $0x1082  }
0x22: {  	[simem:s7], [sflag:s8] =	dma.local @!p0 [hbm:s6], $0xF7A  }
0x23: {  	s9 =	sor.u32 $0xD0000000, s2;
	s6 =	simm.s32 $0x108;
	_ =	swait.ge @!p0 [sflag:s8], $0x0  }
0x24: {  	s3 =	sadd.s32 $0x88, s3;
	s6 =	simm.s32 @!p1 $0x1082;
	[sflag:s4] =	ssyncset.s32 $0xFFFFF086  }
0x25: {  	[simem:s6], [sflag:s4] =	dma.local [hbm:s3], $0xF7A  }
0x26: {  	[smem:$0x3F94] =	sst s1;
	(tag) =	ssettag s2;
	_ =	strace s9  }
0x27: {  	s1 =	sld [smem:$0x3FA4]  }
0x28: {  	s2 =	sld [smem:$0x3FA5]  }
0x29: {  	s4 =	sld [smem:$0x3FA7]  }
0x2a: {  	p0 =	seq.s32 s5, $0x0;
	s5 =	sld [smem:$0x3FA8]  }
0x2b: {  	s6 =	sld [smem:$0x3FA9]  }
0x2c: {  	s7 =	sld [smem:$0x3FAA]  }
0x2d: {  	s3 =	simm.s32 $0x108;
	s8 =	sld [smem:$0x3FAB]  }
0x2e: {  	s3 =	simm.s32 @!p0 $0x1082;
	s9 =	sld [smem:$0x3FAC]  }
0x2f: {  	lr =	sadd.s32 s0, s3;
	s0 =	sld [smem:$0x3FA3]  }
0x30: {  	s3 =	sld [smem:$0x3FA6]  }
0x31: {  	[smem:$0x3FAF] =	sst s10  }
0x32: {  	s10 =	sld [smem:$0x3FAD];
	_ =	sdelay $0x3  }
0x33: {  	p0 =	seq.s32 s10, $0x1;
	s10 =	sld [smem:$0x3FAF];
	_ =	sdelay $0x3  }
0x34: {  	[smem:$0x3FAF] =	sst s10  }
0x35: {  	s10 =	sld [smem:$0x3FAE];
	_ =	sdelay $0x3  }
0x36: {  	p1 =	seq.s32 s10, $0x1;
	s10 =	sld [smem:$0x3FAF];
	_ =	sdelay $0x3  }
0x37: {  	[smem:$0x3FAF] =	sst s10  }
0x38: {  	s10 =	sld [smem:$0x3FB0]  }
0x39: {  	_ = 	snop;
	(pc) =	sbr.ind lr, $3  }
0x3a: {  	_ = 	snop  }
0x3b: {  	_ = 	snop  }
0x3c: {  	p2 =	seq.s32 s10, $0x1;
	s10 =	sld [smem:$0x3FAF]  }
0x3d: {  	_ =	shalt  }
0x3e: {  	_ =	shalt  }
0x3f: {  	_ =	shalt  }
0x40: {  	_ =	shalt  }
0x41: {  	_ =	shalt  }
0x42: {  	_ =	shalt  }
0x43: {  	_ =	shalt  }
0x44: {  	_ =	shalt  }
0x45: {  	_ =	shalt  }
0x46: {  	_ =	shalt  }
0x47: {  	_ =	shalt  }
0x48: {  	_ =	shalt  }
0x49: {  	_ =	shalt  }
0x4a: {  	_ =	shalt  }
0x4b: {  	_ =	shalt  }
0x4c: {  	_ =	shalt  }
0x4d: {  	_ =	shalt  }
0x4e: {  	_ =	shalt  }
0x4f: {  	_ =	shalt  }
0x50: {  	_ =	shalt  }
0x51: {  	_ =	shalt  }
0x52: {  	_ =	shalt  }
0x53: {  	_ =	shalt  }
0x54: {  	_ =	shalt  }
0x55: {  	_ =	shalt  }
0x56: {  	_ =	shalt  }
0x57: {  	_ =	shalt  }
0x58: {  	_ =	shalt  }
0x59: {  	_ =	shalt  }
0x5a: {  	_ =	shalt  }
0x5b: {  	_ =	shalt  }
0x5c: {  	_ =	shalt  }
0x5d: {  	_ =	shalt  }
0x5e: {  	_ =	shalt  }
0x5f: {  	_ =	shalt  }
0x60: {  	_ =	shalt  }
0x61: {  	_ =	shalt  }
0x62: {  	_ =	shalt  }
0x63: {  	_ =	shalt  }
0x64: {  	_ =	shalt  }
0x65: {  	_ =	shalt  }
0x66: {  	_ =	shalt  }
0x67: {  	_ =	shalt  }
0x68: {  	_ =	shalt  }
0x69: {  	_ =	shalt  }
0x6a: {  	_ =	shalt  }
0x6b: {  	_ =	shalt  }
0x6c: {  	_ =	shalt  }
0x6d: {  	_ =	shalt  }
0x6e: {  	_ =	shalt  }
0x6f: {  	_ =	shalt  }
0x70: {  	_ =	shalt  }
0x71: {  	_ =	shalt  }
0x72: {  	_ =	shalt  }
0x73: {  	_ =	shalt  }
0x74: {  	_ =	shalt  }
0x75: {  	_ =	shalt  }
0x76: {  	_ =	shalt  }
0x77: {  	_ =	shalt  }
0x78: {  	_ =	shalt  }
0x79: {  	_ =	shalt  }
0x7a: {  	_ =	shalt  }
0x7b: {  	_ =	shalt  }
0x7c: {  	_ =	shalt  }
0x7d: {  	_ =	shalt  }
0x7e: {  	_ =	shalt  }
0x7f: {  	_ =	shalt  }
0x80: {  	_ =	shalt  }
0x81: {  	_ =	shalt  }
0x82: {  	_ =	shalt  }
0x83: {  	_ =	shalt  }
0x84: {  	_ =	shalt  }
0x85: {  	_ =	shalt  }
0x86: {  	_ =	shalt  }
0x87: {  	_ =	shalt  }
.Lfunc_end0:
.L_simem_size_0:
called_computation.1_lowered:
.L_overlay_start_0:
0x88: {  	s2 =	sld [smem:$0x3FD9]  }
0x89: {  	s3 =	sld [smem:$0x3FFE];
	_ =	sdelay $0x1  }
0x8a: {  	s1 =	srdreg.scid  }
0x8b: {  	s0 =	sand.u32 $0x1, s1  }
0x8c: {  	s17 =	sshll.u32 s0, $0xA;
	s2 =	sadd.s32 s3, s2  }
0x8d: {  	s2 =	sadd.s32 s2, s17  }
0x8e: {  	[smem:$0x3FBB] =	sst s2  }
0x8f: {  	_ = 	snop  }
0x90: {  	s2 =	sld [smem:$0x3FD0];
	(tm) =	ssettm $0x1  }
0x91: {  	s18 =	sld [smem:$0x3FFB];
	_ =	sdelay $0x3  }
0x92: {  	_ =	strace s18  }
0x93: {  	s3 =	sld [smem:$0x3FFC];
	_ =	sdelay $0x3  }
0x94: {  	_ =	strace s3  }
0x95: {  	s3 =	sld [smem:$0x3FFD];
	_ =	sdelay $0x3  }
0x96: {  	_ =	strace s3  }
0x97: {  	_ =	strace $0x8FFFFFFF  }
0x98: {  	s19 =	sld [smem:$0x3FDB];
	_ =	sdelay $0x1  }
0x99: {  	s4 =	simm.s32 $_scs_section_size  }
0x9a: {  	s5 =	simm.s32 $_size__tile_overlayer_lowered;
	s6 =	simm.s32 $_tile_overlayer_lowered  }
0x9b: {  	s22 =	simm.s32 $0x1BFF;
	s21 =	sshll.u32 s6, $0x1;
	s3 =	sadd.s32 s4, s19  }
0x9c: {  	s7 =	simm.s32 $0x0;
	s20 =	sshll.u32 s5, $0x1;
	s5 =	sadd.s32 s21, s3  }
0x9d: {  	[timem:s7], [sflag:s22] =	dma.local [hbm:s5], s20  }
0x9e: {  	_ =	swait.ge [sflag:s22], s20  }
0x9f: {  	s4 =	ssub.s32 $0x0, s20;
	[sflag:s22] =	ssyncset.done $0x0  }
0xa0: {  	[sflag:s22] =	ssyncadd.s32 s4;
	_ =	sdelay $0x1  }
0xa1: {  	s23 =	simm.s32 $0x1B8B  }
0xa2: {  	_ =	swait.ge [sflag:s23], $0x1  }
0xa3: {  	[sflag:s23] =	ssyncset.done $0x0  }
0xa4: {  	s25 =	simm.s32 $0x1B8E;
	s24 =	sld [smem:$0x3FFE];
	[sflag:s23] =	ssyncadd.s32 $0xFFFFFFFF  }
0xa5: {  	s26 =	simm.s32 $execute0_lowered;
	[smem:$0x3FD2] =	sst s25  }
0xa6: {  	s5 =	sshll.u32 s26, $0x1;
	_ =	strace $0x80000049;
	[dreg:$0x1] =	wrdreg $0xFFFFFFFF  }
0xa7: {  	s28 =	simm.s32 $_size_execute0_lowered;
	s3 =	sadd.s32 s3, s5;
	[dreg:$0x0] =	wrdreg $0x0  }
0xa8: {  	s5 =	sshll.u32 s28, $0x1;
	[dreg:$0x2] =	wrdreg s3  }
0xa9: {  	[dreg:$0x3] =	wrdreg s5  }
0xaa: {  	[dreg:$0x4] =	wrdreg $0xC0  }
0xab: {  	_ =	task [dreg:s7], $0x5FFFF  }
0xac: {  	[dreg:$0x1] =	wrdreg $0xFFFFFFFF  }
0xad: {  	[dreg:$0x0] =	wrdreg $0x60  }
0xae: {  	[dreg:$0x2] =	wrdreg s2  }
0xaf: {  	[dreg:$0x3] =	wrdreg s24  }
0xb0: {  	[dreg:$0x4] =	wrdreg $0xB0000  }
0xb1: {  	[dreg:$0x5] =	wrdreg $0x9  }
0xb2: {  	_ =	task.clear_ibuf [dreg:s7], $0x6FFFF;
	_ =	strace $0x90000049  }
0xb3: {  	s29 =	simm.s32 $0x9;
	_ =	strace $0x8000004B  }
0xb4: {  	_ =	swait.ge [sflag:s29], $0x1  }
0xb5: {  	[sflag:s29] =	ssyncadd.s32 $0xFFFFFFFF  }
0xb6: {  	_ =	strace $0x9000004B  }
0xb7: {  	_ =	sfence  }
0xb8: {  	s30 =	sld [smem:$0x0];
	_ =	sdelay $0x2  }
0xb9: {  	s31 =	sshll.u32 s1, $0xD;
	s1 =	sshrl.u32 s1, $0x2  }
0xba: {  	s3 =	sand.u32 $0x4000, s31;
	s1 =	sadd.s32 s1, s30  }
0xbb: {  	s0 =	sor.u32 s3, s0;
	s1 =	sshll.u32 s1, $0x11  }
0xbc: {  	s0 =	sor.u32 s1, s0  }
0xbd: {  	s0 =	sadd.s32 $0x8F2B, s0  }
0xbe: {  	[sflag:s0] =	ssyncadd.remote.s32 $0x1  }
0xbf: {  	_ =	sfence.sel $0xFFFF  }
0xc0: {  	[dreg:$0x0] =	wrdreg $0xFFFFFFFF;
	(pc) =	sbr.abs _section_cstart, $3  }
0xc1: {  	[dreg:$0x1] =	wrdreg $0xFFFFFFFF  }
0xc2: {  	_ =	task.clear_ibuf [dreg:s7], $0x2FFFF;
	_ =	strace $0x9FFFFFFF  }
0xc3: {  	(tm) =	ssettm $0x7FFFFFFF  }
tec
execute0_lowered:
.L_overlay_start_1:
0x0: {  	(tag) =	ssettag $0x1  }
0x1: {  	s1 =	rddreg [dreg:$0x0]  }
0x2: {  	s6 =	rddreg [dreg:$0x1]  }
0x3: {  	s3 =	rddreg [dreg:$0x2]  }
0x4: {  	s0 =	srdreg.scid;
	s2 =	rddreg [dreg:$0x3];
	s4 =	simm.s32 $0x0  }
0x5: {  	s15 =	simm.s32 $0x2;
	s16 =	simm.s32 $0x3800;
	s5 =	sand.u32 $0x1, s0  }
0x6: {  	s17 =	simm.s32 $0x7000;
	s0 =	stileid.u32;
	s7 =	smul.u32 $0x38000, s5  }
0x7: {  	s18 =	simm.s32 $0x80;
	s19 =	simm.s32 $0x1;
	s8 =	smul.u32 $0x3800, s0  }
0x8: {  	s21 =	simm.s32 $0x0;
	[smem:$0x7FF] =	sst s4;
	s9 =	smul.u32 $0x140000, s5  }
0x9: {  	s10 =	smul.u32 $0x14000, s0;
	_ =	strace $0x8000004A;
	s29 =	ssub.s32 $0x2, s5  }
0xa: {  	p0 =	seq.s32 s5, $0x0;
	s5 =	simm.s32 $0x70;
	s11 =	smul.u32 $0x50000, s0  }
0xb: {  	s20 =	sshll.u32 s0, $0x6;
	s30 =	sshrl.u32 s29, $0x1;
	s5 =	simm.s32 @!p0 $0x2E  }
0xc: {  	s20 =	sor.u32 $0x1C02, s20;
	s7 =	sadd.s32 s8, s7;
	s28 =	sadd.s32 s10, s9  }
0xd: {  	s10 =	ssub.s32 s29, s30;
	s31 =	sshrl.u32 s11, $0x2;
	s7 =	sshrl.u32 s7, $0x3  }
0xe: {  	s8 =	sshrl.u32 s28, $0x3;
	s10 =	smax.u32 s10, $0x1;
	s7 =	sadd.s32 s7, s6  }
0xf: {  	s12 =	sadd.s32 s8, s6;
	s8 =	sadd.s32 s31, s3;
	s6 =	sadd.s32 $0x12000, s7  }
0x10: {  	s7 =	sadd.s32 $0x4000, s7;
	s9 =	sadd.s32 $0x48A00, s12;
	s11 =	sadd.s32 $0x4000, s8  }
0x11: {  	v0 =	vimm.f32 $0.0e+00;
	s12 =	sadd.s32 $0x8000, s8;
	s13 =	sadd.s32 $0xC000, s8;
	s14 =	sadd.s32 $0x10000, s8  }
.LBB2_1:
0x12: {  	[tilespmem:s4], [sflag:$0x2] =	stream.linear.gather [hbm4b:s6+s4], $0x3800, $0x38;
	[tilespmem:$0x1F000] =	vst v63  }
0x13: {  	_ =	swait.ge [sflag:s15], $0x3800  }
0x14: {  	[sflag:s15] =	ssyncset.done $0x0  }
0x15: {  	[sflag:s15] =	ssyncadd.s32 $0xFFFFC800  }
0x16: {  	[tilespmem:s16], [sflag:$0x2] =	stream.linear.gather [hbm4b:s7+s4], $0x3800, $0x38;
	[tilespmem:$0x1F000] =	vst v63  }
0x17: {  	s22 =	sand.u32 $0xFE00, s4;
	s23 =	sand.u32 $0x70, s4;
	_ =	swait.ge [sflag:s15], $0x3800  }
0x18: {  	s24 =	sshrl.u32 s22, $0x2;
	s22 =	simm.s32 $0x40;
	[sflag:s15] =	ssyncset.done $0x0  }
0x19: {  	s24 =	sor.u32 s23, s24;
	s23 =	simm.s32 $0x0;
	[sflag:s15] =	ssyncadd.s32 $0xFFFFC800  }
.LBB2_2:
0x1a: {  	p0 =	sne.s32 s22, $0xFFC0  }
0x1b: {  	[tilespmem:s24+$0x7000] =	vst v0;
	s23 =	sadd.s32 $0x10, s23;
	s24 =	smov.u32 s22;
	s22 =	sadd.s32 $0x40, s22  }
.Ltmp0:
0x1c: {  	(pc) =	sbr.rel @p0 .LBB2_2-.Ltmp0, $4  }
0x1d: {  	_ = 	snop  }
0x1e: {  	s24 =	sand.u32 $0xFE00, s24  }
0x1f: {  	s25 =	sand.u32 $0x70, s23;
	s24 =	sshrl.u32 s24, $0x2  }
0x20: {  	s24 =	sor.u32 s25, s24  }
0x21: {  	[tilespmem:s24+$0x7000] =	vst v0  }
0x22: {  	[spmem:s8] =	stream.linear.scatter [tilespmem:s17], [sflag:$0x2], $0x4000, $0x38;
	[tilespmem:$0x1F000] =	vst v63  }
0x23: {  	_ =	swait.ge [sflag:s15], $0x4000  }
0x24: {  	[sflag:s15] =	ssyncset.done $0x0  }
0x25: {  	[sflag:s15] =	ssyncadd.s32 $0xFFFFC000  }
0x26: {  	[spmem:s11] =	stream.linear.scatter [tilespmem:s17], [sflag:$0x2], $0x4000, $0x38;
	[tilespmem:$0x1F000] =	vst v63  }
0x27: {  	_ =	swait.ge [sflag:s15], $0x4000  }
0x28: {  	[sflag:s15] =	ssyncset.done $0x0  }
0x29: {  	[sflag:s15] =	ssyncadd.s32 $0xFFFFC000  }
0x2a: {  	[spmem:s12] =	stream.linear.scatter [tilespmem:s17], [sflag:$0x2], $0x4000, $0x38;
	[tilespmem:$0x1F000] =	vst v63  }
0x2b: {  	_ =	swait.ge [sflag:s15], $0x4000  }
0x2c: {  	[sflag:s15] =	ssyncset.done $0x0  }
0x2d: {  	[sflag:s15] =	ssyncadd.s32 $0xFFFFC000  }
0x2e: {  	[spmem:s13] =	stream.linear.scatter [tilespmem:s17], [sflag:$0x2], $0x4000, $0x38;
	[tilespmem:$0x1F000] =	vst v63  }
0x2f: {  	_ =	swait.ge [sflag:s15], $0x4000  }
0x30: {  	[sflag:s15] =	ssyncset.done $0x0  }
0x31: {  	[sflag:s15] =	ssyncadd.s32 $0xFFFFC000  }
0x32: {  	[spmem:s14] =	stream.linear.scatter [tilespmem:s17], [sflag:$0x2], $0x4000, $0x38;
	[tilespmem:$0x1F000] =	vst v63  }
0x33: {  	_ =	swait.ge [sflag:s15], $0x4000  }
0x34: {  	[sflag:s15] =	ssyncset.done $0x0  }
0x35: {  	[sflag:s15] =	ssyncadd.s32 $0xFFFFC000  }
0x36: {  	s22 =	simm.s32 $0x0;
	[bflag:$0x0] =	sbarrier.arrive $0xFFFF  }
0x37: {  	[tilespmem:s17], [sflag:$0x1] =	stream.indirect.gather [hbm4b:s1+s18], $0x80, s22, s18, $0xb8;
	[tilespmem:$0x1F000] =	vst v63  }
0x38: {  	p0 =	sne.s32 s5, $0x1;
	_ =	swait.ge [sflag:s19], $0x4000  }
.Ltmp1:
0x39: {  	[sflag:s19] =	ssyncset.done $0x0;
	(pc) =	sbr.rel @!p0 .LBB2_5-.Ltmp1, $4  }
0x3a: {  	s23 =	simm.s32 $0x3800;
	[sflag:s19] =	ssyncadd.s32 $0xFFFFC000  }
0x3b: {  	[spmem:s3] =	stream.indirect.scatter.add.f32 [tilespmem:s17], [sflag:$0x2], $0x80, s23, s18, $0xb8;
	[tilespmem:$0x1F000] =	vst v63  }
0x3c: {  	_ =	swait.ge [sflag:s15], $0x4000  }
0x3d: {  	s24 =	sadd.s32 $0xFFFFFFFF, s5;
	[sflag:s15] =	ssyncset.done $0x0  }
.LBB2_4:
0x3e: {  	[sflag:s15] =	ssyncadd.s32 $0xFFFFC000;
	s22 =	sadd.s32 $0x80, s22;
	s23 =	sadd.s32 $0x80, s23  }
0x3f: {  	[tilespmem:s17], [sflag:$0x1] =	stream.indirect.gather [hbm4b:s1+s18], $0x80, s22, s18, $0xb8;
	[tilespmem:$0x1F000] =	vst v63  }
0x40: {  	p0 =	sne.s32 s24, $0x1;
	s24 =	sadd.s32 $0xFFFFFFFF, s24;
	_ =	swait.ge [sflag:s19], $0x4000  }
.Ltmp2:
0x41: {  	[sflag:s19] =	ssyncset.done $0x0;
	(pc) =	sbr.rel @p0 .LBB2_4-.Ltmp2, $4  }
0x42: {  	[sflag:s19] =	ssyncadd.s32 $0xFFFFC000  }
0x43: {  	[spmem:s3] =	stream.indirect.scatter.add.f32 [tilespmem:s17], [sflag:$0x2], $0x80, s23, s18, $0xb8;
	[tilespmem:$0x1F000] =	vst v63  }
0x44: {  	_ =	swait.ge [sflag:s15], $0x4000  }
0x45: {  	[sflag:s15] =	ssyncset.done $0x0  }
.LBB2_5:
0x46: {  	s21 =	sadd.s32 $0x1, s21  }
0x47: {  	[sflag:s15] =	ssyncadd.s32 $0xFFFFC000;
	p0 =	sne.s32 s21, s10  }
.Ltmp3:
0x48: {  	s22 =	sshrl.u32 s8, $0x3;
	[bflag:$0x0] =	sbarrier.arrive $0xFFFF;
	(pc) =	sbr.rel @p0 .LBB2_1-.Ltmp3, $4  }
0x49: {  	[hbm:s9], [sflag:s20] =	dma.local [spmem:s22], $0x2800  }
0x4a: {  	_ =	swait.ge [sflag:s15], $0x2800  }
0x4b: {  	[sflag:s15] =	ssyncset.done $0x0  }
0x4c: {  	[sflag:s15] =	ssyncadd.s32 $0xFFFFD800  }
0x4d: {  	_ =	sfence.sel $0x180000  }
0x4e: {  	[bflag:$0x0] =	sbarrier.arrive $0xFFFF  }
0x4f: {  	p0 =	sne.s32 s0, $0x0;
	_ =	strace $0x9000004A  }
0x50: {  	s0 =	sadd.s32 @!p0 $0x100000, s2;
	[bflag:$0x2] =	sbarrier.arrive $0xFFFF  }
0x51: {  	[sflag:s0] =	ssyncadd.tile.s32 @!p0 $0x1;
	_ =	shalt  }
.Lfunc_end2:
_tile_overlayer_lowered:
.L_overlay_start_2:
0x52: {  	(tag) =	ssettag $0x2  }
0x53: {  	s0 =	rddreg [dreg:$0x0];
	s2 =	stileid.u32  }
0x54: {  	s1 =	rddreg [dreg:$0x1];
	p0 =	sne.s32 s2, $0x0  }
0x55: {  	s3 =	rddreg [dreg:$0x2];
	[bflag:$0x3] =	sbarrier.arrive $0xFFFF;
	s2 =	simm.s32 @!p0 $0x1C02  }
0x56: {  	[timem:s3], [sflag:s2] =	dma.local @!p0 [hbm:s0], s1  }
0x57: {  	s0 =	simm.s32 @!p0 $0x2  }
0x58: {  	_ =	swait.ge @!p0 [sflag:s0], s1  }
0x59: {  	s1 =	ssub.s32 @!p0 $0x0, s1;
	[sflag:s0] =	ssyncset.done @!p0 $0x0  }
0x5a: {  	[sflag:s0] =	ssyncadd.s32 @!p0 s1  }
0x5b: {  	[bflag:$0x3] =	sbarrier.arrive $0xFFFF  }
0x5c: {  	_ =	shalt  }

// kernel: kernel.17.cloned.1.call-start
scs
__scs_entry_jumppad:
0x0: {  	(pc) =	sbr.rel $0x88, $3  }
0x1: {  	(tag) =	ssettag $0x0;
	lr =	simm.s32 $0x1  }
0x2: {  	[smem:$0x3F94] =	sst lr;
	_ =	strace $0xD0000000  }
0x3: {  	_ = 	snop  }
0x4: {  	_ = 	snop  }
0x5: {  	_ = 	snop  }
0x6: {  	_ = 	snop  }
0x7: {  	_ = 	snop  }
__scs_overlays_trampoline_lowered:
0x8: {  	[smem:$0x3FA3] =	sst s0  }
0x9: {  	[smem:$0x3FA4] =	sst s1  }
0xa: {  	[smem:$0x3FA5] =	sst s2  }
0xb: {  	[smem:$0x3FA6] =	sst s3  }
0xc: {  	[smem:$0x3FA7] =	sst s4  }
0xd: {  	[smem:$0x3FA8] =	sst s5  }
0xe: {  	[smem:$0x3FA9] =	sst s6  }
0xf: {  	[smem:$0x3FAA] =	sst s7  }
0x10: {  	[smem:$0x3FAB] =	sst s8  }
0x11: {  	[smem:$0x3FAC] =	sst s9;
	s0 =	simm.s32 @!p0 $0x0  }
0x12: {  	s1 =	sld [smem:$0x3F92];
	s0 =	simm.s32 @p0 $0x1  }
0x13: {  	[smem:$0x3FAD] =	sst s0;
	s0 =	simm.s32 @!p1 $0x0  }
0x14: {  	s2 =	sld [smem:$0x3F91];
	s0 =	simm.s32 @p1 $0x1  }
0x15: {  	[smem:$0x3FAE] =	sst s0;
	s0 =	simm.s32 @!p2 $0x0  }
0x16: {  	s3 =	sld [smem:$0x3FDB];
	s0 =	simm.s32 @p2 $0x1  }
0x17: {  	s4 =	simm.s32 $0x1BF5;
	[smem:$0x3FB0] =	sst s0  }
0x18: {  	s0 =	sld [smem:$0x3F93];
	_ =	swait.ge [sflag:s4], $0x0  }
0x19: {  	s7 =	sld [smem:$0x3F94]  }
0x1a: {  	s8 =	sadd.s32 $0xFFFFE003, lr  }
0x1b: {  	s9 =	sadd.s32 $0xFFFFFEF7, lr;
	s5 =	simm.s32 $0xFFFFFFFF;
	p2 =	slt.u32 s8, $0xFFFFF086  }
0x1c: {  	p1 =	slt.u32 s9, $0xF7A;
	s5 =	simm.s32 @!p2 $0x0  }
0x1d: {  	s5 =	simm.s32 @p1 $0x1;
	p0 =	seq.s32 s7, s2  }
0x1e: {  	s7 =	smul.u32 @!p0 $0xF7A, s2;
	p2 =	seq.s32 @!p0 s5, $0x0  }
0x1f: {  	s9 =	smul.u32 $0xF7A, s1;
	s8 =	simm.s32 @!p0 $0x1BF5;
	p2 =	por !p2, p0  }
0x20: {  	[sflag:s8] =	ssyncset.s32 @!p0 $0xFFFFF086;
	s6 =	sadd.s32 @!p0 s3, s7;
	s7 =	simm.s32 @!p0 $0x108  }
0x21: {  	s3 =	sadd.s32 s3, s9;
	s6 =	sadd.s32 @!p0 $0x88, s6;
	s7 =	simm.s32 @p2 $0x1082  }
0x22: {  	[simem:s7], [sflag:s8] =	dma.local @!p0 [hbm:s6], $0xF7A  }
0x23: {  	s9 =	sor.u32 $0xD0000000, s2;
	s6 =	simm.s32 $0x108;
	_ =	swait.ge @!p0 [sflag:s8], $0x0  }
0x24: {  	s3 =	sadd.s32 $0x88, s3;
	s6 =	simm.s32 @!p1 $0x1082;
	[sflag:s4] =	ssyncset.s32 $0xFFFFF086  }
0x25: {  	[simem:s6], [sflag:s4] =	dma.local [hbm:s3], $0xF7A  }
0x26: {  	[smem:$0x3F94] =	sst s1;
	(tag) =	ssettag s2;
	_ =	strace s9  }
0x27: {  	s1 =	sld [smem:$0x3FA4]  }
0x28: {  	s2 =	sld [smem:$0x3FA5]  }
0x29: {  	s4 =	sld [smem:$0x3FA7]  }
0x2a: {  	p0 =	seq.s32 s5, $0x0;
	s5 =	sld [smem:$0x3FA8]  }
0x2b: {  	s6 =	sld [smem:$0x3FA9]  }
0x2c: {  	s7 =	sld [smem:$0x3FAA]  }
0x2d: {  	s3 =	simm.s32 $0x108;
	s8 =	sld [smem:$0x3FAB]  }
0x2e: {  	s3 =	simm.s32 @!p0 $0x1082;
	s9 =	sld [smem:$0x3FAC]  }
0x2f: {  	lr =	sadd.s32 s0, s3;
	s0 =	sld [smem:$0x3FA3]  }
0x30: {  	s3 =	sld [smem:$0x3FA6]  }
0x31: {  	[smem:$0x3FAF] =	sst s10  }
0x32: {  	s10 =	sld [smem:$0x3FAD];
	_ =	sdelay $0x3  }
0x33: {  	p0 =	seq.s32 s10, $0x1;
	s10 =	sld [smem:$0x3FAF];
	_ =	sdelay $0x3  }
0x34: {  	[smem:$0x3FAF] =	sst s10  }
0x35: {  	s10 =	sld [smem:$0x3FAE];
	_ =	sdelay $0x3  }
0x36: {  	p1 =	seq.s32 s10, $0x1;
	s10 =	sld [smem:$0x3FAF];
	_ =	sdelay $0x3  }
0x37: {  	[smem:$0x3FAF] =	sst s10  }
0x38: {  	s10 =	sld [smem:$0x3FB0]  }
0x39: {  	_ = 	snop;
	(pc) =	sbr.ind lr, $3  }
0x3a: {  	_ = 	snop  }
0x3b: {  	_ = 	snop  }
0x3c: {  	p2 =	seq.s32 s10, $0x1;
	s10 =	sld [smem:$0x3FAF]  }
0x3d: {  	_ =	shalt  }
0x3e: {  	_ =	shalt  }
0x3f: {  	_ =	shalt  }
0x40: {  	_ =	shalt  }
0x41: {  	_ =	shalt  }
0x42: {  	_ =	shalt  }
0x43: {  	_ =	shalt  }
0x44: {  	_ =	shalt  }
0x45: {  	_ =	shalt  }
0x46: {  	_ =	shalt  }
0x47: {  	_ =	shalt  }
0x48: {  	_ =	shalt  }
0x49: {  	_ =	shalt  }
0x4a: {  	_ =	shalt  }
0x4b: {  	_ =	shalt  }
0x4c: {  	_ =	shalt  }
0x4d: {  	_ =	shalt  }
0x4e: {  	_ =	shalt  }
0x4f: {  	_ =	shalt  }
0x50: {  	_ =	shalt  }
0x51: {  	_ =	shalt  }
0x52: {  	_ =	shalt  }
0x53: {  	_ =	shalt  }
0x54: {  	_ =	shalt  }
0x55: {  	_ =	shalt  }
0x56: {  	_ =	shalt  }
0x57: {  	_ =	shalt  }
0x58: {  	_ =	shalt  }
0x59: {  	_ =	shalt  }
0x5a: {  	_ =	shalt  }
0x5b: {  	_ =	shalt  }
0x5c: {  	_ =	shalt  }
0x5d: {  	_ =	shalt  }
0x5e: {  	_ =	shalt  }
0x5f: {  	_ =	shalt  }
0x60: {  	_ =	shalt  }
0x61: {  	_ =	shalt  }
0x62: {  	_ =	shalt  }
0x63: {  	_ =	shalt  }
0x64: {  	_ =	shalt  }
0x65: {  	_ =	shalt  }
0x66: {  	_ =	shalt  }
0x67: {  	_ =	shalt  }
0x68: {  	_ =	shalt  }
0x69: {  	_ =	shalt  }
0x6a: {  	_ =	shalt  }
0x6b: {  	_ =	shalt  }
0x6c: {  	_ =	shalt  }
0x6d: {  	_ =	shalt  }
0x6e: {  	_ =	shalt  }
0x6f: {  	_ =	shalt  }
0x70: {  	_ =	shalt  }
0x71: {  	_ =	shalt  }
0x72: {  	_ =	shalt  }
0x73: {  	_ =	shalt  }
0x74: {  	_ =	shalt  }
0x75: {  	_ =	shalt  }
0x76: {  	_ =	shalt  }
0x77: {  	_ =	shalt  }
0x78: {  	_ =	shalt  }
0x79: {  	_ =	shalt  }
0x7a: {  	_ =	shalt  }
0x7b: {  	_ =	shalt  }
0x7c: {  	_ =	shalt  }
0x7d: {  	_ =	shalt  }
0x7e: {  	_ =	shalt  }
0x7f: {  	_ =	shalt  }
0x80: {  	_ =	shalt  }
0x81: {  	_ =	shalt  }
0x82: {  	_ =	shalt  }
0x83: {  	_ =	shalt  }
0x84: {  	_ =	shalt  }
0x85: {  	_ =	shalt  }
0x86: {  	_ =	shalt  }
0x87: {  	_ =	shalt  }
.Lfunc_end0:
.L_simem_size_0:
called_computation.2_lowered:
.L_overlay_start_0:
0x88: {  	s2 =	sld [smem:$0x3FD9]  }
0x89: {  	s3 =	sld [smem:$0x3FFE];
	_ =	sdelay $0x1  }
0x8a: {  	s1 =	srdreg.scid  }
0x8b: {  	s0 =	sand.u32 $0x1, s1  }
0x8c: {  	s17 =	sshll.u32 s0, $0xA;
	s2 =	sadd.s32 s3, s2  }
0x8d: {  	s2 =	sadd.s32 s2, s17  }
0x8e: {  	[smem:$0x3FBB] =	sst s2  }
0x8f: {  	_ = 	snop  }
0x90: {  	s2 =	sld [smem:$0x3FD0];
	(tm) =	ssettm $0x1  }
0x91: {  	s18 =	sld [smem:$0x3FFB];
	_ =	sdelay $0x3  }
0x92: {  	_ =	strace s18  }
0x93: {  	s3 =	sld [smem:$0x3FFC];
	_ =	sdelay $0x3  }
0x94: {  	_ =	strace s3  }
0x95: {  	s3 =	sld [smem:$0x3FFD];
	_ =	sdelay $0x3  }
0x96: {  	_ =	strace s3  }
0x97: {  	_ =	strace $0x8FFFFFFF  }
0x98: {  	s19 =	sld [smem:$0x3FDB];
	_ =	sdelay $0x1  }
0x99: {  	s4 =	simm.s32 $_scs_section_size  }
0x9a: {  	s5 =	simm.s32 $_size__tile_overlayer_lowered;
	s6 =	simm.s32 $_tile_overlayer_lowered  }
0x9b: {  	s22 =	simm.s32 $0x1BFF;
	s21 =	sshll.u32 s6, $0x1;
	s3 =	sadd.s32 s4, s19  }
0x9c: {  	s7 =	simm.s32 $0x0;
	s20 =	sshll.u32 s5, $0x1;
	s5 =	sadd.s32 s21, s3  }
0x9d: {  	[timem:s7], [sflag:s22] =	dma.local [hbm:s5], s20  }
0x9e: {  	_ =	swait.ge [sflag:s22], s20  }
0x9f: {  	s4 =	ssub.s32 $0x0, s20;
	[sflag:s22] =	ssyncset.done $0x0  }
0xa0: {  	[sflag:s22] =	ssyncadd.s32 s4;
	_ =	sdelay $0x1  }
0xa1: {  	s23 =	simm.s32 $0x1B8B  }
0xa2: {  	_ =	swait.ge [sflag:s23], $0x1  }
0xa3: {  	[sflag:s23] =	ssyncset.done $0x0  }
0xa4: {  	s25 =	simm.s32 $0x1B8E;
	s24 =	sld [smem:$0x3FFE];
	[sflag:s23] =	ssyncadd.s32 $0xFFFFFFFF  }
0xa5: {  	s26 =	simm.s32 $execute0_lowered;
	[smem:$0x3FD2] =	sst s25  }
0xa6: {  	s5 =	sshll.u32 s26, $0x1;
	_ =	strace $0x8000004C;
	[dreg:$0x1] =	wrdreg $0xFFFFFFFF  }
0xa7: {  	s28 =	simm.s32 $_size_execute0_lowered;
	s3 =	sadd.s32 s3, s5;
	[dreg:$0x0] =	wrdreg $0x0  }
0xa8: {  	s5 =	sshll.u32 s28, $0x1;
	[dreg:$0x2] =	wrdreg s3  }
0xa9: {  	[dreg:$0x3] =	wrdreg s5  }
0xaa: {  	[dreg:$0x4] =	wrdreg $0xC0  }
0xab: {  	_ =	task [dreg:s7], $0x5FFFF  }
0xac: {  	[dreg:$0x1] =	wrdreg $0xFFFFFFFF  }
0xad: {  	[dreg:$0x0] =	wrdreg $0x60  }
0xae: {  	[dreg:$0x2] =	wrdreg s2  }
0xaf: {  	[dreg:$0x3] =	wrdreg s24  }
0xb0: {  	[dreg:$0x4] =	wrdreg $0xB0000  }
0xb1: {  	[dreg:$0x5] =	wrdreg $0x9  }
0xb2: {  	_ =	task.clear_ibuf [dreg:s7], $0x6FFFF;
	_ =	strace $0x9000004C  }
0xb3: {  	s29 =	simm.s32 $0x9;
	_ =	strace $0x8000004E  }
0xb4: {  	_ =	swait.ge [sflag:s29], $0x1  }
0xb5: {  	[sflag:s29] =	ssyncadd.s32 $0xFFFFFFFF  }
0xb6: {  	_ =	strace $0x9000004E  }
0xb7: {  	_ =	sfence  }
0xb8: {  	s30 =	sld [smem:$0x0];
	_ =	sdelay $0x2  }
0xb9: {  	s31 =	sshll.u32 s1, $0xD;
	s1 =	sshrl.u32 s1, $0x2  }
0xba: {  	s3 =	sand.u32 $0x4000, s31;
	s1 =	sadd.s32 s1, s30  }
0xbb: {  	s0 =	sor.u32 s3, s0;
	s1 =	sshll.u32 s1, $0x11  }
0xbc: {  	s0 =	sor.u32 s1, s0  }
0xbd: {  	s0 =	sadd.s32 $0x8F2B, s0  }
0xbe: {  	[sflag:s0] =	ssyncadd.remote.s32 $0x1  }
0xbf: {  	_ =	sfence.sel $0xFFFF  }
0xc0: {  	[dreg:$0x0] =	wrdreg $0xFFFFFFFF;
	(pc) =	sbr.abs _section_cstart, $3  }
0xc1: {  	[dreg:$0x1] =	wrdreg $0xFFFFFFFF  }
0xc2: {  	_ =	task.clear_ibuf [dreg:s7], $0x2FFFF;
	_ =	strace $0x9FFFFFFF  }
0xc3: {  	(tm) =	ssettm $0x7FFFFFFF  }
tec
execute0_lowered:
.L_overlay_start_1:
0x0: {  	(tag) =	ssettag $0x1  }
0x1: {  	s1 =	rddreg [dreg:$0x0]  }
0x2: {  	s6 =	rddreg [dreg:$0x1]  }
0x3: {  	s3 =	rddreg [dreg:$0x2]  }
0x4: {  	s0 =	srdreg.scid;
	s2 =	rddreg [dreg:$0x3];
	s4 =	simm.s32 $0x0  }
0x5: {  	s15 =	simm.s32 $0x2;
	s16 =	simm.s32 $0x3800;
	s5 =	sand.u32 $0x1, s0  }
0x6: {  	s17 =	simm.s32 $0x7000;
	s0 =	stileid.u32;
	s7 =	smul.u32 $0x38000, s5  }
0x7: {  	s18 =	simm.s32 $0x80;
	s19 =	simm.s32 $0x1;
	s8 =	smul.u32 $0x3800, s0  }
0x8: {  	s21 =	simm.s32 $0x0;
	[smem:$0x7FF] =	sst s4;
	s9 =	smul.u32 $0x140000, s5  }
0x9: {  	s10 =	smul.u32 $0x14000, s0;
	_ =	strace $0x8000004D;
	s29 =	ssub.s32 $0x2, s5  }
0xa: {  	p0 =	seq.s32 s5, $0x0;
	s5 =	simm.s32 $0x70;
	s11 =	smul.u32 $0x50000, s0  }
0xb: {  	s20 =	sshll.u32 s0, $0x6;
	s30 =	sshrl.u32 s29, $0x1;
	s5 =	simm.s32 @!p0 $0x2E  }
0xc: {  	s20 =	sor.u32 $0x1C02, s20;
	s7 =	sadd.s32 s8, s7;
	s28 =	sadd.s32 s10, s9  }
0xd: {  	s10 =	ssub.s32 s29, s30;
	s31 =	sshrl.u32 s11, $0x2;
	s7 =	sshrl.u32 s7, $0x3  }
0xe: {  	s8 =	sshrl.u32 s28, $0x3;
	s10 =	smax.u32 s10, $0x1;
	s7 =	sadd.s32 s7, s6  }
0xf: {  	s12 =	sadd.s32 s8, s6;
	s8 =	sadd.s32 s31, s3;
	s6 =	sadd.s32 $0x12000, s7  }
0x10: {  	s7 =	sadd.s32 $0x4000, s7;
	s9 =	sadd.s32 $0x48000, s12;
	s11 =	sadd.s32 $0x4000, s8  }
0x11: {  	v0 =	vimm.f32 $0.0e+00;
	s12 =	sadd.s32 $0x8000, s8;
	s13 =	sadd.s32 $0xC000, s8;
	s14 =	sadd.s32 $0x10000, s8  }
.LBB2_1:
0x12: {  	[tilespmem:s4], [sflag:$0x2] =	stream.linear.gather [hbm4b:s6+s4], $0x3800, $0x38;
	[tilespmem:$0x1F000] =	vst v63  }
0x13: {  	_ =	swait.ge [sflag:s15], $0x3800  }
0x14: {  	[sflag:s15] =	ssyncset.done $0x0  }
0x15: {  	[sflag:s15] =	ssyncadd.s32 $0xFFFFC800  }
0x16: {  	[tilespmem:s16], [sflag:$0x2] =	stream.linear.gather [hbm4b:s7+s4], $0x3800, $0x38;
	[tilespmem:$0x1F000] =	vst v63  }
0x17: {  	s22 =	sand.u32 $0xFE00, s4;
	s23 =	sand.u32 $0x70, s4;
	_ =	swait.ge [sflag:s15], $0x3800  }
0x18: {  	s24 =	sshrl.u32 s22, $0x2;
	s22 =	simm.s32 $0x40;
	[sflag:s15] =	ssyncset.done $0x0  }
0x19: {  	s24 =	sor.u32 s23, s24;
	s23 =	simm.s32 $0x0;
	[sflag:s15] =	ssyncadd.s32 $0xFFFFC800  }
.LBB2_2:
0x1a: {  	p0 =	sne.s32 s22, $0xFFC0  }
0x1b: {  	[tilespmem:s24+$0x7000] =	vst v0;
	s23 =	sadd.s32 $0x10, s23;
	s24 =	smov.u32 s22;
	s22 =	sadd.s32 $0x40, s22  }
.Ltmp0:
0x1c: {  	(pc) =	sbr.rel @p0 .LBB2_2-.Ltmp0, $4  }
0x1d: {  	_ = 	snop  }
0x1e: {  	s24 =	sand.u32 $0xFE00, s24  }
0x1f: {  	s25 =	sand.u32 $0x70, s23;
	s24 =	sshrl.u32 s24, $0x2  }
0x20: {  	s24 =	sor.u32 s25, s24  }
0x21: {  	[tilespmem:s24+$0x7000] =	vst v0  }
0x22: {  	[spmem:s8] =	stream.linear.scatter [tilespmem:s17], [sflag:$0x2], $0x4000, $0x38;
	[tilespmem:$0x1F000] =	vst v63  }
0x23: {  	_ =	swait.ge [sflag:s15], $0x4000  }
0x24: {  	[sflag:s15] =	ssyncset.done $0x0  }
0x25: {  	[sflag:s15] =	ssyncadd.s32 $0xFFFFC000  }
0x26: {  	[spmem:s11] =	stream.linear.scatter [tilespmem:s17], [sflag:$0x2], $0x4000, $0x38;
	[tilespmem:$0x1F000] =	vst v63  }
0x27: {  	_ =	swait.ge [sflag:s15], $0x4000  }
0x28: {  	[sflag:s15] =	ssyncset.done $0x0  }
0x29: {  	[sflag:s15] =	ssyncadd.s32 $0xFFFFC000  }
0x2a: {  	[spmem:s12] =	stream.linear.scatter [tilespmem:s17], [sflag:$0x2], $0x4000, $0x38;
	[tilespmem:$0x1F000] =	vst v63  }
0x2b: {  	_ =	swait.ge [sflag:s15], $0x4000  }
0x2c: {  	[sflag:s15] =	ssyncset.done $0x0  }
0x2d: {  	[sflag:s15] =	ssyncadd.s32 $0xFFFFC000  }
0x2e: {  	[spmem:s13] =	stream.linear.scatter [tilespmem:s17], [sflag:$0x2], $0x4000, $0x38;
	[tilespmem:$0x1F000] =	vst v63  }
0x2f: {  	_ =	swait.ge [sflag:s15], $0x4000  }
0x30: {  	[sflag:s15] =	ssyncset.done $0x0  }
0x31: {  	[sflag:s15] =	ssyncadd.s32 $0xFFFFC000  }
0x32: {  	[spmem:s14] =	stream.linear.scatter [tilespmem:s17], [sflag:$0x2], $0x4000, $0x38;
	[tilespmem:$0x1F000] =	vst v63  }
0x33: {  	_ =	swait.ge [sflag:s15], $0x4000  }
0x34: {  	[sflag:s15] =	ssyncset.done $0x0  }
0x35: {  	[sflag:s15] =	ssyncadd.s32 $0xFFFFC000  }
0x36: {  	s22 =	simm.s32 $0x0;
	[bflag:$0x0] =	sbarrier.arrive $0xFFFF  }
0x37: {  	[tilespmem:s17], [sflag:$0x1] =	stream.indirect.gather [hbm4b:s1+s18], $0x80, s22, s18, $0xb8;
	[tilespmem:$0x1F000] =	vst v63  }
0x38: {  	p0 =	sne.s32 s5, $0x1;
	_ =	swait.ge [sflag:s19], $0x4000  }
.Ltmp1:
0x39: {  	[sflag:s19] =	ssyncset.done $0x0;
	(pc) =	sbr.rel @!p0 .LBB2_5-.Ltmp1, $4  }
0x3a: {  	s23 =	simm.s32 $0x3800;
	[sflag:s19] =	ssyncadd.s32 $0xFFFFC000  }
0x3b: {  	[spmem:s3] =	stream.indirect.scatter.add.f32 [tilespmem:s17], [sflag:$0x2], $0x80, s23, s18, $0xb8;
	[tilespmem:$0x1F000] =	vst v63  }
0x3c: {  	_ =	swait.ge [sflag:s15], $0x4000  }
0x3d: {  	s24 =	sadd.s32 $0xFFFFFFFF, s5;
	[sflag:s15] =	ssyncset.done $0x0  }
.LBB2_4:
0x3e: {  	[sflag:s15] =	ssyncadd.s32 $0xFFFFC000;
	s22 =	sadd.s32 $0x80, s22;
	s23 =	sadd.s32 $0x80, s23  }
0x3f: {  	[tilespmem:s17], [sflag:$0x1] =	stream.indirect.gather [hbm4b:s1+s18], $0x80, s22, s18, $0xb8;
	[tilespmem:$0x1F000] =	vst v63  }
0x40: {  	p0 =	sne.s32 s24, $0x1;
	s24 =	sadd.s32 $0xFFFFFFFF, s24;
	_ =	swait.ge [sflag:s19], $0x4000  }
.Ltmp2:
0x41: {  	[sflag:s19] =	ssyncset.done $0x0;
	(pc) =	sbr.rel @p0 .LBB2_4-.Ltmp2, $4  }
0x42: {  	[sflag:s19] =	ssyncadd.s32 $0xFFFFC000  }
0x43: {  	[spmem:s3] =	stream.indirect.scatter.add.f32 [tilespmem:s17], [sflag:$0x2], $0x80, s23, s18, $0xb8;
	[tilespmem:$0x1F000] =	vst v63  }
0x44: {  	_ =	swait.ge [sflag:s15], $0x4000  }
0x45: {  	[sflag:s15] =	ssyncset.done $0x0  }
.LBB2_5:
0x46: {  	s21 =	sadd.s32 $0x1, s21  }
0x47: {  	[sflag:s15] =	ssyncadd.s32 $0xFFFFC000;
	p0 =	sne.s32 s21, s10  }
.Ltmp3:
0x48: {  	s22 =	sshrl.u32 s8, $0x3;
	[bflag:$0x0] =	sbarrier.arrive $0xFFFF;
	(pc) =	sbr.rel @p0 .LBB2_1-.Ltmp3, $4  }
0x49: {  	[hbm:s9], [sflag:s20] =	dma.local [spmem:s22], $0x2800  }
0x4a: {  	_ =	swait.ge [sflag:s15], $0x2800  }
0x4b: {  	[sflag:s15] =	ssyncset.done $0x0  }
0x4c: {  	[sflag:s15] =	ssyncadd.s32 $0xFFFFD800  }
0x4d: {  	_ =	sfence.sel $0x180000  }
0x4e: {  	[bflag:$0x0] =	sbarrier.arrive $0xFFFF  }
0x4f: {  	p0 =	sne.s32 s0, $0x0;
	_ =	strace $0x9000004D  }
0x50: {  	s0 =	sadd.s32 @!p0 $0x100000, s2;
	[bflag:$0x2] =	sbarrier.arrive $0xFFFF  }
0x51: {  	[sflag:s0] =	ssyncadd.tile.s32 @!p0 $0x1;
	_ =	shalt  }
.Lfunc_end2:
_tile_overlayer_lowered:
.L_overlay_start_2:
0x52: {  	(tag) =	ssettag $0x2  }
0x53: {  	s0 =	rddreg [dreg:$0x0];
	s2 =	stileid.u32  }
0x54: {  	s1 =	rddreg [dreg:$0x1];
	p0 =	sne.s32 s2, $0x0  }
0x55: {  	s3 =	rddreg [dreg:$0x2];
	[bflag:$0x3] =	sbarrier.arrive $0xFFFF;
	s2 =	simm.s32 @!p0 $0x1C02  }
0x56: {  	[timem:s3], [sflag:s2] =	dma.local @!p0 [hbm:s0], s1  }
0x57: {  	s0 =	simm.s32 @!p0 $0x2  }
0x58: {  	_ =	swait.ge @!p0 [sflag:s0], s1  }
0x59: {  	s1 =	ssub.s32 @!p0 $0x0, s1;
	[sflag:s0] =	ssyncset.done @!p0 $0x0  }
0x5a: {  	[sflag:s0] =	ssyncadd.s32 @!p0 s1  }
0x5b: {  	[bflag:$0x3] =	sbarrier.arrive $0xFFFF  }
0x5c: {  	_ =	shalt  }

// kernel: kernel.20.cloned.1.call-start
scs
__scs_entry_jumppad:
0x0: {  	(pc) =	sbr.rel $0x88, $3  }
0x1: {  	(tag) =	ssettag $0x0;
	lr =	simm.s32 $0x1  }
0x2: {  	[smem:$0x3F94] =	sst lr;
	_ =	strace $0xD0000000  }
0x3: {  	_ = 	snop  }
0x4: {  	_ = 	snop  }
0x5: {  	_ = 	snop  }
0x6: {  	_ = 	snop  }
0x7: {  	_ = 	snop  }
__scs_overlays_trampoline_lowered:
0x8: {  	[smem:$0x3FA3] =	sst s0  }
0x9: {  	[smem:$0x3FA4] =	sst s1  }
0xa: {  	[smem:$0x3FA5] =	sst s2  }
0xb: {  	[smem:$0x3FA6] =	sst s3  }
0xc: {  	[smem:$0x3FA7] =	sst s4  }
0xd: {  	[smem:$0x3FA8] =	sst s5  }
0xe: {  	[smem:$0x3FA9] =	sst s6  }
0xf: {  	[smem:$0x3FAA] =	sst s7  }
0x10: {  	[smem:$0x3FAB] =	sst s8  }
0x11: {  	[smem:$0x3FAC] =	sst s9;
	s0 =	simm.s32 @!p0 $0x0  }
0x12: {  	s1 =	sld [smem:$0x3F92];
	s0 =	simm.s32 @p0 $0x1  }
0x13: {  	[smem:$0x3FAD] =	sst s0;
	s0 =	simm.s32 @!p1 $0x0  }
0x14: {  	s2 =	sld [smem:$0x3F91];
	s0 =	simm.s32 @p1 $0x1  }
0x15: {  	[smem:$0x3FAE] =	sst s0;
	s0 =	simm.s32 @!p2 $0x0  }
0x16: {  	s3 =	sld [smem:$0x3FDB];
	s0 =	simm.s32 @p2 $0x1  }
0x17: {  	s4 =	simm.s32 $0x1BF5;
	[smem:$0x3FB0] =	sst s0  }
0x18: {  	s0 =	sld [smem:$0x3F93];
	_ =	swait.ge [sflag:s4], $0x0  }
0x19: {  	s7 =	sld [smem:$0x3F94]  }
0x1a: {  	s8 =	sadd.s32 $0xFFFFE003, lr  }
0x1b: {  	s9 =	sadd.s32 $0xFFFFFEF7, lr;
	s5 =	simm.s32 $0xFFFFFFFF;
	p2 =	slt.u32 s8, $0xFFFFF086  }
0x1c: {  	p1 =	slt.u32 s9, $0xF7A;
	s5 =	simm.s32 @!p2 $0x0  }
0x1d: {  	s5 =	simm.s32 @p1 $0x1;
	p0 =	seq.s32 s7, s2  }
0x1e: {  	s7 =	smul.u32 @!p0 $0xF7A, s2;
	p2 =	seq.s32 @!p0 s5, $0x0  }
0x1f: {  	s9 =	smul.u32 $0xF7A, s1;
	s8 =	simm.s32 @!p0 $0x1BF5;
	p2 =	por !p2, p0  }
0x20: {  	[sflag:s8] =	ssyncset.s32 @!p0 $0xFFFFF086;
	s6 =	sadd.s32 @!p0 s3, s7;
	s7 =	simm.s32 @!p0 $0x108  }
0x21: {  	s3 =	sadd.s32 s3, s9;
	s6 =	sadd.s32 @!p0 $0x88, s6;
	s7 =	simm.s32 @p2 $0x1082  }
0x22: {  	[simem:s7], [sflag:s8] =	dma.local @!p0 [hbm:s6], $0xF7A  }
0x23: {  	s9 =	sor.u32 $0xD0000000, s2;
	s6 =	simm.s32 $0x108;
	_ =	swait.ge @!p0 [sflag:s8], $0x0  }
0x24: {  	s3 =	sadd.s32 $0x88, s3;
	s6 =	simm.s32 @!p1 $0x1082;
	[sflag:s4] =	ssyncset.s32 $0xFFFFF086  }
0x25: {  	[simem:s6], [sflag:s4] =	dma.local [hbm:s3], $0xF7A  }
0x26: {  	[smem:$0x3F94] =	sst s1;
	(tag) =	ssettag s2;
	_ =	strace s9  }
0x27: {  	s1 =	sld [smem:$0x3FA4]  }
0x28: {  	s2 =	sld [smem:$0x3FA5]  }
0x29: {  	s4 =	sld [smem:$0x3FA7]  }
0x2a: {  	p0 =	seq.s32 s5, $0x0;
	s5 =	sld [smem:$0x3FA8]  }
0x2b: {  	s6 =	sld [smem:$0x3FA9]  }
0x2c: {  	s7 =	sld [smem:$0x3FAA]  }
0x2d: {  	s3 =	simm.s32 $0x108;
	s8 =	sld [smem:$0x3FAB]  }
0x2e: {  	s3 =	simm.s32 @!p0 $0x1082;
	s9 =	sld [smem:$0x3FAC]  }
0x2f: {  	lr =	sadd.s32 s0, s3;
	s0 =	sld [smem:$0x3FA3]  }
0x30: {  	s3 =	sld [smem:$0x3FA6]  }
0x31: {  	[smem:$0x3FAF] =	sst s10  }
0x32: {  	s10 =	sld [smem:$0x3FAD];
	_ =	sdelay $0x3  }
0x33: {  	p0 =	seq.s32 s10, $0x1;
	s10 =	sld [smem:$0x3FAF];
	_ =	sdelay $0x3  }
0x34: {  	[smem:$0x3FAF] =	sst s10  }
0x35: {  	s10 =	sld [smem:$0x3FAE];
	_ =	sdelay $0x3  }
0x36: {  	p1 =	seq.s32 s10, $0x1;
	s10 =	sld [smem:$0x3FAF];
	_ =	sdelay $0x3  }
0x37: {  	[smem:$0x3FAF] =	sst s10  }
0x38: {  	s10 =	sld [smem:$0x3FB0]  }
0x39: {  	_ = 	snop;
	(pc) =	sbr.ind lr, $3  }
0x3a: {  	_ = 	snop  }
0x3b: {  	_ = 	snop  }
0x3c: {  	p2 =	seq.s32 s10, $0x1;
	s10 =	sld [smem:$0x3FAF]  }
0x3d: {  	_ =	shalt  }
0x3e: {  	_ =	shalt  }
0x3f: {  	_ =	shalt  }
0x40: {  	_ =	shalt  }
0x41: {  	_ =	shalt  }
0x42: {  	_ =	shalt  }
0x43: {  	_ =	shalt  }
0x44: {  	_ =	shalt  }
0x45: {  	_ =	shalt  }
0x46: {  	_ =	shalt  }
0x47: {  	_ =	shalt  }
0x48: {  	_ =	shalt  }
0x49: {  	_ =	shalt  }
0x4a: {  	_ =	shalt  }
0x4b: {  	_ =	shalt  }
0x4c: {  	_ =	shalt  }
0x4d: {  	_ =	shalt  }
0x4e: {  	_ =	shalt  }
0x4f: {  	_ =	shalt  }
0x50: {  	_ =	shalt  }
0x51: {  	_ =	shalt  }
0x52: {  	_ =	shalt  }
0x53: {  	_ =	shalt  }
0x54: {  	_ =	shalt  }
0x55: {  	_ =	shalt  }
0x56: {  	_ =	shalt  }
0x57: {  	_ =	shalt  }
0x58: {  	_ =	shalt  }
0x59: {  	_ =	shalt  }
0x5a: {  	_ =	shalt  }
0x5b: {  	_ =	shalt  }
0x5c: {  	_ =	shalt  }
0x5d: {  	_ =	shalt  }
0x5e: {  	_ =	shalt  }
0x5f: {  	_ =	shalt  }
0x60: {  	_ =	shalt  }
0x61: {  	_ =	shalt  }
0x62: {  	_ =	shalt  }
0x63: {  	_ =	shalt  }
0x64: {  	_ =	shalt  }
0x65: {  	_ =	shalt  }
0x66: {  	_ =	shalt  }
0x67: {  	_ =	shalt  }
0x68: {  	_ =	shalt  }
0x69: {  	_ =	shalt  }
0x6a: {  	_ =	shalt  }
0x6b: {  	_ =	shalt  }
0x6c: {  	_ =	shalt  }
0x6d: {  	_ =	shalt  }
0x6e: {  	_ =	shalt  }
0x6f: {  	_ =	shalt  }
0x70: {  	_ =	shalt  }
0x71: {  	_ =	shalt  }
0x72: {  	_ =	shalt  }
0x73: {  	_ =	shalt  }
0x74: {  	_ =	shalt  }
0x75: {  	_ =	shalt  }
0x76: {  	_ =	shalt  }
0x77: {  	_ =	shalt  }
0x78: {  	_ =	shalt  }
0x79: {  	_ =	shalt  }
0x7a: {  	_ =	shalt  }
0x7b: {  	_ =	shalt  }
0x7c: {  	_ =	shalt  }
0x7d: {  	_ =	shalt  }
0x7e: {  	_ =	shalt  }
0x7f: {  	_ =	shalt  }
0x80: {  	_ =	shalt  }
0x81: {  	_ =	shalt  }
0x82: {  	_ =	shalt  }
0x83: {  	_ =	shalt  }
0x84: {  	_ =	shalt  }
0x85: {  	_ =	shalt  }
0x86: {  	_ =	shalt  }
0x87: {  	_ =	shalt  }
.Lfunc_end0:
.L_simem_size_0:
called_computation.3_lowered:
.L_overlay_start_0:
0x88: {  	s2 =	sld [smem:$0x3FD9]  }
0x89: {  	s3 =	sld [smem:$0x3FFE];
	_ =	sdelay $0x1  }
0x8a: {  	s1 =	srdreg.scid  }
0x8b: {  	s0 =	sand.u32 $0x1, s1  }
0x8c: {  	s17 =	sshll.u32 s0, $0xA;
	s2 =	sadd.s32 s3, s2  }
0x8d: {  	s2 =	sadd.s32 s2, s17  }
0x8e: {  	[smem:$0x3FBB] =	sst s2  }
0x8f: {  	_ = 	snop  }
0x90: {  	s2 =	sld [smem:$0x3FD0];
	(tm) =	ssettm $0x1  }
0x91: {  	s18 =	sld [smem:$0x3FFB];
	_ =	sdelay $0x3  }
0x92: {  	_ =	strace s18  }
0x93: {  	s3 =	sld [smem:$0x3FFC];
	_ =	sdelay $0x3  }
0x94: {  	_ =	strace s3  }
0x95: {  	s3 =	sld [smem:$0x3FFD];
	_ =	sdelay $0x3  }
0x96: {  	_ =	strace s3  }
0x97: {  	_ =	strace $0x8FFFFFFF  }
0x98: {  	s19 =	sld [smem:$0x3FDB];
	_ =	sdelay $0x1  }
0x99: {  	s4 =	simm.s32 $_scs_section_size  }
0x9a: {  	s5 =	simm.s32 $_size__tile_overlayer_lowered;
	s6 =	simm.s32 $_tile_overlayer_lowered  }
0x9b: {  	s22 =	simm.s32 $0x1BFF;
	s21 =	sshll.u32 s6, $0x1;
	s3 =	sadd.s32 s4, s19  }
0x9c: {  	s7 =	simm.s32 $0x0;
	s20 =	sshll.u32 s5, $0x1;
	s5 =	sadd.s32 s21, s3  }
0x9d: {  	[timem:s7], [sflag:s22] =	dma.local [hbm:s5], s20  }
0x9e: {  	_ =	swait.ge [sflag:s22], s20  }
0x9f: {  	s4 =	ssub.s32 $0x0, s20;
	[sflag:s22] =	ssyncset.done $0x0  }
0xa0: {  	[sflag:s22] =	ssyncadd.s32 s4;
	_ =	sdelay $0x1  }
0xa1: {  	s23 =	simm.s32 $0x1B8B  }
0xa2: {  	_ =	swait.ge [sflag:s23], $0x1  }
0xa3: {  	[sflag:s23] =	ssyncset.done $0x0  }
0xa4: {  	s25 =	simm.s32 $0x1B8E;
	s24 =	sld [smem:$0x3FFE];
	[sflag:s23] =	ssyncadd.s32 $0xFFFFFFFF  }
0xa5: {  	s26 =	simm.s32 $execute0_lowered;
	[smem:$0x3FD2] =	sst s25  }
0xa6: {  	s5 =	sshll.u32 s26, $0x1;
	_ =	strace $0x8000004F;
	[dreg:$0x1] =	wrdreg $0xFFFFFFFF  }
0xa7: {  	s28 =	simm.s32 $_size_execute0_lowered;
	s3 =	sadd.s32 s3, s5;
	[dreg:$0x0] =	wrdreg $0x0  }
0xa8: {  	s5 =	sshll.u32 s28, $0x1;
	[dreg:$0x2] =	wrdreg s3  }
0xa9: {  	[dreg:$0x3] =	wrdreg s5  }
0xaa: {  	[dreg:$0x4] =	wrdreg $0xC0  }
0xab: {  	_ =	task [dreg:s7], $0x5FFFF  }
0xac: {  	[dreg:$0x1] =	wrdreg $0xFFFFFFFF  }
0xad: {  	[dreg:$0x0] =	wrdreg $0x60  }
0xae: {  	[dreg:$0x2] =	wrdreg s2  }
0xaf: {  	[dreg:$0x3] =	wrdreg s24  }
0xb0: {  	[dreg:$0x4] =	wrdreg $0xB0000  }
0xb1: {  	[dreg:$0x5] =	wrdreg $0x9  }
0xb2: {  	_ =	task.clear_ibuf [dreg:s7], $0x6FFFF;
	_ =	strace $0x9000004F  }
0xb3: {  	s29 =	simm.s32 $0x9;
	_ =	strace $0x80000051  }
0xb4: {  	_ =	swait.ge [sflag:s29], $0x1  }
0xb5: {  	[sflag:s29] =	ssyncadd.s32 $0xFFFFFFFF  }
0xb6: {  	_ =	strace $0x90000051  }
0xb7: {  	_ =	sfence  }
0xb8: {  	s30 =	sld [smem:$0x0];
	_ =	sdelay $0x2  }
0xb9: {  	s31 =	sshll.u32 s1, $0xD;
	s1 =	sshrl.u32 s1, $0x2  }
0xba: {  	s3 =	sand.u32 $0x4000, s31;
	s1 =	sadd.s32 s1, s30  }
0xbb: {  	s0 =	sor.u32 s3, s0;
	s1 =	sshll.u32 s1, $0x11  }
0xbc: {  	s0 =	sor.u32 s1, s0  }
0xbd: {  	s0 =	sadd.s32 $0x8F2B, s0  }
0xbe: {  	[sflag:s0] =	ssyncadd.remote.s32 $0x1  }
0xbf: {  	_ =	sfence.sel $0xFFFF  }
0xc0: {  	[dreg:$0x0] =	wrdreg $0xFFFFFFFF;
	(pc) =	sbr.abs _section_cstart, $3  }
0xc1: {  	[dreg:$0x1] =	wrdreg $0xFFFFFFFF  }
0xc2: {  	_ =	task.clear_ibuf [dreg:s7], $0x2FFFF;
	_ =	strace $0x9FFFFFFF  }
0xc3: {  	(tm) =	ssettm $0x7FFFFFFF  }
tec
execute0_lowered:
.L_overlay_start_1:
0x0: {  	(tag) =	ssettag $0x1  }
0x1: {  	s1 =	rddreg [dreg:$0x0]  }
0x2: {  	s6 =	rddreg [dreg:$0x1]  }
0x3: {  	s3 =	rddreg [dreg:$0x2]  }
0x4: {  	s0 =	srdreg.scid;
	s2 =	rddreg [dreg:$0x3];
	s4 =	simm.s32 $0x0  }
0x5: {  	s15 =	simm.s32 $0x2;
	s16 =	simm.s32 $0x3800;
	s5 =	sand.u32 $0x1, s0  }
0x6: {  	s17 =	simm.s32 $0x7000;
	s0 =	stileid.u32;
	s7 =	smul.u32 $0x38000, s5  }
0x7: {  	s18 =	simm.s32 $0x80;
	s19 =	simm.s32 $0x1;
	s8 =	smul.u32 $0x3800, s0  }
0x8: {  	s21 =	simm.s32 $0x0;
	[smem:$0x7FF] =	sst s4;
	s9 =	smul.u32 $0x140000, s5  }
0x9: {  	s10 =	smul.u32 $0x14000, s0;
	_ =	strace $0x80000050;
	s29 =	ssub.s32 $0x2, s5  }
0xa: {  	p0 =	seq.s32 s5, $0x0;
	s5 =	simm.s32 $0x70;
	s11 =	smul.u32 $0x50000, s0  }
0xb: {  	s20 =	sshll.u32 s0, $0x6;
	s30 =	sshrl.u32 s29, $0x1;
	s5 =	simm.s32 @!p0 $0x2E  }
0xc: {  	s20 =	sor.u32 $0x1C02, s20;
	s7 =	sadd.s32 s8, s7;
	s28 =	sadd.s32 s10, s9  }
0xd: {  	s10 =	ssub.s32 s29, s30;
	s31 =	sshrl.u32 s11, $0x2;
	s7 =	sshrl.u32 s7, $0x3  }
0xe: {  	s8 =	sshrl.u32 s28, $0x3;
	s10 =	smax.u32 s10, $0x1;
	s7 =	sadd.s32 s7, s6  }
0xf: {  	s12 =	sadd.s32 s8, s6;
	s8 =	sadd.s32 s31, s3;
	s6 =	sadd.s32 $0x12000, s7  }
0x10: {  	s7 =	sadd.s32 $0x4000, s7;
	s9 =	sadd.s32 $0x20000, s12;
	s11 =	sadd.s32 $0x4000, s8  }
0x11: {  	v0 =	vimm.f32 $0.0e+00;
	s12 =	sadd.s32 $0x8000, s8;
	s13 =	sadd.s32 $0xC000, s8;
	s14 =	sadd.s32 $0x10000, s8  }
.LBB2_1:
0x12: {  	[tilespmem:s4], [sflag:$0x2] =	stream.linear.gather [hbm4b:s6+s4], $0x3800, $0x38;
	[tilespmem:$0x1F000] =	vst v63  }
0x13: {  	_ =	swait.ge [sflag:s15], $0x3800  }
0x14: {  	[sflag:s15] =	ssyncset.done $0x0  }
0x15: {  	[sflag:s15] =	ssyncadd.s32 $0xFFFFC800  }
0x16: {  	[tilespmem:s16], [sflag:$0x2] =	stream.linear.gather [hbm4b:s7+s4], $0x3800, $0x38;
	[tilespmem:$0x1F000] =	vst v63  }
0x17: {  	s22 =	sand.u32 $0xFE00, s4;
	s23 =	sand.u32 $0x70, s4;
	_ =	swait.ge [sflag:s15], $0x3800  }
0x18: {  	s24 =	sshrl.u32 s22, $0x2;
	s22 =	simm.s32 $0x40;
	[sflag:s15] =	ssyncset.done $0x0  }
0x19: {  	s24 =	sor.u32 s23, s24;
	s23 =	simm.s32 $0x0;
	[sflag:s15] =	ssyncadd.s32 $0xFFFFC800  }
.LBB2_2:
0x1a: {  	p0 =	sne.s32 s22, $0xFFC0  }
0x1b: {  	[tilespmem:s24+$0x7000] =	vst v0;
	s23 =	sadd.s32 $0x10, s23;
	s24 =	smov.u32 s22;
	s22 =	sadd.s32 $0x40, s22  }
.Ltmp0:
0x1c: {  	(pc) =	sbr.rel @p0 .LBB2_2-.Ltmp0, $4  }
0x1d: {  	_ = 	snop  }
0x1e: {  	s24 =	sand.u32 $0xFE00, s24  }
0x1f: {  	s25 =	sand.u32 $0x70, s23;
	s24 =	sshrl.u32 s24, $0x2  }
0x20: {  	s24 =	sor.u32 s25, s24  }
0x21: {  	[tilespmem:s24+$0x7000] =	vst v0  }
0x22: {  	[spmem:s8] =	stream.linear.scatter [tilespmem:s17], [sflag:$0x2], $0x4000, $0x38;
	[tilespmem:$0x1F000] =	vst v63  }
0x23: {  	_ =	swait.ge [sflag:s15], $0x4000  }
0x24: {  	[sflag:s15] =	ssyncset.done $0x0  }
0x25: {  	[sflag:s15] =	ssyncadd.s32 $0xFFFFC000  }
0x26: {  	[spmem:s11] =	stream.linear.scatter [tilespmem:s17], [sflag:$0x2], $0x4000, $0x38;
	[tilespmem:$0x1F000] =	vst v63  }
0x27: {  	_ =	swait.ge [sflag:s15], $0x4000  }
0x28: {  	[sflag:s15] =	ssyncset.done $0x0  }
0x29: {  	[sflag:s15] =	ssyncadd.s32 $0xFFFFC000  }
0x2a: {  	[spmem:s12] =	stream.linear.scatter [tilespmem:s17], [sflag:$0x2], $0x4000, $0x38;
	[tilespmem:$0x1F000] =	vst v63  }
0x2b: {  	_ =	swait.ge [sflag:s15], $0x4000  }
0x2c: {  	[sflag:s15] =	ssyncset.done $0x0  }
0x2d: {  	[sflag:s15] =	ssyncadd.s32 $0xFFFFC000  }
0x2e: {  	[spmem:s13] =	stream.linear.scatter [tilespmem:s17], [sflag:$0x2], $0x4000, $0x38;
	[tilespmem:$0x1F000] =	vst v63  }
0x2f: {  	_ =	swait.ge [sflag:s15], $0x4000  }
0x30: {  	[sflag:s15] =	ssyncset.done $0x0  }
0x31: {  	[sflag:s15] =	ssyncadd.s32 $0xFFFFC000  }
0x32: {  	[spmem:s14] =	stream.linear.scatter [tilespmem:s17], [sflag:$0x2], $0x4000, $0x38;
	[tilespmem:$0x1F000] =	vst v63  }
0x33: {  	_ =	swait.ge [sflag:s15], $0x4000  }
0x34: {  	[sflag:s15] =	ssyncset.done $0x0  }
0x35: {  	[sflag:s15] =	ssyncadd.s32 $0xFFFFC000  }
0x36: {  	s22 =	simm.s32 $0x0;
	[bflag:$0x0] =	sbarrier.arrive $0xFFFF  }
0x37: {  	[tilespmem:s17], [sflag:$0x1] =	stream.indirect.gather [hbm4b:s1+s18], $0x80, s22, s18, $0xb8;
	[tilespmem:$0x1F000] =	vst v63  }
0x38: {  	p0 =	sne.s32 s5, $0x1;
	_ =	swait.ge [sflag:s19], $0x4000  }
.Ltmp1:
0x39: {  	[sflag:s19] =	ssyncset.done $0x0;
	(pc) =	sbr.rel @!p0 .LBB2_5-.Ltmp1, $4  }
0x3a: {  	s23 =	simm.s32 $0x3800;
	[sflag:s19] =	ssyncadd.s32 $0xFFFFC000  }
0x3b: {  	[spmem:s3] =	stream.indirect.scatter.add.f32 [tilespmem:s17], [sflag:$0x2], $0x80, s23, s18, $0xb8;
	[tilespmem:$0x1F000] =	vst v63  }
0x3c: {  	_ =	swait.ge [sflag:s15], $0x4000  }
0x3d: {  	s24 =	sadd.s32 $0xFFFFFFFF, s5;
	[sflag:s15] =	ssyncset.done $0x0  }
.LBB2_4:
0x3e: {  	[sflag:s15] =	ssyncadd.s32 $0xFFFFC000;
	s22 =	sadd.s32 $0x80, s22;
	s23 =	sadd.s32 $0x80, s23  }
0x3f: {  	[tilespmem:s17], [sflag:$0x1] =	stream.indirect.gather [hbm4b:s1+s18], $0x80, s22, s18, $0xb8;
	[tilespmem:$0x1F000] =	vst v63  }
0x40: {  	p0 =	sne.s32 s24, $0x1;
	s24 =	sadd.s32 $0xFFFFFFFF, s24;
	_ =	swait.ge [sflag:s19], $0x4000  }
.Ltmp2:
0x41: {  	[sflag:s19] =	ssyncset.done $0x0;
	(pc) =	sbr.rel @p0 .LBB2_4-.Ltmp2, $4  }
0x42: {  	[sflag:s19] =	ssyncadd.s32 $0xFFFFC000  }
0x43: {  	[spmem:s3] =	stream.indirect.scatter.add.f32 [tilespmem:s17], [sflag:$0x2], $0x80, s23, s18, $0xb8;
	[tilespmem:$0x1F000] =	vst v63  }
0x44: {  	_ =	swait.ge [sflag:s15], $0x4000  }
0x45: {  	[sflag:s15] =	ssyncset.done $0x0  }
.LBB2_5:
0x46: {  	s21 =	sadd.s32 $0x1, s21  }
0x47: {  	[sflag:s15] =	ssyncadd.s32 $0xFFFFC000;
	p0 =	sne.s32 s21, s10  }
.Ltmp3:
0x48: {  	s22 =	sshrl.u32 s8, $0x3;
	[bflag:$0x0] =	sbarrier.arrive $0xFFFF;
	(pc) =	sbr.rel @p0 .LBB2_1-.Ltmp3, $4  }
0x49: {  	[hbm:s9], [sflag:s20] =	dma.local [spmem:s22], $0x2800  }
0x4a: {  	_ =	swait.ge [sflag:s15], $0x2800  }
0x4b: {  	[sflag:s15] =	ssyncset.done $0x0  }
0x4c: {  	[sflag:s15] =	ssyncadd.s32 $0xFFFFD800  }
0x4d: {  	_ =	sfence.sel $0x180000  }
0x4e: {  	[bflag:$0x0] =	sbarrier.arrive $0xFFFF  }
0x4f: {  	p0 =	sne.s32 s0, $0x0;
	_ =	strace $0x90000050  }
0x50: {  	s0 =	sadd.s32 @!p0 $0x100000, s2;
	[bflag:$0x2] =	sbarrier.arrive $0xFFFF  }
0x51: {  	[sflag:s0] =	ssyncadd.tile.s32 @!p0 $0x1;
	_ =	shalt  }
.Lfunc_end2:
_tile_overlayer_lowered:
.L_overlay_start_2:
0x52: {  	(tag) =	ssettag $0x2  }
0x53: {  	s0 =	rddreg [dreg:$0x0];
	s2 =	stileid.u32  }
0x54: {  	s1 =	rddreg [dreg:$0x1];
	p0 =	sne.s32 s2, $0x0  }
0x55: {  	s3 =	rddreg [dreg:$0x2];
	[bflag:$0x3] =	sbarrier.arrive $0xFFFF;
	s2 =	simm.s32 @!p0 $0x1C02  }
0x56: {  	[timem:s3], [sflag:s2] =	dma.local @!p0 [hbm:s0], s1  }
0x57: {  	s0 =	simm.s32 @!p0 $0x2  }
0x58: {  	_ =	swait.ge @!p0 [sflag:s0], s1  }
0x59: {  	s1 =	ssub.s32 @!p0 $0x0, s1;
	[sflag:s0] =	ssyncset.done @!p0 $0x0  }
0x5a: {  	[sflag:s0] =	ssyncadd.s32 @!p0 s1  }
0x5b: {  	[bflag:$0x3] =	sbarrier.arrive $0xFFFF  }
0x5c: {  	_ =	shalt  }

</sc_bundles>
